<compile_context>
chip_gen: v7x
topology: tpu7x:2x2x1
jax: 0.10.2.dev20260603
libtpu: 0.0.44.dev20260713+nightly
codegen_flags: <defaults>
</compile_context>

<pallas_src>
import functools

import jax
import jax.numpy as jnp
from jax import lax
from jax.experimental import pallas as pl
from jax.experimental.pallas import tpu as pltpu
from jax.experimental.pallas import tpu_sc as plsc

H = 128
G = 16
ROW_BLK = 512
K = 128
NC = 2
NS = 16
NW = NC * NS


def _cdiv(a, b):
    return (a + b - 1) // b


def _make_gather(n_tbl, npad):
    rows_w = npad // NW
    ck = next(d for d in range(min(K, rows_w), 0, -8)
              if rows_w % d == 0)
    n_ch = rows_w // ck

    def body(tbl, ids, out, idx_v, rows_v, sem):
        c = lax.axis_index("c")
        s = lax.axis_index("s")
        base = (c * NS + s) * rows_w
        for i in range(n_ch):
            off = base + i * ck
            pltpu.sync_copy(ids.at[pl.ds(off, ck)], idx_v)
            pltpu.async_copy(tbl.at[idx_v], rows_v, sem).wait()
            pltpu.sync_copy(rows_v, out.at[pl.ds(off, ck)])

    return pl.kernel(
        body,
        mesh=plsc.VectorSubcoreMesh(core_axis_name="c", subcore_axis_name="s"),
        out_type=jax.ShapeDtypeStruct((npad, H), jnp.float32),
        scratch_types=[
            pltpu.VMEM((ck,), jnp.int32),
            pltpu.VMEM((ck, H), jnp.float32),
            pltpu.SemaphoreType.DMA,
        ],
    )


def _make_scatter(n, npad, epad):
    per_w = epad // NW
    n_ch = per_w // K
    nr = _cdiv(n + 1, NS * 8) * NS * 8
    rows_t = nr // NS
    zchunks = [(i * K, K) for i in range(rows_t // K)]
    if rows_t % K:
        zchunks.append((rows_t - rows_t % K, rows_t % K))

    assert n_ch % 2 == 0
    n_pair = n_ch // 2

    def body(hm_tbl, rm_tbl, eidx, agg_out,
             idx3a, idx3b, buf_a, buf_b, sem_a, sem_b, sem_sa, sem_sb, agg):
        c = lax.axis_index("c")
        s = lax.axis_index("s")
        zeros16 = jnp.zeros((16,), jnp.float32)

        def zrow(i, carry):
            for j in range(H // 16):
                buf_a[i, pl.ds(j * 16, 16)] = zeros16
            return carry
        lax.fori_loop(0, K, zrow, 0)

        for zoff, zlen in zchunks:
            r0 = s * rows_t + zoff
            pltpu.sync_copy(buf_a.at[pl.ds(0, zlen)], agg.at[pl.ds(r0, zlen)])
        plsc.subcore_barrier()

        cbase = (c * NS + s) * n_ch

        def run(idx3, nxt, i):
            cp_a = pltpu.async_copy(hm_tbl.at[idx3.at[0]], buf_a, sem_a)
            cp_b = pltpu.async_copy(rm_tbl.at[idx3.at[1]], buf_b, sem_b)
            pltpu.sync_copy(eidx.at[i + 1], nxt)
            cp_a.wait()
            sc_a = pltpu.async_copy(buf_a, agg.at[idx3.at[2]], sem_sa,
                                    add=True)
            cp_b.wait()
            sc_b = pltpu.async_copy(buf_b, agg.at[idx3.at[2]], sem_sb,
                                    add=True)
            sc_a.wait()
            sc_b.wait()

        pltpu.sync_copy(eidx.at[cbase], idx3a)

        def pair(j, carry):
            i = cbase + j * 2
            run(idx3a, idx3b, i)
            run(idx3b, idx3a, i + 1)
            return carry
        lax.fori_loop(0, n_pair, pair, 0)
        plsc.subcore_barrier()

        r0 = s * rows_t
        pltpu.sync_copy(agg.at[pl.ds(r0, rows_t)],
                        agg_out.at[c, pl.ds(r0, rows_t)])

    return pl.kernel(
        body,
        mesh=plsc.VectorSubcoreMesh(core_axis_name="c", subcore_axis_name="s"),
        out_type=jax.ShapeDtypeStruct((NC, npad, H), jnp.float32),
        scratch_types=[
            pltpu.VMEM((3, K), jnp.int32),
            pltpu.VMEM((3, K), jnp.int32),
            pltpu.VMEM((K, H), jnp.float32),
            pltpu.VMEM((K, H), jnp.float32),
            pltpu.SemaphoreType.DMA,
            pltpu.SemaphoreType.DMA,
            pltpu.SemaphoreType.DMA,
            pltpu.SemaphoreType.DMA,
            pltpu.VMEM_SHARED((nr, H), jnp.float32),
        ],
    )


def _make_degree(n, npad, epad):
    per_w = epad // NW
    n_ch = per_w // K
    nr = _cdiv(n + 1, NS * 8) * NS * 8
    rows_t = nr // NS
    zchunks = [(i * K, K) for i in range(rows_t // K)]
    if rows_t % K:
        zchunks.append((rows_t - rows_t % K, rows_t % K))

    def body(dstr, deg_out, idx_d0, idx_d1, ones_v, sem_s0, sem_s1, deg):
        c = lax.axis_index("c")
        s = lax.axis_index("s")
        zeros16 = jnp.zeros((16,), jnp.float32)
        ones16 = jnp.ones((16,), jnp.float32)

        def zrow(i, carry):
            for j in range(H // 16):
                ones_v[i, pl.ds(j * 16, 16)] = zeros16
            return carry
        lax.fori_loop(0, K, zrow, 0)
        for zoff, zlen in zchunks:
            r0 = s * rows_t + zoff
            pltpu.sync_copy(ones_v.at[pl.ds(0, zlen)], deg.at[pl.ds(r0, zlen)])

        def orow(i, carry):
            for j in range(H // 16):
                ones_v[i, pl.ds(j * 16, 16)] = ones16
            return carry
        lax.fori_loop(0, K, orow, 0)
        plsc.subcore_barrier()

        w = c * NS + s

        def chunk(i, carry):
            pltpu.sync_copy(dstr.at[w, i], idx_d0)
            pltpu.sync_copy(ones_v, deg.at[idx_d0], add=True)
            return carry
        lax.fori_loop(0, n_ch, chunk, 0)
        plsc.subcore_barrier()

        r0 = s * rows_t
        pltpu.sync_copy(deg.at[pl.ds(r0, rows_t)],
                        deg_out.at[c, pl.ds(r0, rows_t)])

    return pl.kernel(
        body,
        mesh=plsc.VectorSubcoreMesh(core_axis_name="c", subcore_axis_name="s"),
        out_type=jax.ShapeDtypeStruct((NC, npad, H), jnp.float32),
        scratch_types=[
            pltpu.VMEM((K,), jnp.int32),
            pltpu.VMEM((K,), jnp.int32),
            pltpu.VMEM((K, H), jnp.float32),
            pltpu.SemaphoreType.DMA,
            pltpu.SemaphoreType.DMA,
            pltpu.VMEM_SHARED((nr, H), jnp.float32),
        ],
    )


def _rm_body(rel_ref, wm_ref, o_ref):
    o_ref[...] = jnp.dot(rel_ref[...], wm_ref[...],
                         preferred_element_type=jnp.float32)


def _dense0_body(h_ref, wm_ref, ws_ref, hm_o, hs_o):
    h = h_ref[...]
    hm_o[...] = jnp.dot(h, wm_ref[...], preferred_element_type=jnp.float32)
    hs_o[...] = jnp.dot(h, ws_ref[...], preferred_element_type=jnp.float32)


def _layer_body(agg_ref, deg_ref, hs_ref, wm_ref, ws_ref, hm_o, hs_o):
    a = agg_ref[0] + agg_ref[1]
    dg = deg_ref[0][:, :1] + deg_ref[1][:, :1]
    h = jnp.maximum(a / jnp.maximum(dg, 1.0) + hs_ref[...], 0.0)
    hm_o[...] = jnp.dot(h, wm_ref[...], preferred_element_type=jnp.float32)
    hs_o[...] = jnp.dot(h, ws_ref[...], preferred_element_type=jnp.float32)


def _final_body(agg_ref, deg_ref, hs_ref, gid_ref, t_ref, m_ref,
                out_ref, acc_ref):
    i = pl.program_id(0)

    @pl.when(i == 0)
    def _init():
        acc_ref[...] = jnp.full((G, H), -jnp.inf, jnp.float32)

    a = agg_ref[0] + agg_ref[1]
    dg = deg_ref[0][:, :1] + deg_ref[1][:, :1]
    h = jnp.maximum(a / jnp.maximum(dg, 1.0) + hs_ref[...], 0.0)
    gid = gid_ref[...]
    for g in range(G):
        hm = jnp.where(gid == g, h, -jnp.inf)
        bm = jnp.max(hm, axis=0, keepdims=True)
        acc_ref[g:g + 1, :] = jnp.maximum(acc_ref[g:g + 1, :], bm)

    @pl.when(i == pl.num_programs(0) - 1)
    def _emit():
        t = t_ref[...]
        o = jnp.full(out_ref.shape, -jnp.inf, jnp.float32)
        for g in range(G):
            o = jnp.where(t == g, acc_ref[g:g + 1, :], o)
        out_ref[...] = o * m_ref[...]


def kernel(ent_embeds, rel_embeds, W_msg, W_self, seq_mask,
           node_ids, edge_index, edge_rel, graph_ids, time_idx):
    n = node_ids.shape[0]
    e = edge_index.shape[1]
    n_rel = rel_embeds.shape[0]
    bsz, seq_len = time_idx.shape
    bt = bsz * seq_len
    npad = _cdiv(n, ROW_BLK) * ROW_BLK
    assert npad % (NW * K) == 0 or npad % NW == 0
    epad = _cdiv(e, NW * K * 2) * (NW * K * 2)
    n_blk = npad // ROW_BLK

    pad_n = npad - n
    ids_p = jnp.concatenate(
        [node_ids.astype(jnp.int32), jnp.zeros((pad_n,), jnp.int32)])
    gid_p = jnp.concatenate(
        [graph_ids.astype(jnp.int32), jnp.full((pad_n,), G, jnp.int32)]
    ).reshape(npad, 1)
    pad_e = epad - e
    nr = _cdiv(n + 1, NS * 8) * NS * 8
    dummy_dst = n + jnp.arange(pad_e, dtype=jnp.int32) % (nr - n)
    src_p = jnp.concatenate(
        [edge_index[0].astype(jnp.int32), jnp.zeros((pad_e,), jnp.int32)])
    dst_p = jnp.concatenate(
        [edge_index[1].astype(jnp.int32), dummy_dst])
    rel_p = jnp.concatenate(
        [edge_rel.astype(jnp.int32), jnp.zeros((pad_e,), jnp.int32)])
    eidx = jnp.concatenate([
        jnp.stack([src_p.reshape(-1, K), rel_p.reshape(-1, K),
                   dst_p.reshape(-1, K)], axis=1),
        jnp.zeros((1, 3, K), jnp.int32)])
    n_ch_w = epad // (NW * K)
    dst_deg = jnp.concatenate([
        dst_p.reshape(NW, n_ch_w, K),
        (n + jnp.arange(NW * K, dtype=jnp.int32) % (nr - n)
         ).reshape(NW, 1, K)], axis=1)
    t_p = time_idx.astype(jnp.int32).reshape(bt, 1)
    m_p = seq_mask.astype(jnp.float32).reshape(bt, 1)

    h0 = _make_gather(n, npad)(ent_embeds, ids_p)

    rm = pl.pallas_call(
        _rm_body,
        out_shape=jax.ShapeDtypeStruct((n_rel, H), jnp.float32),
    )(rel_embeds, W_msg)

    wspec = pl.BlockSpec((H, H), lambda i: (0, 0))
    rowspec = pl.BlockSpec((ROW_BLK, H), lambda i: (i, 0))
    hm0, hs0 = pl.pallas_call(
        _dense0_body,
        grid=(n_blk,),
        in_specs=[rowspec, wspec, wspec],
        out_specs=[rowspec, rowspec],
        out_shape=[jax.ShapeDtypeStruct((npad, H), jnp.float32),
                   jax.ShapeDtypeStruct((npad, H), jnp.float32)],
    )(h0, W_msg, W_self)

    scatter = _make_scatter(n, npad, epad)
    deg = _make_degree(n, npad, epad)(dst_deg)
    aggspec = pl.BlockSpec((NC, ROW_BLK, H), lambda i: (0, i, 0))
    degspec = pl.BlockSpec((NC, ROW_BLK, H), lambda i: (0, i, 0))

    agg1 = scatter(hm0, rm, eidx)
    hm1, hs1 = pl.pallas_call(
        _layer_body,
        grid=(n_blk,),
        in_specs=[aggspec, degspec, rowspec, wspec, wspec],
        out_specs=[rowspec, rowspec],
        out_shape=[jax.ShapeDtypeStruct((npad, H), jnp.float32),
                   jax.ShapeDtypeStruct((npad, H), jnp.float32)],
    )(agg1, deg, hs0, W_msg, W_self)

    agg2 = scatter(hm1, rm, eidx)
    out = pl.pallas_call(
        _final_body,
        grid=(n_blk,),
        in_specs=[aggspec, degspec, rowspec,
                  pl.BlockSpec((ROW_BLK, 1), lambda i: (i, 0)),
                  pl.BlockSpec((bt, 1), lambda i: (0, 0)),
                  pl.BlockSpec((bt, 1), lambda i: (0, 0))],
        out_specs=pl.BlockSpec((bt, H), lambda i: (0, 0)),
        out_shape=jax.ShapeDtypeStruct((bt, H), jnp.float32),
        scratch_shapes=[pltpu.VMEM((G, H), jnp.float32)],
    )(agg2, deg, hs1, gid_p, t_p, m_p)

    return out.reshape(bsz, seq_len, H)

# --- scband reference (transcript-rebuilt; emitter-appended) ---
"""Pipeline reference for scband-rgcnaggregator-global-33526514713102 (READ-ONLY COPY).

The authoritative reference and input builder live on the scoring server;
editing this copy changes nothing except your own understanding.
"""

import jax, jax.numpy as jnp
import numpy as np

H = 128
N_GRAPH_NODES = 10000
N_EDGES = 320000
NUM_ENTITIES = 10000
NUM_RELS = 240
G = 16
B = 8
SEQ_LEN = 10


def setup_inputs(seed: int = 0) -> dict:
    key = jax.random.key(seed)
    ks = jax.random.split(key, 10)
    ent_embeds = jax.random.normal(ks[0], (NUM_ENTITIES, H), dtype=jnp.float32)
    rel_embeds = jax.random.normal(ks[1], (2 * NUM_RELS, H), dtype=jnp.float32)
    W_msg = jax.random.normal(ks[2], (H, H), dtype=jnp.float32) * 0.05
    W_self = jax.random.normal(ks[3], (H, H), dtype=jnp.float32) * 0.05
    node_ids = jax.random.randint(ks[4], (N_GRAPH_NODES,), 0, NUM_ENTITIES)
    edge_index = jax.random.randint(ks[5], (2, N_EDGES), 0, N_GRAPH_NODES)
    edge_rel = jax.random.randint(ks[6], (N_EDGES,), 0, 2 * NUM_RELS)
    graph_ids = jnp.sort(jax.random.randint(ks[7], (N_GRAPH_NODES,), 0, G))
    time_idx = jax.random.randint(ks[8], (B, SEQ_LEN), 0, G)
    seq_mask = jnp.ones((B, SEQ_LEN), dtype=jnp.float32)
    return {
        'ent_embeds': ent_embeds,
        'rel_embeds': rel_embeds,
        'W_msg': W_msg,
        'W_self': W_self,
        'seq_mask': seq_mask,
        'node_ids': node_ids,
        'edge_index': edge_index,
        'edge_rel': edge_rel,
        'graph_ids': graph_ids,
        'time_idx': time_idx,
    }


def _ergcn_layer(h, e, src, dst, W_msg, W_self):
    # message: gather source node feature + edge (relation) embedding, transform
    msg = (h[src] + e) @ W_msg
    # scatter-add (mean-normalized) aggregation to destination nodes
    agg = jnp.zeros_like(h).at[dst].add(msg)
    deg = jnp.zeros((h.shape[0], 1), dtype=h.dtype).at[dst].add(1.0)
    agg = agg / jnp.maximum(deg, 1.0)
    # self-loop transform + nonlinearity
    return jax.nn.relu(agg + h @ W_self)


def reference(ent_embeds, rel_embeds, W_msg, W_self, seq_mask,
              node_ids, edge_index, edge_rel, graph_ids, time_idx):
    # batched_graph.ndata['h'] = ent_embeds[batched_graph.ndata['id']]
    h = jnp.take(ent_embeds, node_ids, axis=0)
    # batched_graph.edata['e'] = rel_embeds[rel_ids]
    e = jnp.take(rel_embeds, edge_rel, axis=0)
    src = edge_index[0]
    dst = edge_index[1]
    # self.layer(g) then self.layer2(g): in the original code self.layer is layer2,
    # so the same ERGCN layer is applied twice with shared weights.
    h = _ergcn_layer(h, e, src, dst, W_msg, W_self)
    h = _ergcn_layer(h, e, src, dst, W_msg, W_self)
    # dgl.max_nodes: per-snapshot max pooling over nodes
    global_info = jax.ops.segment_max(h, graph_ids, num_segments=G, indices_are_sorted=True)
    # build embed_seq_tensor[i, j, :] = global_info[time_to_idx[t]] (dropout omitted: eval mode)
    embed_seq = jnp.take(global_info, time_idx, axis=0)  # [B, SEQ_LEN, H]
    embed_seq = embed_seq * seq_mask[..., None]
    return embed_seq

if __name__ == "__main__":
    import jax
    _d = setup_inputs()
    print(jax.jit(kernel)(*tuple(_d.values())))

</pallas_src>

<mosaic_0001>
#map = affine_map<(d0, d1) -> (0, 0)>
#map1 = affine_map<(d0, d1) -> (0)>
module attributes {stable_mosaic.version = 14 : i64} {
  func.func @body(%arg0: i32, %arg1: i32, %arg2: memref<10000x128xf32, #tpu.memory_space<hbm>>, %arg3: memref<10240xi32, #tpu.memory_space<hbm>>, %arg4: memref<10240x128xf32, #tpu.memory_space<hbm>>, %arg5: memref<80xi32, #tpu.memory_space<vmem>>, %arg6: memref<80x128xf32, #tpu.memory_space<vmem>>, %arg7: memref<!tpu.dma_semaphore, #tpu.memory_space<semaphore_mem>>) attributes {dimension_semantics = [#tpu.dimension_semantics<core_parallel>, #tpu.dimension_semantics<subcore_parallel>], iteration_bounds = array<i64: 2, 16>, scalar_prefetch = 0 : i64, scratch_operands = 3 : i64, tpu.core_type = #tpu.core_type<sc_vector_subcore>, window_params = [{transform_indices = #map}, {transform_indices = #map1}, {transform_indices = #map}]} {
    %mul3A = arith.constant 16 : i32
    %mul3A_0 = arith.muli %arg0, %mul3A : i32
    %add3A = arith.addi %mul3A_0, %arg1 : i32
    %mul3A_1 = arith.constant 320 : i32
    %mul3A_2 = arith.muli %add3A, %mul3A_1 : i32
    %add3A_3 = arith.constant 0 : i32
    %add3A_4 = arith.addi %mul3A_2, %add3A_3 : i32
    "tpu.region"() ({
      %run_scoped3A = tpu.sem_alloc : memref<!tpu.dma_semaphore, #tpu.memory_space<semaphore_mem>>
      %dma_start3A_33 = tpu.memref_slice %arg3[%add3A_4] : memref<10240xi32, #tpu.memory_space<hbm>> -> memref<80xi32, #tpu.memory_space<hbm>>
      %dma_start3A_34 = tpu.memref_slice %arg3[%add3A_4] : memref<10240xi32, #tpu.memory_space<hbm>> -> memref<80xi32, #tpu.memory_space<hbm>>
      tpu.enqueue_dma source(%dma_start3A_34 : memref<80xi32, #tpu.memory_space<hbm>>) target(%arg5 : memref<80xi32, #tpu.memory_space<vmem>>) target_semaphore(%run_scoped3A : memref<!tpu.dma_semaphore, #tpu.memory_space<semaphore_mem>>)
      %dma_wait3A_35 = tpu.memref_slice %arg3[%add3A_4] : memref<10240xi32, #tpu.memory_space<hbm>> -> memref<80xi32, #tpu.memory_space<hbm>>
      %dma_wait3A_36 = tpu.memref_slice %arg3[%add3A_4] : memref<10240xi32, #tpu.memory_space<hbm>> -> memref<80xi32, #tpu.memory_space<hbm>>
      tpu.wait_dma2 semaphore(%run_scoped3A : memref<!tpu.dma_semaphore, #tpu.memory_space<semaphore_mem>>) src(%dma_wait3A_36 : memref<80xi32, #tpu.memory_space<hbm>>) dst(%arg5 : memref<80xi32, #tpu.memory_space<vmem>>)
      tpu.yield
    }) : () -> ()
    %dma_start3A = arith.constant 0 : i32
    %dma_start3A_5 = arith.constant 0 : i32
    %dma_start3A_6 = tpu.memref_slice %arg2[%dma_start3A, %dma_start3A_5] : memref<10000x128xf32, #tpu.memory_space<hbm>> -> memref<10000x128xf32, #tpu.memory_space<hbm>>
    tpu.enqueue_indirect_dma source(%dma_start3A_6 : memref<10000x128xf32, #tpu.memory_space<hbm>>) target(%arg6 : memref<80x128xf32, #tpu.memory_space<vmem>>) offsets(%arg5 : memref<80xi32, #tpu.memory_space<vmem>>) semaphore(%arg7 : memref<!tpu.dma_semaphore, #tpu.memory_space<semaphore_mem>>)
    %dma_wait3A = arith.constant 0 : i32
    %dma_wait3A_7 = arith.constant 0 : i32
    %dma_wait3A_8 = tpu.memref_slice %arg2[%dma_wait3A, %dma_wait3A_7] : memref<10000x128xf32, #tpu.memory_space<hbm>> -> memref<10000x128xf32, #tpu.memory_space<hbm>>
    tpu.wait_indirect_dma semaphore(%arg7 : memref<!tpu.dma_semaphore, #tpu.memory_space<semaphore_mem>>) src(%dma_wait3A_8 : memref<10000x128xf32, #tpu.memory_space<hbm>>) dst(%arg6 : memref<80x128xf32, #tpu.memory_space<vmem>>)
    "tpu.region"() ({
      %run_scoped3A = tpu.sem_alloc : memref<!tpu.dma_semaphore, #tpu.memory_space<semaphore_mem>>
      %dma_start3A_33 = arith.constant 0 : i32
      %dma_start3A_34 = tpu.memref_slice %arg4[%add3A_4, %dma_start3A_33] : memref<10240x128xf32, #tpu.memory_space<hbm>> -> memref<80x128xf32, #tpu.memory_space<hbm>>
      %dma_start3A_35 = arith.constant 0 : i32
      %dma_start3A_36 = tpu.memref_slice %arg4[%add3A_4, %dma_start3A_35] : memref<10240x128xf32, #tpu.memory_space<hbm>> -> memref<80x128xf32, #tpu.memory_space<hbm>>
      tpu.enqueue_dma source(%arg6 : memref<80x128xf32, #tpu.memory_space<vmem>>) target(%dma_start3A_36 : memref<80x128xf32, #tpu.memory_space<hbm>>) target_semaphore(%run_scoped3A : memref<!tpu.dma_semaphore, #tpu.memory_space<semaphore_mem>>)
      %dma_wait3A_37 = arith.constant 0 : i32
      %dma_wait3A_38 = tpu.memref_slice %arg4[%add3A_4, %dma_wait3A_37] : memref<10240x128xf32, #tpu.memory_space<hbm>> -> memref<80x128xf32, #tpu.memory_space<hbm>>
      %dma_wait3A_39 = arith.constant 0 : i32
      %dma_wait3A_40 = tpu.memref_slice %arg4[%add3A_4, %dma_wait3A_39] : memref<10240x128xf32, #tpu.memory_space<hbm>> -> memref<80x128xf32, #tpu.memory_space<hbm>>
      tpu.wait_dma2 semaphore(%run_scoped3A : memref<!tpu.dma_semaphore, #tpu.memory_space<semaphore_mem>>) src(%arg6 : memref<80x128xf32, #tpu.memory_space<vmem>>) dst(%dma_wait3A_40 : memref<80x128xf32, #tpu.memory_space<hbm>>)
      tpu.yield
    }) : () -> ()
    %add3A_9 = arith.constant 80 : i32
    %add3A_10 = arith.addi %mul3A_2, %add3A_9 : i32
    "tpu.region"() ({
      %run_scoped3A = tpu.sem_alloc : memref<!tpu.dma_semaphore, #tpu.memory_space<semaphore_mem>>
      %dma_start3A_33 = tpu.memref_slice %arg3[%add3A_10] : memref<10240xi32, #tpu.memory_space<hbm>> -> memref<80xi32, #tpu.memory_space<hbm>>
      %dma_start3A_34 = tpu.memref_slice %arg3[%add3A_10] : memref<10240xi32, #tpu.memory_space<hbm>> -> memref<80xi32, #tpu.memory_space<hbm>>
      tpu.enqueue_dma source(%dma_start3A_34 : memref<80xi32, #tpu.memory_space<hbm>>) target(%arg5 : memref<80xi32, #tpu.memory_space<vmem>>) target_semaphore(%run_scoped3A : memref<!tpu.dma_semaphore, #tpu.memory_space<semaphore_mem>>)
      %dma_wait3A_35 = tpu.memref_slice %arg3[%add3A_10] : memref<10240xi32, #tpu.memory_space<hbm>> -> memref<80xi32, #tpu.memory_space<hbm>>
      %dma_wait3A_36 = tpu.memref_slice %arg3[%add3A_10] : memref<10240xi32, #tpu.memory_space<hbm>> -> memref<80xi32, #tpu.memory_space<hbm>>
      tpu.wait_dma2 semaphore(%run_scoped3A : memref<!tpu.dma_semaphore, #tpu.memory_space<semaphore_mem>>) src(%dma_wait3A_36 : memref<80xi32, #tpu.memory_space<hbm>>) dst(%arg5 : memref<80xi32, #tpu.memory_space<vmem>>)
      tpu.yield
    }) : () -> ()
    %dma_start3A_11 = arith.constant 0 : i32
    %dma_start3A_12 = arith.constant 0 : i32
    %dma_start3A_13 = tpu.memref_slice %arg2[%dma_start3A_11, %dma_start3A_12] : memref<10000x128xf32, #tpu.memory_space<hbm>> -> memref<10000x128xf32, #tpu.memory_space<hbm>>
    tpu.enqueue_indirect_dma source(%dma_start3A_13 : memref<10000x128xf32, #tpu.memory_space<hbm>>) target(%arg6 : memref<80x128xf32, #tpu.memory_space<vmem>>) offsets(%arg5 : memref<80xi32, #tpu.memory_space<vmem>>) semaphore(%arg7 : memref<!tpu.dma_semaphore, #tpu.memory_space<semaphore_mem>>)
    %dma_wait3A_14 = arith.constant 0 : i32
    %dma_wait3A_15 = arith.constant 0 : i32
    %dma_wait3A_16 = tpu.memref_slice %arg2[%dma_wait3A_14, %dma_wait3A_15] : memref<10000x128xf32, #tpu.memory_space<hbm>> -> memref<10000x128xf32, #tpu.memory_space<hbm>>
    tpu.wait_indirect_dma semaphore(%arg7 : memref<!tpu.dma_semaphore, #tpu.memory_space<semaphore_mem>>) src(%dma_wait3A_16 : memref<10000x128xf32, #tpu.memory_space<hbm>>) dst(%arg6 : memref<80x128xf32, #tpu.memory_space<vmem>>)
    "tpu.region"() ({
      %run_scoped3A = tpu.sem_alloc : memref<!tpu.dma_semaphore, #tpu.memory_space<semaphore_mem>>
      %dma_start3A_33 = arith.constant 0 : i32
      %dma_start3A_34 = tpu.memref_slice %arg4[%add3A_10, %dma_start3A_33] : memref<10240x128xf32, #tpu.memory_space<hbm>> -> memref<80x128xf32, #tpu.memory_space<hbm>>
      %dma_start3A_35 = arith.constant 0 : i32
      %dma_start3A_36 = tpu.memref_slice %arg4[%add3A_10, %dma_start3A_35] : memref<10240x128xf32, #tpu.memory_space<hbm>> -> memref<80x128xf32, #tpu.memory_space<hbm>>
      tpu.enqueue_dma source(%arg6 : memref<80x128xf32, #tpu.memory_space<vmem>>) target(%dma_start3A_36 : memref<80x128xf32, #tpu.memory_space<hbm>>) target_semaphore(%run_scoped3A : memref<!tpu.dma_semaphore, #tpu.memory_space<semaphore_mem>>)
      %dma_wait3A_37 = arith.constant 0 : i32
      %dma_wait3A_38 = tpu.memref_slice %arg4[%add3A_10, %dma_wait3A_37] : memref<10240x128xf32, #tpu.memory_space<hbm>> -> memref<80x128xf32, #tpu.memory_space<hbm>>
      %dma_wait3A_39 = arith.constant 0 : i32
      %dma_wait3A_40 = tpu.memref_slice %arg4[%add3A_10, %dma_wait3A_39] : memref<10240x128xf32, #tpu.memory_space<hbm>> -> memref<80x128xf32, #tpu.memory_space<hbm>>
      tpu.wait_dma2 semaphore(%run_scoped3A : memref<!tpu.dma_semaphore, #tpu.memory_space<semaphore_mem>>) src(%arg6 : memref<80x128xf32, #tpu.memory_space<vmem>>) dst(%dma_wait3A_40 : memref<80x128xf32, #tpu.memory_space<hbm>>)
      tpu.yield
    }) : () -> ()
    %add3A_17 = arith.constant 160 : i32
    %add3A_18 = arith.addi %mul3A_2, %add3A_17 : i32
    "tpu.region"() ({
      %run_scoped3A = tpu.sem_alloc : memref<!tpu.dma_semaphore, #tpu.memory_space<semaphore_mem>>
      %dma_start3A_33 = tpu.memref_slice %arg3[%add3A_18] : memref<10240xi32, #tpu.memory_space<hbm>> -> memref<80xi32, #tpu.memory_space<hbm>>
      %dma_start3A_34 = tpu.memref_slice %arg3[%add3A_18] : memref<10240xi32, #tpu.memory_space<hbm>> -> memref<80xi32, #tpu.memory_space<hbm>>
      tpu.enqueue_dma source(%dma_start3A_34 : memref<80xi32, #tpu.memory_space<hbm>>) target(%arg5 : memref<80xi32, #tpu.memory_space<vmem>>) target_semaphore(%run_scoped3A : memref<!tpu.dma_semaphore, #tpu.memory_space<semaphore_mem>>)
      %dma_wait3A_35 = tpu.memref_slice %arg3[%add3A_18] : memref<10240xi32, #tpu.memory_space<hbm>> -> memref<80xi32, #tpu.memory_space<hbm>>
      %dma_wait3A_36 = tpu.memref_slice %arg3[%add3A_18] : memref<10240xi32, #tpu.memory_space<hbm>> -> memref<80xi32, #tpu.memory_space<hbm>>
      tpu.wait_dma2 semaphore(%run_scoped3A : memref<!tpu.dma_semaphore, #tpu.memory_space<semaphore_mem>>) src(%dma_wait3A_36 : memref<80xi32, #tpu.memory_space<hbm>>) dst(%arg5 : memref<80xi32, #tpu.memory_space<vmem>>)
      tpu.yield
    }) : () -> ()
    %dma_start3A_19 = arith.constant 0 : i32
    %dma_start3A_20 = arith.constant 0 : i32
    %dma_start3A_21 = tpu.memref_slice %arg2[%dma_start3A_19, %dma_start3A_20] : memref<10000x128xf32, #tpu.memory_space<hbm>> -> memref<10000x128xf32, #tpu.memory_space<hbm>>
    tpu.enqueue_indirect_dma source(%dma_start3A_21 : memref<10000x128xf32, #tpu.memory_space<hbm>>) target(%arg6 : memref<80x128xf32, #tpu.memory_space<vmem>>) offsets(%arg5 : memref<80xi32, #tpu.memory_space<vmem>>) semaphore(%arg7 : memref<!tpu.dma_semaphore, #tpu.memory_space<semaphore_mem>>)
    %dma_wait3A_22 = arith.constant 0 : i32
    %dma_wait3A_23 = arith.constant 0 : i32
    %dma_wait3A_24 = tpu.memref_slice %arg2[%dma_wait3A_22, %dma_wait3A_23] : memref<10000x128xf32, #tpu.memory_space<hbm>> -> memref<10000x128xf32, #tpu.memory_space<hbm>>
    tpu.wait_indirect_dma semaphore(%arg7 : memref<!tpu.dma_semaphore, #tpu.memory_space<semaphore_mem>>) src(%dma_wait3A_24 : memref<10000x128xf32, #tpu.memory_space<hbm>>) dst(%arg6 : memref<80x128xf32, #tpu.memory_space<vmem>>)
    "tpu.region"() ({
      %run_scoped3A = tpu.sem_alloc : memref<!tpu.dma_semaphore, #tpu.memory_space<semaphore_mem>>
      %dma_start3A_33 = arith.constant 0 : i32
      %dma_start3A_34 = tpu.memref_slice %arg4[%add3A_18, %dma_start3A_33] : memref<10240x128xf32, #tpu.memory_space<hbm>> -> memref<80x128xf32, #tpu.memory_space<hbm>>
      %dma_start3A_35 = arith.constant 0 : i32
      %dma_start3A_36 = tpu.memref_slice %arg4[%add3A_18, %dma_start3A_35] : memref<10240x128xf32, #tpu.memory_space<hbm>> -> memref<80x128xf32, #tpu.memory_space<hbm>>
      tpu.enqueue_dma source(%arg6 : memref<80x128xf32, #tpu.memory_space<vmem>>) target(%dma_start3A_36 : memref<80x128xf32, #tpu.memory_space<hbm>>) target_semaphore(%run_scoped3A : memref<!tpu.dma_semaphore, #tpu.memory_space<semaphore_mem>>)
      %dma_wait3A_37 = arith.constant 0 : i32
      %dma_wait3A_38 = tpu.memref_slice %arg4[%add3A_18, %dma_wait3A_37] : memref<10240x128xf32, #tpu.memory_space<hbm>> -> memref<80x128xf32, #tpu.memory_space<hbm>>
      %dma_wait3A_39 = arith.constant 0 : i32
      %dma_wait3A_40 = tpu.memref_slice %arg4[%add3A_18, %dma_wait3A_39] : memref<10240x128xf32, #tpu.memory_space<hbm>> -> memref<80x128xf32, #tpu.memory_space<hbm>>
      tpu.wait_dma2 semaphore(%run_scoped3A : memref<!tpu.dma_semaphore, #tpu.memory_space<semaphore_mem>>) src(%arg6 : memref<80x128xf32, #tpu.memory_space<vmem>>) dst(%dma_wait3A_40 : memref<80x128xf32, #tpu.memory_space<hbm>>)
      tpu.yield
    }) : () -> ()
    %add3A_25 = arith.constant 240 : i32
    %add3A_26 = arith.addi %mul3A_2, %add3A_25 : i32
    "tpu.region"() ({
      %run_scoped3A = tpu.sem_alloc : memref<!tpu.dma_semaphore, #tpu.memory_space<semaphore_mem>>
      %dma_start3A_33 = tpu.memref_slice %arg3[%add3A_26] : memref<10240xi32, #tpu.memory_space<hbm>> -> memref<80xi32, #tpu.memory_space<hbm>>
      %dma_start3A_34 = tpu.memref_slice %arg3[%add3A_26] : memref<10240xi32, #tpu.memory_space<hbm>> -> memref<80xi32, #tpu.memory_space<hbm>>
      tpu.enqueue_dma source(%dma_start3A_34 : memref<80xi32, #tpu.memory_space<hbm>>) target(%arg5 : memref<80xi32, #tpu.memory_space<vmem>>) target_semaphore(%run_scoped3A : memref<!tpu.dma_semaphore, #tpu.memory_space<semaphore_mem>>)
      %dma_wait3A_35 = tpu.memref_slice %arg3[%add3A_26] : memref<10240xi32, #tpu.memory_space<hbm>> -> memref<80xi32, #tpu.memory_space<hbm>>
      %dma_wait3A_36 = tpu.memref_slice %arg3[%add3A_26] : memref<10240xi32, #tpu.memory_space<hbm>> -> memref<80xi32, #tpu.memory_space<hbm>>
      tpu.wait_dma2 semaphore(%run_scoped3A : memref<!tpu.dma_semaphore, #tpu.memory_space<semaphore_mem>>) src(%dma_wait3A_36 : memref<80xi32, #tpu.memory_space<hbm>>) dst(%arg5 : memref<80xi32, #tpu.memory_space<vmem>>)
      tpu.yield
    }) : () -> ()
    %dma_start3A_27 = arith.constant 0 : i32
    %dma_start3A_28 = arith.constant 0 : i32
    %dma_start3A_29 = tpu.memref_slice %arg2[%dma_start3A_27, %dma_start3A_28] : memref<10000x128xf32, #tpu.memory_space<hbm>> -> memref<10000x128xf32, #tpu.memory_space<hbm>>
    tpu.enqueue_indirect_dma source(%dma_start3A_29 : memref<10000x128xf32, #tpu.memory_space<hbm>>) target(%arg6 : memref<80x128xf32, #tpu.memory_space<vmem>>) offsets(%arg5 : memref<80xi32, #tpu.memory_space<vmem>>) semaphore(%arg7 : memref<!tpu.dma_semaphore, #tpu.memory_space<semaphore_mem>>)
    %dma_wait3A_30 = arith.constant 0 : i32
    %dma_wait3A_31 = arith.constant 0 : i32
    %dma_wait3A_32 = tpu.memref_slice %arg2[%dma_wait3A_30, %dma_wait3A_31] : memref<10000x128xf32, #tpu.memory_space<hbm>> -> memref<10000x128xf32, #tpu.memory_space<hbm>>
    tpu.wait_indirect_dma semaphore(%arg7 : memref<!tpu.dma_semaphore, #tpu.memory_space<semaphore_mem>>) src(%dma_wait3A_32 : memref<10000x128xf32, #tpu.memory_space<hbm>>) dst(%arg6 : memref<80x128xf32, #tpu.memory_space<vmem>>)
    "tpu.region"() ({
      %run_scoped3A = tpu.sem_alloc : memref<!tpu.dma_semaphore, #tpu.memory_space<semaphore_mem>>
      %dma_start3A_33 = arith.constant 0 : i32
      %dma_start3A_34 = tpu.memref_slice %arg4[%add3A_26, %dma_start3A_33] : memref<10240x128xf32, #tpu.memory_space<hbm>> -> memref<80x128xf32, #tpu.memory_space<hbm>>
      %dma_start3A_35 = arith.constant 0 : i32
      %dma_start3A_36 = tpu.memref_slice %arg4[%add3A_26, %dma_start3A_35] : memref<10240x128xf32, #tpu.memory_space<hbm>> -> memref<80x128xf32, #tpu.memory_space<hbm>>
      tpu.enqueue_dma source(%arg6 : memref<80x128xf32, #tpu.memory_space<vmem>>) target(%dma_start3A_36 : memref<80x128xf32, #tpu.memory_space<hbm>>) target_semaphore(%run_scoped3A : memref<!tpu.dma_semaphore, #tpu.memory_space<semaphore_mem>>)
      %dma_wait3A_37 = arith.constant 0 : i32
      %dma_wait3A_38 = tpu.memref_slice %arg4[%add3A_26, %dma_wait3A_37] : memref<10240x128xf32, #tpu.memory_space<hbm>> -> memref<80x128xf32, #tpu.memory_space<hbm>>
      %dma_wait3A_39 = arith.constant 0 : i32
      %dma_wait3A_40 = tpu.memref_slice %arg4[%add3A_26, %dma_wait3A_39] : memref<10240x128xf32, #tpu.memory_space<hbm>> -> memref<80x128xf32, #tpu.memory_space<hbm>>
      tpu.wait_dma2 semaphore(%run_scoped3A : memref<!tpu.dma_semaphore, #tpu.memory_space<semaphore_mem>>) src(%arg6 : memref<80x128xf32, #tpu.memory_space<vmem>>) dst(%dma_wait3A_40 : memref<80x128xf32, #tpu.memory_space<hbm>>)
      tpu.yield
    }) : () -> ()
    return
  }
}

#map = affine_map<(d0, d1) -> (0, 0)>
#map1 = affine_map<(d0, d1) -> (0, 0, 0)>
module attributes {stable_mosaic.version = 14 : i64} {
  func.func @body(%arg0: i32, %arg1: i32, %arg2: memref<10240x128xf32, #tpu.memory_space<hbm>>, %arg3: memref<480x128xf32, #tpu.memory_space<hbm>>, %arg4: memref<2561x3x128xi32, #tpu.memory_space<hbm>>, %arg5: memref<2x10240x128xf32, #tpu.memory_space<hbm>>, %arg6: memref<3x128xi32, #tpu.memory_space<vmem>>, %arg7: memref<3x128xi32, #tpu.memory_space<vmem>>, %arg8: memref<128x128xf32, #tpu.memory_space<vmem>>, %arg9: memref<128x128xf32, #tpu.memory_space<vmem>>, %arg10: memref<!tpu.dma_semaphore, #tpu.memory_space<semaphore_mem>>, %arg11: memref<!tpu.dma_semaphore, #tpu.memory_space<semaphore_mem>>, %arg12: memref<!tpu.dma_semaphore, #tpu.memory_space<semaphore_mem>>, %arg13: memref<!tpu.dma_semaphore, #tpu.memory_space<semaphore_mem>>, %arg14: memref<10112x128xf32, #tpu.memory_space<vmem_shared>>) attributes {dimension_semantics = [#tpu.dimension_semantics<core_parallel>, #tpu.dimension_semantics<subcore_parallel>], iteration_bounds = array<i64: 2, 16>, scalar_prefetch = 0 : i64, scratch_operands = 9 : i64, tpu.core_type = #tpu.core_type<sc_vector_subcore>, window_params = [{transform_indices = #map}, {transform_indices = #map}, {transform_indices = #map1}, {transform_indices = #map1}]} {
    %broadcast_in_dim3A = arith.constant 0.000000e+00 : f32
    %broadcast_in_dim3A_0 = vector.broadcast %broadcast_in_dim3A : f32 to vector<16xf32>
    %scan3A = arith.constant 0 : i32
    %scan3A_1 = arith.constant 0 : i32
    %scan3A_2 = arith.constant 128 : i32
    %scan3A_3 = arith.addi %scan3A_1, %scan3A_2 : i32
    %scan3A_4 = arith.constant 1 : i32
    scf.for %scan3A_38 = %scan3A_1 to %scan3A_3 step %scan3A_4  : i32 {
      %swap3A = arith.index_cast %scan3A_38 : i32 to index
      %swap3A_39 = arith.constant 0 : index
      %swap3A_40 = tpu.vector_load %arg8[%swap3A, %swap3A_39] {strides = array<i32>} : memref<128x128xf32, #tpu.memory_space<vmem>>, vector<1x16xf32>,
      %swap3A_41 = vector.shape_cast %swap3A_40 : vector<1x16xf32> to vector<16xf32>
      %swap3A_42 = vector.shape_cast %broadcast_in_dim3A_0 : vector<16xf32> to vector<1x16xf32>
      tpu.vector_store %arg8[%swap3A, %swap3A_39], %swap3A_42 {strides = array<i32>} : memref<128x128xf32, #tpu.memory_space<vmem>>, vector<1x16xf32>,
      %swap3A_43 = arith.index_cast %scan3A_38 : i32 to index
      %swap3A_44 = arith.constant 16 : index
      %swap3A_45 = tpu.vector_load %arg8[%swap3A_43, %swap3A_44] {strides = array<i32>} : memref<128x128xf32, #tpu.memory_space<vmem>>, vector<1x16xf32>,
      %swap3A_46 = vector.shape_cast %swap3A_45 : vector<1x16xf32> to vector<16xf32>
      %swap3A_47 = vector.shape_cast %broadcast_in_dim3A_0 : vector<16xf32> to vector<1x16xf32>
      tpu.vector_store %arg8[%swap3A_43, %swap3A_44], %swap3A_47 {strides = array<i32>} : memref<128x128xf32, #tpu.memory_space<vmem>>, vector<1x16xf32>,
      %swap3A_48 = arith.index_cast %scan3A_38 : i32 to index
      %swap3A_49 = arith.constant 32 : index
      %swap3A_50 = tpu.vector_load %arg8[%swap3A_48, %swap3A_49] {strides = array<i32>} : memref<128x128xf32, #tpu.memory_space<vmem>>, vector<1x16xf32>,
      %swap3A_51 = vector.shape_cast %swap3A_50 : vector<1x16xf32> to vector<16xf32>
      %swap3A_52 = vector.shape_cast %broadcast_in_dim3A_0 : vector<16xf32> to vector<1x16xf32>
      tpu.vector_store %arg8[%swap3A_48, %swap3A_49], %swap3A_52 {strides = array<i32>} : memref<128x128xf32, #tpu.memory_space<vmem>>, vector<1x16xf32>,
      %swap3A_53 = arith.index_cast %scan3A_38 : i32 to index
      %swap3A_54 = arith.constant 48 : index
      %swap3A_55 = tpu.vector_load %arg8[%swap3A_53, %swap3A_54] {strides = array<i32>} : memref<128x128xf32, #tpu.memory_space<vmem>>, vector<1x16xf32>,
      %swap3A_56 = vector.shape_cast %swap3A_55 : vector<1x16xf32> to vector<16xf32>
      %swap3A_57 = vector.shape_cast %broadcast_in_dim3A_0 : vector<16xf32> to vector<1x16xf32>
      tpu.vector_store %arg8[%swap3A_53, %swap3A_54], %swap3A_57 {strides = array<i32>} : memref<128x128xf32, #tpu.memory_space<vmem>>, vector<1x16xf32>,
      %swap3A_58 = arith.index_cast %scan3A_38 : i32 to index
      %swap3A_59 = arith.constant 64 : index
      %swap3A_60 = tpu.vector_load %arg8[%swap3A_58, %swap3A_59] {strides = array<i32>} : memref<128x128xf32, #tpu.memory_space<vmem>>, vector<1x16xf32>,
      %swap3A_61 = vector.shape_cast %swap3A_60 : vector<1x16xf32> to vector<16xf32>
      %swap3A_62 = vector.shape_cast %broadcast_in_dim3A_0 : vector<16xf32> to vector<1x16xf32>
      tpu.vector_store %arg8[%swap3A_58, %swap3A_59], %swap3A_62 {strides = array<i32>} : memref<128x128xf32, #tpu.memory_space<vmem>>, vector<1x16xf32>,
      %swap3A_63 = arith.index_cast %scan3A_38 : i32 to index
      %swap3A_64 = arith.constant 80 : index
      %swap3A_65 = tpu.vector_load %arg8[%swap3A_63, %swap3A_64] {strides = array<i32>} : memref<128x128xf32, #tpu.memory_space<vmem>>, vector<1x16xf32>,
      %swap3A_66 = vector.shape_cast %swap3A_65 : vector<1x16xf32> to vector<16xf32>
      %swap3A_67 = vector.shape_cast %broadcast_in_dim3A_0 : vector<16xf32> to vector<1x16xf32>
      tpu.vector_store %arg8[%swap3A_63, %swap3A_64], %swap3A_67 {strides = array<i32>} : memref<128x128xf32, #tpu.memory_space<vmem>>, vector<1x16xf32>,
      %swap3A_68 = arith.index_cast %scan3A_38 : i32 to index
      %swap3A_69 = arith.constant 96 : index
      %swap3A_70 = tpu.vector_load %arg8[%swap3A_68, %swap3A_69] {strides = array<i32>} : memref<128x128xf32, #tpu.memory_space<vmem>>, vector<1x16xf32>,
      %swap3A_71 = vector.shape_cast %swap3A_70 : vector<1x16xf32> to vector<16xf32>
      %swap3A_72 = vector.shape_cast %broadcast_in_dim3A_0 : vector<16xf32> to vector<1x16xf32>
      tpu.vector_store %arg8[%swap3A_68, %swap3A_69], %swap3A_72 {strides = array<i32>} : memref<128x128xf32, #tpu.memory_space<vmem>>, vector<1x16xf32>,
      %swap3A_73 = arith.index_cast %scan3A_38 : i32 to index
      %swap3A_74 = arith.constant 112 : index
      %swap3A_75 = tpu.vector_load %arg8[%swap3A_73, %swap3A_74] {strides = array<i32>} : memref<128x128xf32, #tpu.memory_space<vmem>>, vector<1x16xf32>,
      %swap3A_76 = vector.shape_cast %swap3A_75 : vector<1x16xf32> to vector<16xf32>
      %swap3A_77 = vector.shape_cast %broadcast_in_dim3A_0 : vector<16xf32> to vector<1x16xf32>
      tpu.vector_store %arg8[%swap3A_73, %swap3A_74], %swap3A_77 {strides = array<i32>} : memref<128x128xf32, #tpu.memory_space<vmem>>, vector<1x16xf32>,
    }
    %scan3A_5 = arith.constant 128 : i32
    %mul3A = arith.constant 632 : i32
    %mul3A_6 = arith.muli %arg1, %mul3A : i32
    %add3A = arith.constant 0 : i32
    %add3A_7 = arith.addi %mul3A_6, %add3A : i32
    "tpu.region"() ({
      %run_scoped3A = tpu.sem_alloc : memref<!tpu.dma_semaphore, #tpu.memory_space<semaphore_mem>>
      %dma_start3A = arith.constant 0 : i32
      %dma_start3A_38 = arith.constant 0 : i32
      %dma_start3A_39 = tpu.memref_slice %arg8[%dma_start3A, %dma_start3A_38] : memref<128x128xf32, #tpu.memory_space<vmem>> -> memref<128x128xf32, #tpu.memory_space<vmem>>
      %dma_start3A_40 = arith.constant 0 : i32
      %dma_start3A_41 = tpu.memref_slice %arg14[%add3A_7, %dma_start3A_40] : memref<10112x128xf32, #tpu.memory_space<vmem_shared>> -> memref<128x128xf32, #tpu.memory_space<vmem_shared>>
      %dma_start3A_42 = arith.constant 0 : i32
      %dma_start3A_43 = tpu.memref_slice %arg14[%add3A_7, %dma_start3A_42] : memref<10112x128xf32, #tpu.memory_space<vmem_shared>> -> memref<128x128xf32, #tpu.memory_space<vmem_shared>>
      %dma_start3A_44 = arith.constant 0 : i32
      %dma_start3A_45 = arith.constant 0 : i32
      %dma_start3A_46 = tpu.memref_slice %arg8[%dma_start3A_44, %dma_start3A_45] : memref<128x128xf32, #tpu.memory_space<vmem>> -> memref<128x128xf32, #tpu.memory_space<vmem>>
      tpu.enqueue_dma source(%dma_start3A_46 : memref<128x128xf32, #tpu.memory_space<vmem>>) target(%dma_start3A_43 : memref<128x128xf32, #tpu.memory_space<vmem_shared>>) target_semaphore(%run_scoped3A : memref<!tpu.dma_semaphore, #tpu.memory_space<semaphore_mem>>)
      %dma_wait3A = arith.constant 0 : i32
      %dma_wait3A_47 = arith.constant 0 : i32
      %dma_wait3A_48 = tpu.memref_slice %arg8[%dma_wait3A, %dma_wait3A_47] : memref<128x128xf32, #tpu.memory_space<vmem>> -> memref<128x128xf32, #tpu.memory_space<vmem>>
      %dma_wait3A_49 = arith.constant 0 : i32
      %dma_wait3A_50 = tpu.memref_slice %arg14[%add3A_7, %dma_wait3A_49] : memref<10112x128xf32, #tpu.memory_space<vmem_shared>> -> memref<128x128xf32, #tpu.memory_space<vmem_shared>>
      %dma_wait3A_51 = arith.constant 0 : i32
      %dma_wait3A_52 = tpu.memref_slice %arg14[%add3A_7, %dma_wait3A_51] : memref<10112x128xf32, #tpu.memory_space<vmem_shared>> -> memref<128x128xf32, #tpu.memory_space<vmem_shared>>
      %dma_wait3A_53 = arith.constant 0 : i32
      %dma_wait3A_54 = arith.constant 0 : i32
      %dma_wait3A_55 = tpu.memref_slice %arg8[%dma_wait3A_53, %dma_wait3A_54] : memref<128x128xf32, #tpu.memory_space<vmem>> -> memref<128x128xf32, #tpu.memory_space<vmem>>
      tpu.wait_dma2 semaphore(%run_scoped3A : memref<!tpu.dma_semaphore, #tpu.memory_space<semaphore_mem>>) src(%dma_wait3A_55 : memref<128x128xf32, #tpu.memory_space<vmem>>) dst(%dma_wait3A_52 : memref<128x128xf32, #tpu.memory_space<vmem_shared>>)
      tpu.yield
    }) : () -> ()
    %mul3A_8 = arith.constant 632 : i32
    %mul3A_9 = arith.muli %arg1, %mul3A_8 : i32
    %add3A_10 = arith.constant 128 : i32
    %add3A_11 = arith.addi %mul3A_9, %add3A_10 : i32
    "tpu.region"() ({
      %run_scoped3A = tpu.sem_alloc : memref<!tpu.dma_semaphore, #tpu.memory_space<semaphore_mem>>
      %dma_start3A = arith.constant 0 : i32
      %dma_start3A_38 = arith.constant 0 : i32
      %dma_start3A_39 = tpu.memref_slice %arg8[%dma_start3A, %dma_start3A_38] : memref<128x128xf32, #tpu.memory_space<vmem>> -> memref<128x128xf32, #tpu.memory_space<vmem>>
      %dma_start3A_40 = arith.constant 0 : i32
      %dma_start3A_41 = tpu.memref_slice %arg14[%add3A_11, %dma_start3A_40] : memref<10112x128xf32, #tpu.memory_space<vmem_shared>> -> memref<128x128xf32, #tpu.memory_space<vmem_shared>>
      %dma_start3A_42 = arith.constant 0 : i32
      %dma_start3A_43 = tpu.memref_slice %arg14[%add3A_11, %dma_start3A_42] : memref<10112x128xf32, #tpu.memory_space<vmem_shared>> -> memref<128x128xf32, #tpu.memory_space<vmem_shared>>
      %dma_start3A_44 = arith.constant 0 : i32
      %dma_start3A_45 = arith.constant 0 : i32
      %dma_start3A_46 = tpu.memref_slice %arg8[%dma_start3A_44, %dma_start3A_45] : memref<128x128xf32, #tpu.memory_space<vmem>> -> memref<128x128xf32, #tpu.memory_space<vmem>>
      tpu.enqueue_dma source(%dma_start3A_46 : memref<128x128xf32, #tpu.memory_space<vmem>>) target(%dma_start3A_43 : memref<128x128xf32, #tpu.memory_space<vmem_shared>>) target_semaphore(%run_scoped3A : memref<!tpu.dma_semaphore, #tpu.memory_space<semaphore_mem>>)
      %dma_wait3A = arith.constant 0 : i32
      %dma_wait3A_47 = arith.constant 0 : i32
      %dma_wait3A_48 = tpu.memref_slice %arg8[%dma_wait3A, %dma_wait3A_47] : memref<128x128xf32, #tpu.memory_space<vmem>> -> memref<128x128xf32, #tpu.memory_space<vmem>>
      %dma_wait3A_49 = arith.constant 0 : i32
      %dma_wait3A_50 = tpu.memref_slice %arg14[%add3A_11, %dma_wait3A_49] : memref<10112x128xf32, #tpu.memory_space<vmem_shared>> -> memref<128x128xf32, #tpu.memory_space<vmem_shared>>
      %dma_wait3A_51 = arith.constant 0 : i32
      %dma_wait3A_52 = tpu.memref_slice %arg14[%add3A_11, %dma_wait3A_51] : memref<10112x128xf32, #tpu.memory_space<vmem_shared>> -> memref<128x128xf32, #tpu.memory_space<vmem_shared>>
      %dma_wait3A_53 = arith.constant 0 : i32
      %dma_wait3A_54 = arith.constant 0 : i32
      %dma_wait3A_55 = tpu.memref_slice %arg8[%dma_wait3A_53, %dma_wait3A_54] : memref<128x128xf32, #tpu.memory_space<vmem>> -> memref<128x128xf32, #tpu.memory_space<vmem>>
      tpu.wait_dma2 semaphore(%run_scoped3A : memref<!tpu.dma_semaphore, #tpu.memory_space<semaphore_mem>>) src(%dma_wait3A_55 : memref<128x128xf32, #tpu.memory_space<vmem>>) dst(%dma_wait3A_52 : memref<128x128xf32, #tpu.memory_space<vmem_shared>>)
      tpu.yield
    }) : () -> ()
    %mul3A_12 = arith.constant 632 : i32
    %mul3A_13 = arith.muli %arg1, %mul3A_12 : i32
    %add3A_14 = arith.constant 256 : i32
    %add3A_15 = arith.addi %mul3A_13, %add3A_14 : i32
    "tpu.region"() ({
      %run_scoped3A = tpu.sem_alloc : memref<!tpu.dma_semaphore, #tpu.memory_space<semaphore_mem>>
      %dma_start3A = arith.constant 0 : i32
      %dma_start3A_38 = arith.constant 0 : i32
      %dma_start3A_39 = tpu.memref_slice %arg8[%dma_start3A, %dma_start3A_38] : memref<128x128xf32, #tpu.memory_space<vmem>> -> memref<128x128xf32, #tpu.memory_space<vmem>>
      %dma_start3A_40 = arith.constant 0 : i32
      %dma_start3A_41 = tpu.memref_slice %arg14[%add3A_15, %dma_start3A_40] : memref<10112x128xf32, #tpu.memory_space<vmem_shared>> -> memref<128x128xf32, #tpu.memory_space<vmem_shared>>
      %dma_start3A_42 = arith.constant 0 : i32
      %dma_start3A_43 = tpu.memref_slice %arg14[%add3A_15, %dma_start3A_42] : memref<10112x128xf32, #tpu.memory_space<vmem_shared>> -> memref<128x128xf32, #tpu.memory_space<vmem_shared>>
      %dma_start3A_44 = arith.constant 0 : i32
      %dma_start3A_45 = arith.constant 0 : i32
      %dma_start3A_46 = tpu.memref_slice %arg8[%dma_start3A_44, %dma_start3A_45] : memref<128x128xf32, #tpu.memory_space<vmem>> -> memref<128x128xf32, #tpu.memory_space<vmem>>
      tpu.enqueue_dma source(%dma_start3A_46 : memref<128x128xf32, #tpu.memory_space<vmem>>) target(%dma_start3A_43 : memref<128x128xf32, #tpu.memory_space<vmem_shared>>) target_semaphore(%run_scoped3A : memref<!tpu.dma_semaphore, #tpu.memory_space<semaphore_mem>>)
      %dma_wait3A = arith.constant 0 : i32
      %dma_wait3A_47 = arith.constant 0 : i32
      %dma_wait3A_48 = tpu.memref_slice %arg8[%dma_wait3A, %dma_wait3A_47] : memref<128x128xf32, #tpu.memory_space<vmem>> -> memref<128x128xf32, #tpu.memory_space<vmem>>
      %dma_wait3A_49 = arith.constant 0 : i32
      %dma_wait3A_50 = tpu.memref_slice %arg14[%add3A_15, %dma_wait3A_49] : memref<10112x128xf32, #tpu.memory_space<vmem_shared>> -> memref<128x128xf32, #tpu.memory_space<vmem_shared>>
      %dma_wait3A_51 = arith.constant 0 : i32
      %dma_wait3A_52 = tpu.memref_slice %arg14[%add3A_15, %dma_wait3A_51] : memref<10112x128xf32, #tpu.memory_space<vmem_shared>> -> memref<128x128xf32, #tpu.memory_space<vmem_shared>>
      %dma_wait3A_53 = arith.constant 0 : i32
      %dma_wait3A_54 = arith.constant 0 : i32
      %dma_wait3A_55 = tpu.memref_slice %arg8[%dma_wait3A_53, %dma_wait3A_54] : memref<128x128xf32, #tpu.memory_space<vmem>> -> memref<128x128xf32, #tpu.memory_space<vmem>>
      tpu.wait_dma2 semaphore(%run_scoped3A : memref<!tpu.dma_semaphore, #tpu.memory_space<semaphore_mem>>) src(%dma_wait3A_55 : memref<128x128xf32, #tpu.memory_space<vmem>>) dst(%dma_wait3A_52 : memref<128x128xf32, #tpu.memory_space<vmem_shared>>)
      tpu.yield
    }) : () -> ()
    %mul3A_16 = arith.constant 632 : i32
    %mul3A_17 = arith.muli %arg1, %mul3A_16 : i32
    %add3A_18 = arith.constant 384 : i32
    %add3A_19 = arith.addi %mul3A_17, %add3A_18 : i32
    "tpu.region"() ({
      %run_scoped3A = tpu.sem_alloc : memref<!tpu.dma_semaphore, #tpu.memory_space<semaphore_mem>>
      %dma_start3A = arith.constant 0 : i32
      %dma_start3A_38 = arith.constant 0 : i32
      %dma_start3A_39 = tpu.memref_slice %arg8[%dma_start3A, %dma_start3A_38] : memref<128x128xf32, #tpu.memory_space<vmem>> -> memref<128x128xf32, #tpu.memory_space<vmem>>
      %dma_start3A_40 = arith.constant 0 : i32
      %dma_start3A_41 = tpu.memref_slice %arg14[%add3A_19, %dma_start3A_40] : memref<10112x128xf32, #tpu.memory_space<vmem_shared>> -> memref<128x128xf32, #tpu.memory_space<vmem_shared>>
      %dma_start3A_42 = arith.constant 0 : i32
      %dma_start3A_43 = tpu.memref_slice %arg14[%add3A_19, %dma_start3A_42] : memref<10112x128xf32, #tpu.memory_space<vmem_shared>> -> memref<128x128xf32, #tpu.memory_space<vmem_shared>>
      %dma_start3A_44 = arith.constant 0 : i32
      %dma_start3A_45 = arith.constant 0 : i32
      %dma_start3A_46 = tpu.memref_slice %arg8[%dma_start3A_44, %dma_start3A_45] : memref<128x128xf32, #tpu.memory_space<vmem>> -> memref<128x128xf32, #tpu.memory_space<vmem>>
      tpu.enqueue_dma source(%dma_start3A_46 : memref<128x128xf32, #tpu.memory_space<vmem>>) target(%dma_start3A_43 : memref<128x128xf32, #tpu.memory_space<vmem_shared>>) target_semaphore(%run_scoped3A : memref<!tpu.dma_semaphore, #tpu.memory_space<semaphore_mem>>)
      %dma_wait3A = arith.constant 0 : i32
      %dma_wait3A_47 = arith.constant 0 : i32
      %dma_wait3A_48 = tpu.memref_slice %arg8[%dma_wait3A, %dma_wait3A_47] : memref<128x128xf32, #tpu.memory_space<vmem>> -> memref<128x128xf32, #tpu.memory_space<vmem>>
      %dma_wait3A_49 = arith.constant 0 : i32
      %dma_wait3A_50 = tpu.memref_slice %arg14[%add3A_19, %dma_wait3A_49] : memref<10112x128xf32, #tpu.memory_space<vmem_shared>> -> memref<128x128xf32, #tpu.memory_space<vmem_shared>>
      %dma_wait3A_51 = arith.constant 0 : i32
      %dma_wait3A_52 = tpu.memref_slice %arg14[%add3A_19, %dma_wait3A_51] : memref<10112x128xf32, #tpu.memory_space<vmem_shared>> -> memref<128x128xf32, #tpu.memory_space<vmem_shared>>
      %dma_wait3A_53 = arith.constant 0 : i32
      %dma_wait3A_54 = arith.constant 0 : i32
      %dma_wait3A_55 = tpu.memref_slice %arg8[%dma_wait3A_53, %dma_wait3A_54] : memref<128x128xf32, #tpu.memory_space<vmem>> -> memref<128x128xf32, #tpu.memory_space<vmem>>
      tpu.wait_dma2 semaphore(%run_scoped3A : memref<!tpu.dma_semaphore, #tpu.memory_space<semaphore_mem>>) src(%dma_wait3A_55 : memref<128x128xf32, #tpu.memory_space<vmem>>) dst(%dma_wait3A_52 : memref<128x128xf32, #tpu.memory_space<vmem_shared>>)
      tpu.yield
    }) : () -> ()
    %mul3A_20 = arith.constant 632 : i32
    %mul3A_21 = arith.muli %arg1, %mul3A_20 : i32
    %add3A_22 = arith.constant 512 : i32
    %add3A_23 = arith.addi %mul3A_21, %add3A_22 : i32
    "tpu.region"() ({
      %run_scoped3A = tpu.sem_alloc : memref<!tpu.dma_semaphore, #tpu.memory_space<semaphore_mem>>
      %dma_start3A = arith.constant 0 : i32
      %dma_start3A_38 = arith.constant 0 : i32
      %dma_start3A_39 = tpu.memref_slice %arg8[%dma_start3A, %dma_start3A_38] : memref<128x128xf32, #tpu.memory_space<vmem>> -> memref<120x128xf32, #tpu.memory_space<vmem>>
      %dma_start3A_40 = arith.constant 0 : i32
      %dma_start3A_41 = tpu.memref_slice %arg14[%add3A_23, %dma_start3A_40] : memref<10112x128xf32, #tpu.memory_space<vmem_shared>> -> memref<120x128xf32, #tpu.memory_space<vmem_shared>>
      %dma_start3A_42 = arith.constant 0 : i32
      %dma_start3A_43 = tpu.memref_slice %arg14[%add3A_23, %dma_start3A_42] : memref<10112x128xf32, #tpu.memory_space<vmem_shared>> -> memref<120x128xf32, #tpu.memory_space<vmem_shared>>
      %dma_start3A_44 = arith.constant 0 : i32
      %dma_start3A_45 = arith.constant 0 : i32
      %dma_start3A_46 = tpu.memref_slice %arg8[%dma_start3A_44, %dma_start3A_45] : memref<128x128xf32, #tpu.memory_space<vmem>> -> memref<120x128xf32, #tpu.memory_space<vmem>>
      tpu.enqueue_dma source(%dma_start3A_46 : memref<120x128xf32, #tpu.memory_space<vmem>>) target(%dma_start3A_43 : memref<120x128xf32, #tpu.memory_space<vmem_shared>>) target_semaphore(%run_scoped3A : memref<!tpu.dma_semaphore, #tpu.memory_space<semaphore_mem>>)
      %dma_wait3A = arith.constant 0 : i32
      %dma_wait3A_47 = arith.constant 0 : i32
      %dma_wait3A_48 = tpu.memref_slice %arg8[%dma_wait3A, %dma_wait3A_47] : memref<128x128xf32, #tpu.memory_space<vmem>> -> memref<120x128xf32, #tpu.memory_space<vmem>>
      %dma_wait3A_49 = arith.constant 0 : i32
      %dma_wait3A_50 = tpu.memref_slice %arg14[%add3A_23, %dma_wait3A_49] : memref<10112x128xf32, #tpu.memory_space<vmem_shared>> -> memref<120x128xf32, #tpu.memory_space<vmem_shared>>
      %dma_wait3A_51 = arith.constant 0 : i32
      %dma_wait3A_52 = tpu.memref_slice %arg14[%add3A_23, %dma_wait3A_51] : memref<10112x128xf32, #tpu.memory_space<vmem_shared>> -> memref<120x128xf32, #tpu.memory_space<vmem_shared>>
      %dma_wait3A_53 = arith.constant 0 : i32
      %dma_wait3A_54 = arith.constant 0 : i32
      %dma_wait3A_55 = tpu.memref_slice %arg8[%dma_wait3A_53, %dma_wait3A_54] : memref<128x128xf32, #tpu.memory_space<vmem>> -> memref<120x128xf32, #tpu.memory_space<vmem>>
      tpu.wait_dma2 semaphore(%run_scoped3A : memref<!tpu.dma_semaphore, #tpu.memory_space<semaphore_mem>>) src(%dma_wait3A_55 : memref<120x128xf32, #tpu.memory_space<vmem>>) dst(%dma_wait3A_52 : memref<120x128xf32, #tpu.memory_space<vmem_shared>>)
      tpu.yield
    }) : () -> ()
    %barrier3A = arith.constant 0 : index
    tpu.barrier barrier_id(%barrier3A)
    %mul3A_24 = arith.constant 16 : i32
    %mul3A_25 = arith.muli %arg0, %mul3A_24 : i32
    %add3A_26 = arith.addi %mul3A_25, %arg1 : i32
    %mul3A_27 = arith.constant 80 : i32
    %mul3A_28 = arith.muli %add3A_26, %mul3A_27 : i32
    "tpu.region"() ({
      %run_scoped3A = tpu.sem_alloc : memref<!tpu.dma_semaphore, #tpu.memory_space<semaphore_mem>>
      %dma_start3A = arith.constant 0 : i32
      %dma_start3A_38 = arith.constant 0 : i32
      %dma_start3A_39 = tpu.memref_slice %arg4[%mul3A_28, %dma_start3A, %dma_start3A_38] : memref<2561x3x128xi32, #tpu.memory_space<hbm>> -> memref<1x3x128xi32, #tpu.memory_space<hbm>>
      %dma_start3A_40 = tpu.memref_squeeze %dma_start3A_39 : memref<1x3x128xi32, #tpu.memory_space<hbm>> -> memref<3x128xi32, #tpu.memory_space<hbm>>
      %dma_start3A_41 = arith.constant 0 : i32
      %dma_start3A_42 = arith.constant 0 : i32
      %dma_start3A_43 = tpu.memref_slice %arg4[%mul3A_28, %dma_start3A_41, %dma_start3A_42] : memref<2561x3x128xi32, #tpu.memory_space<hbm>> -> memref<1x3x128xi32, #tpu.memory_space<hbm>>
      %dma_start3A_44 = tpu.memref_squeeze %dma_start3A_43 : memref<1x3x128xi32, #tpu.memory_space<hbm>> -> memref<3x128xi32, #tpu.memory_space<hbm>>
      tpu.enqueue_dma source(%dma_start3A_44 : memref<3x128xi32, #tpu.memory_space<hbm>>) target(%arg6 : memref<3x128xi32, #tpu.memory_space<vmem>>) target_semaphore(%run_scoped3A : memref<!tpu.dma_semaphore, #tpu.memory_space<semaphore_mem>>)
      %dma_wait3A = arith.constant 0 : i32
      %dma_wait3A_45 = arith.constant 0 : i32
      %dma_wait3A_46 = tpu.memref_slice %arg4[%mul3A_28, %dma_wait3A, %dma_wait3A_45] : memref<2561x3x128xi32, #tpu.memory_space<hbm>> -> memref<1x3x128xi32, #tpu.memory_space<hbm>>
      %dma_wait3A_47 = tpu.memref_squeeze %dma_wait3A_46 : memref<1x3x128xi32, #tpu.memory_space<hbm>> -> memref<3x128xi32, #tpu.memory_space<hbm>>
      %dma_wait3A_48 = arith.constant 0 : i32
      %dma_wait3A_49 = arith.constant 0 : i32
      %dma_wait3A_50 = tpu.memref_slice %arg4[%mul3A_28, %dma_wait3A_48, %dma_wait3A_49] : memref<2561x3x128xi32, #tpu.memory_space<hbm>> -> memref<1x3x128xi32, #tpu.memory_space<hbm>>
      %dma_wait3A_51 = tpu.memref_squeeze %dma_wait3A_50 : memref<1x3x128xi32, #tpu.memory_space<hbm>> -> memref<3x128xi32, #tpu.memory_space<hbm>>
      tpu.wait_dma2 semaphore(%run_scoped3A : memref<!tpu.dma_semaphore, #tpu.memory_space<semaphore_mem>>) src(%dma_wait3A_51 : memref<3x128xi32, #tpu.memory_space<hbm>>) dst(%arg6 : memref<3x128xi32, #tpu.memory_space<vmem>>)
      tpu.yield
    }) : () -> ()
    %scan3A_29 = arith.constant 0 : i32
    %scan3A_30 = arith.constant 0 : i32
    %scan3A_31 = arith.constant 40 : i32
    %scan3A_32 = arith.addi %scan3A_30, %scan3A_31 : i32
    %scan3A_33 = arith.constant 1 : i32
    scf.for %scan3A_38 = %scan3A_30 to %scan3A_32 step %scan3A_33  : i32 {
      %mul3A_39 = arith.constant 2 : i32
      %mul3A_40 = arith.muli %scan3A_38, %mul3A_39 : i32
      %add3A_41 = arith.addi %mul3A_28, %mul3A_40 : i32
      %dma_start3A = arith.constant 0 : i32
      %dma_start3A_42 = arith.constant 0 : i32
      %dma_start3A_43 = tpu.memref_slice %arg6[%dma_start3A, %dma_start3A_42] : memref<3x128xi32, #tpu.memory_space<vmem>> -> memref<1x128xi32, #tpu.memory_space<vmem>>
      %dma_start3A_44 = tpu.memref_squeeze %dma_start3A_43 : memref<1x128xi32, #tpu.memory_space<vmem>> -> memref<128xi32, #tpu.memory_space<vmem>>
      %dma_start3A_45 = arith.constant 0 : i32
      %dma_start3A_46 = arith.constant 0 : i32
      %dma_start3A_47 = tpu.memref_slice %arg2[%dma_start3A_45, %dma_start3A_46] : memref<10240x128xf32, #tpu.memory_space<hbm>> -> memref<10240x128xf32, #tpu.memory_space<hbm>>
      tpu.enqueue_indirect_dma source(%dma_start3A_47 : memref<10240x128xf32, #tpu.memory_space<hbm>>) target(%arg8 : memref<128x128xf32, #tpu.memory_space<vmem>>) offsets(%dma_start3A_44 : memref<128xi32, #tpu.memory_space<vmem>>) semaphore(%arg10 : memref<!tpu.dma_semaphore, #tpu.memory_space<semaphore_mem>>)
      %dma_start3A_48 = arith.constant 1 : i32
      %dma_start3A_49 = arith.constant 0 : i32
      %dma_start3A_50 = tpu.memref_slice %arg6[%dma_start3A_48, %dma_start3A_49] : memref<3x128xi32, #tpu.memory_space<vmem>> -> memref<1x128xi32, #tpu.memory_space<vmem>>
      %dma_start3A_51 = tpu.memref_squeeze %dma_start3A_50 : memref<1x128xi32, #tpu.memory_space<vmem>> -> memref<128xi32, #tpu.memory_space<vmem>>
      %dma_start3A_52 = arith.constant 0 : i32
      %dma_start3A_53 = arith.constant 0 : i32
      %dma_start3A_54 = tpu.memref_slice %arg3[%dma_start3A_52, %dma_start3A_53] : memref<480x128xf32, #tpu.memory_space<hbm>> -> memref<480x128xf32, #tpu.memory_space<hbm>>
      tpu.enqueue_indirect_dma source(%dma_start3A_54 : memref<480x128xf32, #tpu.memory_space<hbm>>) target(%arg9 : memref<128x128xf32, #tpu.memory_space<vmem>>) offsets(%dma_start3A_51 : memref<128xi32, #tpu.memory_space<vmem>>) semaphore(%arg11 : memref<!tpu.dma_semaphore, #tpu.memory_space<semaphore_mem>>)
      %add3A_55 = arith.constant 1 : i32
      %add3A_56 = arith.addi %add3A_41, %add3A_55 : i32
      "tpu.region"() ({
        %run_scoped3A = tpu.sem_alloc : memref<!tpu.dma_semaphore, #tpu.memory_space<semaphore_mem>>
        %dma_start3A_158 = arith.constant 0 : i32
        %dma_start3A_159 = arith.constant 0 : i32
        %dma_start3A_160 = tpu.memref_slice %arg4[%add3A_56, %dma_start3A_158, %dma_start3A_159] : memref<2561x3x128xi32, #tpu.memory_space<hbm>> -> memref<1x3x128xi32, #tpu.memory_space<hbm>>
        %dma_start3A_161 = tpu.memref_squeeze %dma_start3A_160 : memref<1x3x128xi32, #tpu.memory_space<hbm>> -> memref<3x128xi32, #tpu.memory_space<hbm>>
        %dma_start3A_162 = arith.constant 0 : i32
        %dma_start3A_163 = arith.constant 0 : i32
        %dma_start3A_164 = tpu.memref_slice %arg4[%add3A_56, %dma_start3A_162, %dma_start3A_163] : memref<2561x3x128xi32, #tpu.memory_space<hbm>> -> memref<1x3x128xi32, #tpu.memory_space<hbm>>
        %dma_start3A_165 = tpu.memref_squeeze %dma_start3A_164 : memref<1x3x128xi32, #tpu.memory_space<hbm>> -> memref<3x128xi32, #tpu.memory_space<hbm>>
        tpu.enqueue_dma source(%dma_start3A_165 : memref<3x128xi32, #tpu.memory_space<hbm>>) target(%arg7 : memref<3x128xi32, #tpu.memory_space<vmem>>) target_semaphore(%run_scoped3A : memref<!tpu.dma_semaphore, #tpu.memory_space<semaphore_mem>>)
        %dma_wait3A_166 = arith.constant 0 : i32
        %dma_wait3A_167 = arith.constant 0 : i32
        %dma_wait3A_168 = tpu.memref_slice %arg4[%add3A_56, %dma_wait3A_166, %dma_wait3A_167] : memref<2561x3x128xi32, #tpu.memory_space<hbm>> -> memref<1x3x128xi32, #tpu.memory_space<hbm>>
        %dma_wait3A_169 = tpu.memref_squeeze %dma_wait3A_168 : memref<1x3x128xi32, #tpu.memory_space<hbm>> -> memref<3x128xi32, #tpu.memory_space<hbm>>
        %dma_wait3A_170 = arith.constant 0 : i32
        %dma_wait3A_171 = arith.constant 0 : i32
        %dma_wait3A_172 = tpu.memref_slice %arg4[%add3A_56, %dma_wait3A_170, %dma_wait3A_171] : memref<2561x3x128xi32, #tpu.memory_space<hbm>> -> memref<1x3x128xi32, #tpu.memory_space<hbm>>
        %dma_wait3A_173 = tpu.memref_squeeze %dma_wait3A_172 : memref<1x3x128xi32, #tpu.memory_space<hbm>> -> memref<3x128xi32, #tpu.memory_space<hbm>>
        tpu.wait_dma2 semaphore(%run_scoped3A : memref<!tpu.dma_semaphore, #tpu.memory_space<semaphore_mem>>) src(%dma_wait3A_173 : memref<3x128xi32, #tpu.memory_space<hbm>>) dst(%arg7 : memref<3x128xi32, #tpu.memory_space<vmem>>)
        tpu.yield
      }) : () -> ()
      %dma_wait3A = arith.constant 0 : i32
      %dma_wait3A_57 = arith.constant 0 : i32
      %dma_wait3A_58 = tpu.memref_slice %arg6[%dma_wait3A, %dma_wait3A_57] : memref<3x128xi32, #tpu.memory_space<vmem>> -> memref<1x128xi32, #tpu.memory_space<vmem>>
      %dma_wait3A_59 = tpu.memref_squeeze %dma_wait3A_58 : memref<1x128xi32, #tpu.memory_space<vmem>> -> memref<128xi32, #tpu.memory_space<vmem>>
      %dma_wait3A_60 = arith.constant 0 : i32
      %dma_wait3A_61 = arith.constant 0 : i32
      %dma_wait3A_62 = tpu.memref_slice %arg2[%dma_wait3A_60, %dma_wait3A_61] : memref<10240x128xf32, #tpu.memory_space<hbm>> -> memref<10240x128xf32, #tpu.memory_space<hbm>>
      tpu.wait_indirect_dma semaphore(%arg10 : memref<!tpu.dma_semaphore, #tpu.memory_space<semaphore_mem>>) src(%dma_wait3A_62 : memref<10240x128xf32, #tpu.memory_space<hbm>>) dst(%arg8 : memref<128x128xf32, #tpu.memory_space<vmem>>)
      %dma_start3A_63 = arith.constant 2 : i32
      %dma_start3A_64 = arith.constant 0 : i32
      %dma_start3A_65 = tpu.memref_slice %arg6[%dma_start3A_63, %dma_start3A_64] : memref<3x128xi32, #tpu.memory_space<vmem>> -> memref<1x128xi32, #tpu.memory_space<vmem>>
      %dma_start3A_66 = tpu.memref_squeeze %dma_start3A_65 : memref<1x128xi32, #tpu.memory_space<vmem>> -> memref<128xi32, #tpu.memory_space<vmem>>
      %dma_start3A_67 = arith.constant 0 : i32
      %dma_start3A_68 = arith.constant 0 : i32
      %dma_start3A_69 = tpu.memref_slice %arg14[%dma_start3A_67, %dma_start3A_68] : memref<10112x128xf32, #tpu.memory_space<vmem_shared>> -> memref<10112x128xf32, #tpu.memory_space<vmem_shared>>
      tpu.enqueue_indirect_dma source(%arg8 : memref<128x128xf32, #tpu.memory_space<vmem>>) target(%dma_start3A_69 : memref<10112x128xf32, #tpu.memory_space<vmem_shared>>) offsets(%dma_start3A_66 : memref<128xi32, #tpu.memory_space<vmem>>) semaphore(%arg12 : memref<!tpu.dma_semaphore, #tpu.memory_space<semaphore_mem>>) {add = true}
      %dma_wait3A_70 = arith.constant 1 : i32
      %dma_wait3A_71 = arith.constant 0 : i32
      %dma_wait3A_72 = tpu.memref_slice %arg6[%dma_wait3A_70, %dma_wait3A_71] : memref<3x128xi32, #tpu.memory_space<vmem>> -> memref<1x128xi32, #tpu.memory_space<vmem>>
      %dma_wait3A_73 = tpu.memref_squeeze %dma_wait3A_72 : memref<1x128xi32, #tpu.memory_space<vmem>> -> memref<128xi32, #tpu.memory_space<vmem>>
      %dma_wait3A_74 = arith.constant 0 : i32
      %dma_wait3A_75 = arith.constant 0 : i32
      %dma_wait3A_76 = tpu.memref_slice %arg3[%dma_wait3A_74, %dma_wait3A_75] : memref<480x128xf32, #tpu.memory_space<hbm>> -> memref<480x128xf32, #tpu.memory_space<hbm>>
      tpu.wait_indirect_dma semaphore(%arg11 : memref<!tpu.dma_semaphore, #tpu.memory_space<semaphore_mem>>) src(%dma_wait3A_76 : memref<480x128xf32, #tpu.memory_space<hbm>>) dst(%arg9 : memref<128x128xf32, #tpu.memory_space<vmem>>)
      %dma_start3A_77 = arith.constant 2 : i32
      %dma_start3A_78 = arith.constant 0 : i32
      %dma_start3A_79 = tpu.memref_slice %arg6[%dma_start3A_77, %dma_start3A_78] : memref<3x128xi32, #tpu.memory_space<vmem>> -> memref<1x128xi32, #tpu.memory_space<vmem>>
      %dma_start3A_80 = tpu.memref_squeeze %dma_start3A_79 : memref<1x128xi32, #tpu.memory_space<vmem>> -> memref<128xi32, #tpu.memory_space<vmem>>
      %dma_start3A_81 = arith.constant 0 : i32
      %dma_start3A_82 = arith.constant 0 : i32
      %dma_start3A_83 = tpu.memref_slice %arg14[%dma_start3A_81, %dma_start3A_82] : memref<10112x128xf32, #tpu.memory_space<vmem_shared>> -> memref<10112x128xf32, #tpu.memory_space<vmem_shared>>
      tpu.enqueue_indirect_dma source(%arg9 : memref<128x128xf32, #tpu.memory_space<vmem>>) target(%dma_start3A_83 : memref<10112x128xf32, #tpu.memory_space<vmem_shared>>) offsets(%dma_start3A_80 : memref<128xi32, #tpu.memory_space<vmem>>) semaphore(%arg13 : memref<!tpu.dma_semaphore, #tpu.memory_space<semaphore_mem>>) {add = true}
      %dma_wait3A_84 = arith.constant 2 : i32
      %dma_wait3A_85 = arith.constant 0 : i32
      %dma_wait3A_86 = tpu.memref_slice %arg6[%dma_wait3A_84, %dma_wait3A_85] : memref<3x128xi32, #tpu.memory_space<vmem>> -> memref<1x128xi32, #tpu.memory_space<vmem>>
      %dma_wait3A_87 = tpu.memref_squeeze %dma_wait3A_86 : memref<1x128xi32, #tpu.memory_space<vmem>> -> memref<128xi32, #tpu.memory_space<vmem>>
      %dma_wait3A_88 = arith.constant 0 : i32
      %dma_wait3A_89 = arith.constant 0 : i32
      %dma_wait3A_90 = tpu.memref_slice %arg14[%dma_wait3A_88, %dma_wait3A_89] : memref<10112x128xf32, #tpu.memory_space<vmem_shared>> -> memref<10112x128xf32, #tpu.memory_space<vmem_shared>>
      tpu.wait_indirect_dma semaphore(%arg12 : memref<!tpu.dma_semaphore, #tpu.memory_space<semaphore_mem>>) src(%arg8 : memref<128x128xf32, #tpu.memory_space<vmem>>) dst(%dma_wait3A_90 : memref<10112x128xf32, #tpu.memory_space<vmem_shared>>)
      %dma_wait3A_91 = arith.constant 2 : i32
      %dma_wait3A_92 = arith.constant 0 : i32
      %dma_wait3A_93 = tpu.memref_slice %arg6[%dma_wait3A_91, %dma_wait3A_92] : memref<3x128xi32, #tpu.memory_space<vmem>> -> memref<1x128xi32, #tpu.memory_space<vmem>>
      %dma_wait3A_94 = tpu.memref_squeeze %dma_wait3A_93 : memref<1x128xi32, #tpu.memory_space<vmem>> -> memref<128xi32, #tpu.memory_space<vmem>>
      %dma_wait3A_95 = arith.constant 0 : i32
      %dma_wait3A_96 = arith.constant 0 : i32
      %dma_wait3A_97 = tpu.memref_slice %arg14[%dma_wait3A_95, %dma_wait3A_96] : memref<10112x128xf32, #tpu.memory_space<vmem_shared>> -> memref<10112x128xf32, #tpu.memory_space<vmem_shared>>
      tpu.wait_indirect_dma semaphore(%arg13 : memref<!tpu.dma_semaphore, #tpu.memory_space<semaphore_mem>>) src(%arg9 : memref<128x128xf32, #tpu.memory_space<vmem>>) dst(%dma_wait3A_97 : memref<10112x128xf32, #tpu.memory_space<vmem_shared>>)
      %add3A_98 = arith.constant 1 : i32
      %add3A_99 = arith.addi %add3A_41, %add3A_98 : i32
      %dma_start3A_100 = arith.constant 0 : i32
      %dma_start3A_101 = arith.constant 0 : i32
      %dma_start3A_102 = tpu.memref_slice %arg7[%dma_start3A_100, %dma_start3A_101] : memref<3x128xi32, #tpu.memory_space<vmem>> -> memref<1x128xi32, #tpu.memory_space<vmem>>
      %dma_start3A_103 = tpu.memref_squeeze %dma_start3A_102 : memref<1x128xi32, #tpu.memory_space<vmem>> -> memref<128xi32, #tpu.memory_space<vmem>>
      %dma_start3A_104 = arith.constant 0 : i32
      %dma_start3A_105 = arith.constant 0 : i32
      %dma_start3A_106 = tpu.memref_slice %arg2[%dma_start3A_104, %dma_start3A_105] : memref<10240x128xf32, #tpu.memory_space<hbm>> -> memref<10240x128xf32, #tpu.memory_space<hbm>>
      tpu.enqueue_indirect_dma source(%dma_start3A_106 : memref<10240x128xf32, #tpu.memory_space<hbm>>) target(%arg8 : memref<128x128xf32, #tpu.memory_space<vmem>>) offsets(%dma_start3A_103 : memref<128xi32, #tpu.memory_space<vmem>>) semaphore(%arg10 : memref<!tpu.dma_semaphore, #tpu.memory_space<semaphore_mem>>)
      %dma_start3A_107 = arith.constant 1 : i32
      %dma_start3A_108 = arith.constant 0 : i32
      %dma_start3A_109 = tpu.memref_slice %arg7[%dma_start3A_107, %dma_start3A_108] : memref<3x128xi32, #tpu.memory_space<vmem>> -> memref<1x128xi32, #tpu.memory_space<vmem>>
      %dma_start3A_110 = tpu.memref_squeeze %dma_start3A_109 : memref<1x128xi32, #tpu.memory_space<vmem>> -> memref<128xi32, #tpu.memory_space<vmem>>
      %dma_start3A_111 = arith.constant 0 : i32
      %dma_start3A_112 = arith.constant 0 : i32
      %dma_start3A_113 = tpu.memref_slice %arg3[%dma_start3A_111, %dma_start3A_112] : memref<480x128xf32, #tpu.memory_space<hbm>> -> memref<480x128xf32, #tpu.memory_space<hbm>>
      tpu.enqueue_indirect_dma source(%dma_start3A_113 : memref<480x128xf32, #tpu.memory_space<hbm>>) target(%arg9 : memref<128x128xf32, #tpu.memory_space<vmem>>) offsets(%dma_start3A_110 : memref<128xi32, #tpu.memory_space<vmem>>) semaphore(%arg11 : memref<!tpu.dma_semaphore, #tpu.memory_space<semaphore_mem>>)
      %add3A_114 = arith.constant 1 : i32
      %add3A_115 = arith.addi %add3A_99, %add3A_114 : i32
      "tpu.region"() ({
        %run_scoped3A = tpu.sem_alloc : memref<!tpu.dma_semaphore, #tpu.memory_space<semaphore_mem>>
        %dma_start3A_158 = arith.constant 0 : i32
        %dma_start3A_159 = arith.constant 0 : i32
        %dma_start3A_160 = tpu.memref_slice %arg4[%add3A_115, %dma_start3A_158, %dma_start3A_159] : memref<2561x3x128xi32, #tpu.memory_space<hbm>> -> memref<1x3x128xi32, #tpu.memory_space<hbm>>
        %dma_start3A_161 = tpu.memref_squeeze %dma_start3A_160 : memref<1x3x128xi32, #tpu.memory_space<hbm>> -> memref<3x128xi32, #tpu.memory_space<hbm>>
        %dma_start3A_162 = arith.constant 0 : i32
        %dma_start3A_163 = arith.constant 0 : i32
        %dma_start3A_164 = tpu.memref_slice %arg4[%add3A_115, %dma_start3A_162, %dma_start3A_163] : memref<2561x3x128xi32, #tpu.memory_space<hbm>> -> memref<1x3x128xi32, #tpu.memory_space<hbm>>
        %dma_start3A_165 = tpu.memref_squeeze %dma_start3A_164 : memref<1x3x128xi32, #tpu.memory_space<hbm>> -> memref<3x128xi32, #tpu.memory_space<hbm>>
        tpu.enqueue_dma source(%dma_start3A_165 : memref<3x128xi32, #tpu.memory_space<hbm>>) target(%arg6 : memref<3x128xi32, #tpu.memory_space<vmem>>) target_semaphore(%run_scoped3A : memref<!tpu.dma_semaphore, #tpu.memory_space<semaphore_mem>>)
        %dma_wait3A_166 = arith.constant 0 : i32
        %dma_wait3A_167 = arith.constant 0 : i32
        %dma_wait3A_168 = tpu.memref_slice %arg4[%add3A_115, %dma_wait3A_166, %dma_wait3A_167] : memref<2561x3x128xi32, #tpu.memory_space<hbm>> -> memref<1x3x128xi32, #tpu.memory_space<hbm>>
        %dma_wait3A_169 = tpu.memref_squeeze %dma_wait3A_168 : memref<1x3x128xi32, #tpu.memory_space<hbm>> -> memref<3x128xi32, #tpu.memory_space<hbm>>
        %dma_wait3A_170 = arith.constant 0 : i32
        %dma_wait3A_171 = arith.constant 0 : i32
        %dma_wait3A_172 = tpu.memref_slice %arg4[%add3A_115, %dma_wait3A_170, %dma_wait3A_171] : memref<2561x3x128xi32, #tpu.memory_space<hbm>> -> memref<1x3x128xi32, #tpu.memory_space<hbm>>
        %dma_wait3A_173 = tpu.memref_squeeze %dma_wait3A_172 : memref<1x3x128xi32, #tpu.memory_space<hbm>> -> memref<3x128xi32, #tpu.memory_space<hbm>>
        tpu.wait_dma2 semaphore(%run_scoped3A : memref<!tpu.dma_semaphore, #tpu.memory_space<semaphore_mem>>) src(%dma_wait3A_173 : memref<3x128xi32, #tpu.memory_space<hbm>>) dst(%arg6 : memref<3x128xi32, #tpu.memory_space<vmem>>)
        tpu.yield
      }) : () -> ()
      %dma_wait3A_116 = arith.constant 0 : i32
      %dma_wait3A_117 = arith.constant 0 : i32
      %dma_wait3A_118 = tpu.memref_slice %arg7[%dma_wait3A_116, %dma_wait3A_117] : memref<3x128xi32, #tpu.memory_space<vmem>> -> memref<1x128xi32, #tpu.memory_space<vmem>>
      %dma_wait3A_119 = tpu.memref_squeeze %dma_wait3A_118 : memref<1x128xi32, #tpu.memory_space<vmem>> -> memref<128xi32, #tpu.memory_space<vmem>>
      %dma_wait3A_120 = arith.constant 0 : i32
      %dma_wait3A_121 = arith.constant 0 : i32
      %dma_wait3A_122 = tpu.memref_slice %arg2[%dma_wait3A_120, %dma_wait3A_121] : memref<10240x128xf32, #tpu.memory_space<hbm>> -> memref<10240x128xf32, #tpu.memory_space<hbm>>
      tpu.wait_indirect_dma semaphore(%arg10 : memref<!tpu.dma_semaphore, #tpu.memory_space<semaphore_mem>>) src(%dma_wait3A_122 : memref<10240x128xf32, #tpu.memory_space<hbm>>) dst(%arg8 : memref<128x128xf32, #tpu.memory_space<vmem>>)
      %dma_start3A_123 = arith.constant 2 : i32
      %dma_start3A_124 = arith.constant 0 : i32
      %dma_start3A_125 = tpu.memref_slice %arg7[%dma_start3A_123, %dma_start3A_124] : memref<3x128xi32, #tpu.memory_space<vmem>> -> memref<1x128xi32, #tpu.memory_space<vmem>>
      %dma_start3A_126 = tpu.memref_squeeze %dma_start3A_125 : memref<1x128xi32, #tpu.memory_space<vmem>> -> memref<128xi32, #tpu.memory_space<vmem>>
      %dma_start3A_127 = arith.constant 0 : i32
      %dma_start3A_128 = arith.constant 0 : i32
      %dma_start3A_129 = tpu.memref_slice %arg14[%dma_start3A_127, %dma_start3A_128] : memref<10112x128xf32, #tpu.memory_space<vmem_shared>> -> memref<10112x128xf32, #tpu.memory_space<vmem_shared>>
      tpu.enqueue_indirect_dma source(%arg8 : memref<128x128xf32, #tpu.memory_space<vmem>>) target(%dma_start3A_129 : memref<10112x128xf32, #tpu.memory_space<vmem_shared>>) offsets(%dma_start3A_126 : memref<128xi32, #tpu.memory_space<vmem>>) semaphore(%arg12 : memref<!tpu.dma_semaphore, #tpu.memory_space<semaphore_mem>>) {add = true}
      %dma_wait3A_130 = arith.constant 1 : i32
      %dma_wait3A_131 = arith.constant 0 : i32
      %dma_wait3A_132 = tpu.memref_slice %arg7[%dma_wait3A_130, %dma_wait3A_131] : memref<3x128xi32, #tpu.memory_space<vmem>> -> memref<1x128xi32, #tpu.memory_space<vmem>>
      %dma_wait3A_133 = tpu.memref_squeeze %dma_wait3A_132 : memref<1x128xi32, #tpu.memory_space<vmem>> -> memref<128xi32, #tpu.memory_space<vmem>>
      %dma_wait3A_134 = arith.constant 0 : i32
      %dma_wait3A_135 = arith.constant 0 : i32
      %dma_wait3A_136 = tpu.memref_slice %arg3[%dma_wait3A_134, %dma_wait3A_135] : memref<480x128xf32, #tpu.memory_space<hbm>> -> memref<480x128xf32, #tpu.memory_space<hbm>>
      tpu.wait_indirect_dma semaphore(%arg11 : memref<!tpu.dma_semaphore, #tpu.memory_space<semaphore_mem>>) src(%dma_wait3A_136 : memref<480x128xf32, #tpu.memory_space<hbm>>) dst(%arg9 : memref<128x128xf32, #tpu.memory_space<vmem>>)
      %dma_start3A_137 = arith.constant 2 : i32
      %dma_start3A_138 = arith.constant 0 : i32
      %dma_start3A_139 = tpu.memref_slice %arg7[%dma_start3A_137, %dma_start3A_138] : memref<3x128xi32, #tpu.memory_space<vmem>> -> memref<1x128xi32, #tpu.memory_space<vmem>>
      %dma_start3A_140 = tpu.memref_squeeze %dma_start3A_139 : memref<1x128xi32, #tpu.memory_space<vmem>> -> memref<128xi32, #tpu.memory_space<vmem>>
      %dma_start3A_141 = arith.constant 0 : i32
      %dma_start3A_142 = arith.constant 0 : i32
      %dma_start3A_143 = tpu.memref_slice %arg14[%dma_start3A_141, %dma_start3A_142] : memref<10112x128xf32, #tpu.memory_space<vmem_shared>> -> memref<10112x128xf32, #tpu.memory_space<vmem_shared>>
      tpu.enqueue_indirect_dma source(%arg9 : memref<128x128xf32, #tpu.memory_space<vmem>>) target(%dma_start3A_143 : memref<10112x128xf32, #tpu.memory_space<vmem_shared>>) offsets(%dma_start3A_140 : memref<128xi32, #tpu.memory_space<vmem>>) semaphore(%arg13 : memref<!tpu.dma_semaphore, #tpu.memory_space<semaphore_mem>>) {add = true}
      %dma_wait3A_144 = arith.constant 2 : i32
      %dma_wait3A_145 = arith.constant 0 : i32
      %dma_wait3A_146 = tpu.memref_slice %arg7[%dma_wait3A_144, %dma_wait3A_145] : memref<3x128xi32, #tpu.memory_space<vmem>> -> memref<1x128xi32, #tpu.memory_space<vmem>>
      %dma_wait3A_147 = tpu.memref_squeeze %dma_wait3A_146 : memref<1x128xi32, #tpu.memory_space<vmem>> -> memref<128xi32, #tpu.memory_space<vmem>>
      %dma_wait3A_148 = arith.constant 0 : i32
      %dma_wait3A_149 = arith.constant 0 : i32
      %dma_wait3A_150 = tpu.memref_slice %arg14[%dma_wait3A_148, %dma_wait3A_149] : memref<10112x128xf32, #tpu.memory_space<vmem_shared>> -> memref<10112x128xf32, #tpu.memory_space<vmem_shared>>
      tpu.wait_indirect_dma semaphore(%arg12 : memref<!tpu.dma_semaphore, #tpu.memory_space<semaphore_mem>>) src(%arg8 : memref<128x128xf32, #tpu.memory_space<vmem>>) dst(%dma_wait3A_150 : memref<10112x128xf32, #tpu.memory_space<vmem_shared>>)
      %dma_wait3A_151 = arith.constant 2 : i32
      %dma_wait3A_152 = arith.constant 0 : i32
      %dma_wait3A_153 = tpu.memref_slice %arg7[%dma_wait3A_151, %dma_wait3A_152] : memref<3x128xi32, #tpu.memory_space<vmem>> -> memref<1x128xi32, #tpu.memory_space<vmem>>
      %dma_wait3A_154 = tpu.memref_squeeze %dma_wait3A_153 : memref<1x128xi32, #tpu.memory_space<vmem>> -> memref<128xi32, #tpu.memory_space<vmem>>
      %dma_wait3A_155 = arith.constant 0 : i32
      %dma_wait3A_156 = arith.constant 0 : i32
      %dma_wait3A_157 = tpu.memref_slice %arg14[%dma_wait3A_155, %dma_wait3A_156] : memref<10112x128xf32, #tpu.memory_space<vmem_shared>> -> memref<10112x128xf32, #tpu.memory_space<vmem_shared>>
      tpu.wait_indirect_dma semaphore(%arg13 : memref<!tpu.dma_semaphore, #tpu.memory_space<semaphore_mem>>) src(%arg9 : memref<128x128xf32, #tpu.memory_space<vmem>>) dst(%dma_wait3A_157 : memref<10112x128xf32, #tpu.memory_space<vmem_shared>>)
    }
    %scan3A_34 = arith.constant 40 : i32
    %barrier3A_35 = arith.constant 0 : index
    tpu.barrier barrier_id(%barrier3A_35)
    %mul3A_36 = arith.constant 632 : i32
    %mul3A_37 = arith.muli %arg1, %mul3A_36 : i32
    "tpu.region"() ({
      %run_scoped3A = tpu.sem_alloc : memref<!tpu.dma_semaphore, #tpu.memory_space<semaphore_mem>>
      %dma_start3A = arith.constant 0 : i32
      %dma_start3A_38 = tpu.memref_slice %arg5[%arg0, %mul3A_37, %dma_start3A] : memref<2x10240x128xf32, #tpu.memory_space<hbm>> -> memref<1x632x128xf32, #tpu.memory_space<hbm>>
      %dma_start3A_39 = tpu.memref_squeeze %dma_start3A_38 : memref<1x632x128xf32, #tpu.memory_space<hbm>> -> memref<632x128xf32, #tpu.memory_space<hbm>>
      %dma_start3A_40 = arith.constant 0 : i32
      %dma_start3A_41 = tpu.memref_slice %arg14[%mul3A_37, %dma_start3A_40] : memref<10112x128xf32, #tpu.memory_space<vmem_shared>> -> memref<632x128xf32, #tpu.memory_space<vmem_shared>>
      tpu.enqueue_dma source(%dma_start3A_41 : memref<632x128xf32, #tpu.memory_space<vmem_shared>>) target(%dma_start3A_39 : memref<632x128xf32, #tpu.memory_space<hbm>>) target_semaphore(%run_scoped3A : memref<!tpu.dma_semaphore, #tpu.memory_space<semaphore_mem>>)
      %dma_wait3A = arith.constant 0 : i32
      %dma_wait3A_42 = tpu.memref_slice %arg5[%arg0, %mul3A_37, %dma_wait3A] : memref<2x10240x128xf32, #tpu.memory_space<hbm>> -> memref<1x632x128xf32, #tpu.memory_space<hbm>>
      %dma_wait3A_43 = tpu.memref_squeeze %dma_wait3A_42 : memref<1x632x128xf32, #tpu.memory_space<hbm>> -> memref<632x128xf32, #tpu.memory_space<hbm>>
      %dma_wait3A_44 = arith.constant 0 : i32
      %dma_wait3A_45 = tpu.memref_slice %arg14[%mul3A_37, %dma_wait3A_44] : memref<10112x128xf32, #tpu.memory_space<vmem_shared>> -> memref<632x128xf32, #tpu.memory_space<vmem_shared>>
      tpu.wait_dma2 semaphore(%run_scoped3A : memref<!tpu.dma_semaphore, #tpu.memory_space<semaphore_mem>>) src(%dma_wait3A_45 : memref<632x128xf32, #tpu.memory_space<vmem_shared>>) dst(%dma_wait3A_43 : memref<632x128xf32, #tpu.memory_space<hbm>>)
      tpu.yield
    }) : () -> ()
    return
  }
}

#map = affine_map<(d0, d1) -> (0, 0)>
#map1 = affine_map<(d0, d1) -> (0, 0, 0)>
module attributes {stable_mosaic.version = 14 : i64} {
  func.func @body(%arg0: i32, %arg1: i32, %arg2: memref<10240x128xf32, #tpu.memory_space<hbm>>, %arg3: memref<480x128xf32, #tpu.memory_space<hbm>>, %arg4: memref<2561x3x128xi32, #tpu.memory_space<hbm>>, %arg5: memref<2x10240x128xf32, #tpu.memory_space<hbm>>, %arg6: memref<3x128xi32, #tpu.memory_space<vmem>>, %arg7: memref<3x128xi32, #tpu.memory_space<vmem>>, %arg8: memref<128x128xf32, #tpu.memory_space<vmem>>, %arg9: memref<128x128xf32, #tpu.memory_space<vmem>>, %arg10: memref<!tpu.dma_semaphore, #tpu.memory_space<semaphore_mem>>, %arg11: memref<!tpu.dma_semaphore, #tpu.memory_space<semaphore_mem>>, %arg12: memref<!tpu.dma_semaphore, #tpu.memory_space<semaphore_mem>>, %arg13: memref<!tpu.dma_semaphore, #tpu.memory_space<semaphore_mem>>, %arg14: memref<10112x128xf32, #tpu.memory_space<vmem_shared>>) attributes {dimension_semantics = [#tpu.dimension_semantics<core_parallel>, #tpu.dimension_semantics<subcore_parallel>], iteration_bounds = array<i64: 2, 16>, scalar_prefetch = 0 : i64, scratch_operands = 9 : i64, tpu.core_type = #tpu.core_type<sc_vector_subcore>, window_params = [{transform_indices = #map}, {transform_indices = #map}, {transform_indices = #map1}, {transform_indices = #map1}]} {
    %broadcast_in_dim3A = arith.constant 0.000000e+00 : f32
    %broadcast_in_dim3A_0 = vector.broadcast %broadcast_in_dim3A : f32 to vector<16xf32>
    %scan3A = arith.constant 0 : i32
    %scan3A_1 = arith.constant 0 : i32
    %scan3A_2 = arith.constant 128 : i32
    %scan3A_3 = arith.addi %scan3A_1, %scan3A_2 : i32
    %scan3A_4 = arith.constant 1 : i32
    scf.for %scan3A_38 = %scan3A_1 to %scan3A_3 step %scan3A_4  : i32 {
      %swap3A = arith.index_cast %scan3A_38 : i32 to index
      %swap3A_39 = arith.constant 0 : index
      %swap3A_40 = tpu.vector_load %arg8[%swap3A, %swap3A_39] {strides = array<i32>} : memref<128x128xf32, #tpu.memory_space<vmem>>, vector<1x16xf32>,
      %swap3A_41 = vector.shape_cast %swap3A_40 : vector<1x16xf32> to vector<16xf32>
      %swap3A_42 = vector.shape_cast %broadcast_in_dim3A_0 : vector<16xf32> to vector<1x16xf32>
      tpu.vector_store %arg8[%swap3A, %swap3A_39], %swap3A_42 {strides = array<i32>} : memref<128x128xf32, #tpu.memory_space<vmem>>, vector<1x16xf32>,
      %swap3A_43 = arith.index_cast %scan3A_38 : i32 to index
      %swap3A_44 = arith.constant 16 : index
      %swap3A_45 = tpu.vector_load %arg8[%swap3A_43, %swap3A_44] {strides = array<i32>} : memref<128x128xf32, #tpu.memory_space<vmem>>, vector<1x16xf32>,
      %swap3A_46 = vector.shape_cast %swap3A_45 : vector<1x16xf32> to vector<16xf32>
      %swap3A_47 = vector.shape_cast %broadcast_in_dim3A_0 : vector<16xf32> to vector<1x16xf32>
      tpu.vector_store %arg8[%swap3A_43, %swap3A_44], %swap3A_47 {strides = array<i32>} : memref<128x128xf32, #tpu.memory_space<vmem>>, vector<1x16xf32>,
      %swap3A_48 = arith.index_cast %scan3A_38 : i32 to index
      %swap3A_49 = arith.constant 32 : index
      %swap3A_50 = tpu.vector_load %arg8[%swap3A_48, %swap3A_49] {strides = array<i32>} : memref<128x128xf32, #tpu.memory_space<vmem>>, vector<1x16xf32>,
      %swap3A_51 = vector.shape_cast %swap3A_50 : vector<1x16xf32> to vector<16xf32>
      %swap3A_52 = vector.shape_cast %broadcast_in_dim3A_0 : vector<16xf32> to vector<1x16xf32>
      tpu.vector_store %arg8[%swap3A_48, %swap3A_49], %swap3A_52 {strides = array<i32>} : memref<128x128xf32, #tpu.memory_space<vmem>>, vector<1x16xf32>,
      %swap3A_53 = arith.index_cast %scan3A_38 : i32 to index
      %swap3A_54 = arith.constant 48 : index
      %swap3A_55 = tpu.vector_load %arg8[%swap3A_53, %swap3A_54] {strides = array<i32>} : memref<128x128xf32, #tpu.memory_space<vmem>>, vector<1x16xf32>,
      %swap3A_56 = vector.shape_cast %swap3A_55 : vector<1x16xf32> to vector<16xf32>
      %swap3A_57 = vector.shape_cast %broadcast_in_dim3A_0 : vector<16xf32> to vector<1x16xf32>
      tpu.vector_store %arg8[%swap3A_53, %swap3A_54], %swap3A_57 {strides = array<i32>} : memref<128x128xf32, #tpu.memory_space<vmem>>, vector<1x16xf32>,
      %swap3A_58 = arith.index_cast %scan3A_38 : i32 to index
      %swap3A_59 = arith.constant 64 : index
      %swap3A_60 = tpu.vector_load %arg8[%swap3A_58, %swap3A_59] {strides = array<i32>} : memref<128x128xf32, #tpu.memory_space<vmem>>, vector<1x16xf32>,
      %swap3A_61 = vector.shape_cast %swap3A_60 : vector<1x16xf32> to vector<16xf32>
      %swap3A_62 = vector.shape_cast %broadcast_in_dim3A_0 : vector<16xf32> to vector<1x16xf32>
      tpu.vector_store %arg8[%swap3A_58, %swap3A_59], %swap3A_62 {strides = array<i32>} : memref<128x128xf32, #tpu.memory_space<vmem>>, vector<1x16xf32>,
      %swap3A_63 = arith.index_cast %scan3A_38 : i32 to index
      %swap3A_64 = arith.constant 80 : index
      %swap3A_65 = tpu.vector_load %arg8[%swap3A_63, %swap3A_64] {strides = array<i32>} : memref<128x128xf32, #tpu.memory_space<vmem>>, vector<1x16xf32>,
      %swap3A_66 = vector.shape_cast %swap3A_65 : vector<1x16xf32> to vector<16xf32>
      %swap3A_67 = vector.shape_cast %broadcast_in_dim3A_0 : vector<16xf32> to vector<1x16xf32>
      tpu.vector_store %arg8[%swap3A_63, %swap3A_64], %swap3A_67 {strides = array<i32>} : memref<128x128xf32, #tpu.memory_space<vmem>>, vector<1x16xf32>,
      %swap3A_68 = arith.index_cast %scan3A_38 : i32 to index
      %swap3A_69 = arith.constant 96 : index
      %swap3A_70 = tpu.vector_load %arg8[%swap3A_68, %swap3A_69] {strides = array<i32>} : memref<128x128xf32, #tpu.memory_space<vmem>>, vector<1x16xf32>,
      %swap3A_71 = vector.shape_cast %swap3A_70 : vector<1x16xf32> to vector<16xf32>
      %swap3A_72 = vector.shape_cast %broadcast_in_dim3A_0 : vector<16xf32> to vector<1x16xf32>
      tpu.vector_store %arg8[%swap3A_68, %swap3A_69], %swap3A_72 {strides = array<i32>} : memref<128x128xf32, #tpu.memory_space<vmem>>, vector<1x16xf32>,
      %swap3A_73 = arith.index_cast %scan3A_38 : i32 to index
      %swap3A_74 = arith.constant 112 : index
      %swap3A_75 = tpu.vector_load %arg8[%swap3A_73, %swap3A_74] {strides = array<i32>} : memref<128x128xf32, #tpu.memory_space<vmem>>, vector<1x16xf32>,
      %swap3A_76 = vector.shape_cast %swap3A_75 : vector<1x16xf32> to vector<16xf32>
      %swap3A_77 = vector.shape_cast %broadcast_in_dim3A_0 : vector<16xf32> to vector<1x16xf32>
      tpu.vector_store %arg8[%swap3A_73, %swap3A_74], %swap3A_77 {strides = array<i32>} : memref<128x128xf32, #tpu.memory_space<vmem>>, vector<1x16xf32>,
    }
    %scan3A_5 = arith.constant 128 : i32
    %mul3A = arith.constant 632 : i32
    %mul3A_6 = arith.muli %arg1, %mul3A : i32
    %add3A = arith.constant 0 : i32
    %add3A_7 = arith.addi %mul3A_6, %add3A : i32
    "tpu.region"() ({
      %run_scoped3A = tpu.sem_alloc : memref<!tpu.dma_semaphore, #tpu.memory_space<semaphore_mem>>
      %dma_start3A = arith.constant 0 : i32
      %dma_start3A_38 = arith.constant 0 : i32
      %dma_start3A_39 = tpu.memref_slice %arg8[%dma_start3A, %dma_start3A_38] : memref<128x128xf32, #tpu.memory_space<vmem>> -> memref<128x128xf32, #tpu.memory_space<vmem>>
      %dma_start3A_40 = arith.constant 0 : i32
      %dma_start3A_41 = tpu.memref_slice %arg14[%add3A_7, %dma_start3A_40] : memref<10112x128xf32, #tpu.memory_space<vmem_shared>> -> memref<128x128xf32, #tpu.memory_space<vmem_shared>>
      %dma_start3A_42 = arith.constant 0 : i32
      %dma_start3A_43 = tpu.memref_slice %arg14[%add3A_7, %dma_start3A_42] : memref<10112x128xf32, #tpu.memory_space<vmem_shared>> -> memref<128x128xf32, #tpu.memory_space<vmem_shared>>
      %dma_start3A_44 = arith.constant 0 : i32
      %dma_start3A_45 = arith.constant 0 : i32
      %dma_start3A_46 = tpu.memref_slice %arg8[%dma_start3A_44, %dma_start3A_45] : memref<128x128xf32, #tpu.memory_space<vmem>> -> memref<128x128xf32, #tpu.memory_space<vmem>>
      tpu.enqueue_dma source(%dma_start3A_46 : memref<128x128xf32, #tpu.memory_space<vmem>>) target(%dma_start3A_43 : memref<128x128xf32, #tpu.memory_space<vmem_shared>>) target_semaphore(%run_scoped3A : memref<!tpu.dma_semaphore, #tpu.memory_space<semaphore_mem>>)
      %dma_wait3A = arith.constant 0 : i32
      %dma_wait3A_47 = arith.constant 0 : i32
      %dma_wait3A_48 = tpu.memref_slice %arg8[%dma_wait3A, %dma_wait3A_47] : memref<128x128xf32, #tpu.memory_space<vmem>> -> memref<128x128xf32, #tpu.memory_space<vmem>>
      %dma_wait3A_49 = arith.constant 0 : i32
      %dma_wait3A_50 = tpu.memref_slice %arg14[%add3A_7, %dma_wait3A_49] : memref<10112x128xf32, #tpu.memory_space<vmem_shared>> -> memref<128x128xf32, #tpu.memory_space<vmem_shared>>
      %dma_wait3A_51 = arith.constant 0 : i32
      %dma_wait3A_52 = tpu.memref_slice %arg14[%add3A_7, %dma_wait3A_51] : memref<10112x128xf32, #tpu.memory_space<vmem_shared>> -> memref<128x128xf32, #tpu.memory_space<vmem_shared>>
      %dma_wait3A_53 = arith.constant 0 : i32
      %dma_wait3A_54 = arith.constant 0 : i32
      %dma_wait3A_55 = tpu.memref_slice %arg8[%dma_wait3A_53, %dma_wait3A_54] : memref<128x128xf32, #tpu.memory_space<vmem>> -> memref<128x128xf32, #tpu.memory_space<vmem>>
      tpu.wait_dma2 semaphore(%run_scoped3A : memref<!tpu.dma_semaphore, #tpu.memory_space<semaphore_mem>>) src(%dma_wait3A_55 : memref<128x128xf32, #tpu.memory_space<vmem>>) dst(%dma_wait3A_52 : memref<128x128xf32, #tpu.memory_space<vmem_shared>>)
      tpu.yield
    }) : () -> ()
    %mul3A_8 = arith.constant 632 : i32
    %mul3A_9 = arith.muli %arg1, %mul3A_8 : i32
    %add3A_10 = arith.constant 128 : i32
    %add3A_11 = arith.addi %mul3A_9, %add3A_10 : i32
    "tpu.region"() ({
      %run_scoped3A = tpu.sem_alloc : memref<!tpu.dma_semaphore, #tpu.memory_space<semaphore_mem>>
      %dma_start3A = arith.constant 0 : i32
      %dma_start3A_38 = arith.constant 0 : i32
      %dma_start3A_39 = tpu.memref_slice %arg8[%dma_start3A, %dma_start3A_38] : memref<128x128xf32, #tpu.memory_space<vmem>> -> memref<128x128xf32, #tpu.memory_space<vmem>>
      %dma_start3A_40 = arith.constant 0 : i32
      %dma_start3A_41 = tpu.memref_slice %arg14[%add3A_11, %dma_start3A_40] : memref<10112x128xf32, #tpu.memory_space<vmem_shared>> -> memref<128x128xf32, #tpu.memory_space<vmem_shared>>
      %dma_start3A_42 = arith.constant 0 : i32
      %dma_start3A_43 = tpu.memref_slice %arg14[%add3A_11, %dma_start3A_42] : memref<10112x128xf32, #tpu.memory_space<vmem_shared>> -> memref<128x128xf32, #tpu.memory_space<vmem_shared>>
      %dma_start3A_44 = arith.constant 0 : i32
      %dma_start3A_45 = arith.constant 0 : i32
      %dma_start3A_46 = tpu.memref_slice %arg8[%dma_start3A_44, %dma_start3A_45] : memref<128x128xf32, #tpu.memory_space<vmem>> -> memref<128x128xf32, #tpu.memory_space<vmem>>
      tpu.enqueue_dma source(%dma_start3A_46 : memref<128x128xf32, #tpu.memory_space<vmem>>) target(%dma_start3A_43 : memref<128x128xf32, #tpu.memory_space<vmem_shared>>) target_semaphore(%run_scoped3A : memref<!tpu.dma_semaphore, #tpu.memory_space<semaphore_mem>>)
      %dma_wait3A = arith.constant 0 : i32
      %dma_wait3A_47 = arith.constant 0 : i32
      %dma_wait3A_48 = tpu.memref_slice %arg8[%dma_wait3A, %dma_wait3A_47] : memref<128x128xf32, #tpu.memory_space<vmem>> -> memref<128x128xf32, #tpu.memory_space<vmem>>
      %dma_wait3A_49 = arith.constant 0 : i32
      %dma_wait3A_50 = tpu.memref_slice %arg14[%add3A_11, %dma_wait3A_49] : memref<10112x128xf32, #tpu.memory_space<vmem_shared>> -> memref<128x128xf32, #tpu.memory_space<vmem_shared>>
      %dma_wait3A_51 = arith.constant 0 : i32
      %dma_wait3A_52 = tpu.memref_slice %arg14[%add3A_11, %dma_wait3A_51] : memref<10112x128xf32, #tpu.memory_space<vmem_shared>> -> memref<128x128xf32, #tpu.memory_space<vmem_shared>>
      %dma_wait3A_53 = arith.constant 0 : i32
      %dma_wait3A_54 = arith.constant 0 : i32
      %dma_wait3A_55 = tpu.memref_slice %arg8[%dma_wait3A_53, %dma_wait3A_54] : memref<128x128xf32, #tpu.memory_space<vmem>> -> memref<128x128xf32, #tpu.memory_space<vmem>>
      tpu.wait_dma2 semaphore(%run_scoped3A : memref<!tpu.dma_semaphore, #tpu.memory_space<semaphore_mem>>) src(%dma_wait3A_55 : memref<128x128xf32, #tpu.memory_space<vmem>>) dst(%dma_wait3A_52 : memref<128x128xf32, #tpu.memory_space<vmem_shared>>)
      tpu.yield
    }) : () -> ()
    %mul3A_12 = arith.constant 632 : i32
    %mul3A_13 = arith.muli %arg1, %mul3A_12 : i32
    %add3A_14 = arith.constant 256 : i32
    %add3A_15 = arith.addi %mul3A_13, %add3A_14 : i32
    "tpu.region"() ({
      %run_scoped3A = tpu.sem_alloc : memref<!tpu.dma_semaphore, #tpu.memory_space<semaphore_mem>>
      %dma_start3A = arith.constant 0 : i32
      %dma_start3A_38 = arith.constant 0 : i32
      %dma_start3A_39 = tpu.memref_slice %arg8[%dma_start3A, %dma_start3A_38] : memref<128x128xf32, #tpu.memory_space<vmem>> -> memref<128x128xf32, #tpu.memory_space<vmem>>
      %dma_start3A_40 = arith.constant 0 : i32
      %dma_start3A_41 = tpu.memref_slice %arg14[%add3A_15, %dma_start3A_40] : memref<10112x128xf32, #tpu.memory_space<vmem_shared>> -> memref<128x128xf32, #tpu.memory_space<vmem_shared>>
      %dma_start3A_42 = arith.constant 0 : i32
      %dma_start3A_43 = tpu.memref_slice %arg14[%add3A_15, %dma_start3A_42] : memref<10112x128xf32, #tpu.memory_space<vmem_shared>> -> memref<128x128xf32, #tpu.memory_space<vmem_shared>>
      %dma_start3A_44 = arith.constant 0 : i32
      %dma_start3A_45 = arith.constant 0 : i32
      %dma_start3A_46 = tpu.memref_slice %arg8[%dma_start3A_44, %dma_start3A_45] : memref<128x128xf32, #tpu.memory_space<vmem>> -> memref<128x128xf32, #tpu.memory_space<vmem>>
      tpu.enqueue_dma source(%dma_start3A_46 : memref<128x128xf32, #tpu.memory_space<vmem>>) target(%dma_start3A_43 : memref<128x128xf32, #tpu.memory_space<vmem_shared>>) target_semaphore(%run_scoped3A : memref<!tpu.dma_semaphore, #tpu.memory_space<semaphore_mem>>)
      %dma_wait3A = arith.constant 0 : i32
      %dma_wait3A_47 = arith.constant 0 : i32
      %dma_wait3A_48 = tpu.memref_slice %arg8[%dma_wait3A, %dma_wait3A_47] : memref<128x128xf32, #tpu.memory_space<vmem>> -> memref<128x128xf32, #tpu.memory_space<vmem>>
      %dma_wait3A_49 = arith.constant 0 : i32
      %dma_wait3A_50 = tpu.memref_slice %arg14[%add3A_15, %dma_wait3A_49] : memref<10112x128xf32, #tpu.memory_space<vmem_shared>> -> memref<128x128xf32, #tpu.memory_space<vmem_shared>>
      %dma_wait3A_51 = arith.constant 0 : i32
      %dma_wait3A_52 = tpu.memref_slice %arg14[%add3A_15, %dma_wait3A_51] : memref<10112x128xf32, #tpu.memory_space<vmem_shared>> -> memref<128x128xf32, #tpu.memory_space<vmem_shared>>
      %dma_wait3A_53 = arith.constant 0 : i32
      %dma_wait3A_54 = arith.constant 0 : i32
      %dma_wait3A_55 = tpu.memref_slice %arg8[%dma_wait3A_53, %dma_wait3A_54] : memref<128x128xf32, #tpu.memory_space<vmem>> -> memref<128x128xf32, #tpu.memory_space<vmem>>
      tpu.wait_dma2 semaphore(%run_scoped3A : memref<!tpu.dma_semaphore, #tpu.memory_space<semaphore_mem>>) src(%dma_wait3A_55 : memref<128x128xf32, #tpu.memory_space<vmem>>) dst(%dma_wait3A_52 : memref<128x128xf32, #tpu.memory_space<vmem_shared>>)
      tpu.yield
    }) : () -> ()
    %mul3A_16 = arith.constant 632 : i32
    %mul3A_17 = arith.muli %arg1, %mul3A_16 : i32
    %add3A_18 = arith.constant 384 : i32
    %add3A_19 = arith.addi %mul3A_17, %add3A_18 : i32
    "tpu.region"() ({
      %run_scoped3A = tpu.sem_alloc : memref<!tpu.dma_semaphore, #tpu.memory_space<semaphore_mem>>
      %dma_start3A = arith.constant 0 : i32
      %dma_start3A_38 = arith.constant 0 : i32
      %dma_start3A_39 = tpu.memref_slice %arg8[%dma_start3A, %dma_start3A_38] : memref<128x128xf32, #tpu.memory_space<vmem>> -> memref<128x128xf32, #tpu.memory_space<vmem>>
      %dma_start3A_40 = arith.constant 0 : i32
      %dma_start3A_41 = tpu.memref_slice %arg14[%add3A_19, %dma_start3A_40] : memref<10112x128xf32, #tpu.memory_space<vmem_shared>> -> memref<128x128xf32, #tpu.memory_space<vmem_shared>>
      %dma_start3A_42 = arith.constant 0 : i32
      %dma_start3A_43 = tpu.memref_slice %arg14[%add3A_19, %dma_start3A_42] : memref<10112x128xf32, #tpu.memory_space<vmem_shared>> -> memref<128x128xf32, #tpu.memory_space<vmem_shared>>
      %dma_start3A_44 = arith.constant 0 : i32
      %dma_start3A_45 = arith.constant 0 : i32
      %dma_start3A_46 = tpu.memref_slice %arg8[%dma_start3A_44, %dma_start3A_45] : memref<128x128xf32, #tpu.memory_space<vmem>> -> memref<128x128xf32, #tpu.memory_space<vmem>>
      tpu.enqueue_dma source(%dma_start3A_46 : memref<128x128xf32, #tpu.memory_space<vmem>>) target(%dma_start3A_43 : memref<128x128xf32, #tpu.memory_space<vmem_shared>>) target_semaphore(%run_scoped3A : memref<!tpu.dma_semaphore, #tpu.memory_space<semaphore_mem>>)
      %dma_wait3A = arith.constant 0 : i32
      %dma_wait3A_47 = arith.constant 0 : i32
      %dma_wait3A_48 = tpu.memref_slice %arg8[%dma_wait3A, %dma_wait3A_47] : memref<128x128xf32, #tpu.memory_space<vmem>> -> memref<128x128xf32, #tpu.memory_space<vmem>>
      %dma_wait3A_49 = arith.constant 0 : i32
      %dma_wait3A_50 = tpu.memref_slice %arg14[%add3A_19, %dma_wait3A_49] : memref<10112x128xf32, #tpu.memory_space<vmem_shared>> -> memref<128x128xf32, #tpu.memory_space<vmem_shared>>
      %dma_wait3A_51 = arith.constant 0 : i32
      %dma_wait3A_52 = tpu.memref_slice %arg14[%add3A_19, %dma_wait3A_51] : memref<10112x128xf32, #tpu.memory_space<vmem_shared>> -> memref<128x128xf32, #tpu.memory_space<vmem_shared>>
      %dma_wait3A_53 = arith.constant 0 : i32
      %dma_wait3A_54 = arith.constant 0 : i32
      %dma_wait3A_55 = tpu.memref_slice %arg8[%dma_wait3A_53, %dma_wait3A_54] : memref<128x128xf32, #tpu.memory_space<vmem>> -> memref<128x128xf32, #tpu.memory_space<vmem>>
      tpu.wait_dma2 semaphore(%run_scoped3A : memref<!tpu.dma_semaphore, #tpu.memory_space<semaphore_mem>>) src(%dma_wait3A_55 : memref<128x128xf32, #tpu.memory_space<vmem>>) dst(%dma_wait3A_52 : memref<128x128xf32, #tpu.memory_space<vmem_shared>>)
      tpu.yield
    }) : () -> ()
    %mul3A_20 = arith.constant 632 : i32
    %mul3A_21 = arith.muli %arg1, %mul3A_20 : i32
    %add3A_22 = arith.constant 512 : i32
    %add3A_23 = arith.addi %mul3A_21, %add3A_22 : i32
    "tpu.region"() ({
      %run_scoped3A = tpu.sem_alloc : memref<!tpu.dma_semaphore, #tpu.memory_space<semaphore_mem>>
      %dma_start3A = arith.constant 0 : i32
      %dma_start3A_38 = arith.constant 0 : i32
      %dma_start3A_39 = tpu.memref_slice %arg8[%dma_start3A, %dma_start3A_38] : memref<128x128xf32, #tpu.memory_space<vmem>> -> memref<120x128xf32, #tpu.memory_space<vmem>>
      %dma_start3A_40 = arith.constant 0 : i32
      %dma_start3A_41 = tpu.memref_slice %arg14[%add3A_23, %dma_start3A_40] : memref<10112x128xf32, #tpu.memory_space<vmem_shared>> -> memref<120x128xf32, #tpu.memory_space<vmem_shared>>
      %dma_start3A_42 = arith.constant 0 : i32
      %dma_start3A_43 = tpu.memref_slice %arg14[%add3A_23, %dma_start3A_42] : memref<10112x128xf32, #tpu.memory_space<vmem_shared>> -> memref<120x128xf32, #tpu.memory_space<vmem_shared>>
      %dma_start3A_44 = arith.constant 0 : i32
      %dma_start3A_45 = arith.constant 0 : i32
      %dma_start3A_46 = tpu.memref_slice %arg8[%dma_start3A_44, %dma_start3A_45] : memref<128x128xf32, #tpu.memory_space<vmem>> -> memref<120x128xf32, #tpu.memory_space<vmem>>
      tpu.enqueue_dma source(%dma_start3A_46 : memref<120x128xf32, #tpu.memory_space<vmem>>) target(%dma_start3A_43 : memref<120x128xf32, #tpu.memory_space<vmem_shared>>) target_semaphore(%run_scoped3A : memref<!tpu.dma_semaphore, #tpu.memory_space<semaphore_mem>>)
      %dma_wait3A = arith.constant 0 : i32
      %dma_wait3A_47 = arith.constant 0 : i32
      %dma_wait3A_48 = tpu.memref_slice %arg8[%dma_wait3A, %dma_wait3A_47] : memref<128x128xf32, #tpu.memory_space<vmem>> -> memref<120x128xf32, #tpu.memory_space<vmem>>
      %dma_wait3A_49 = arith.constant 0 : i32
      %dma_wait3A_50 = tpu.memref_slice %arg14[%add3A_23, %dma_wait3A_49] : memref<10112x128xf32, #tpu.memory_space<vmem_shared>> -> memref<120x128xf32, #tpu.memory_space<vmem_shared>>
      %dma_wait3A_51 = arith.constant 0 : i32
      %dma_wait3A_52 = tpu.memref_slice %arg14[%add3A_23, %dma_wait3A_51] : memref<10112x128xf32, #tpu.memory_space<vmem_shared>> -> memref<120x128xf32, #tpu.memory_space<vmem_shared>>
      %dma_wait3A_53 = arith.constant 0 : i32
      %dma_wait3A_54 = arith.constant 0 : i32
      %dma_wait3A_55 = tpu.memref_slice %arg8[%dma_wait3A_53, %dma_wait3A_54] : memref<128x128xf32, #tpu.memory_space<vmem>> -> memref<120x128xf32, #tpu.memory_space<vmem>>
      tpu.wait_dma2 semaphore(%run_scoped3A : memref<!tpu.dma_semaphore, #tpu.memory_space<semaphore_mem>>) src(%dma_wait3A_55 : memref<120x128xf32, #tpu.memory_space<vmem>>) dst(%dma_wait3A_52 : memref<120x128xf32, #tpu.memory_space<vmem_shared>>)
      tpu.yield
    }) : () -> ()
    %barrier3A = arith.constant 0 : index
    tpu.barrier barrier_id(%barrier3A)
    %mul3A_24 = arith.constant 16 : i32
    %mul3A_25 = arith.muli %arg0, %mul3A_24 : i32
    %add3A_26 = arith.addi %mul3A_25, %arg1 : i32
    %mul3A_27 = arith.constant 80 : i32
    %mul3A_28 = arith.muli %add3A_26, %mul3A_27 : i32
    "tpu.region"() ({
      %run_scoped3A = tpu.sem_alloc : memref<!tpu.dma_semaphore, #tpu.memory_space<semaphore_mem>>
      %dma_start3A = arith.constant 0 : i32
      %dma_start3A_38 = arith.constant 0 : i32
      %dma_start3A_39 = tpu.memref_slice %arg4[%mul3A_28, %dma_start3A, %dma_start3A_38] : memref<2561x3x128xi32, #tpu.memory_space<hbm>> -> memref<1x3x128xi32, #tpu.memory_space<hbm>>
      %dma_start3A_40 = tpu.memref_squeeze %dma_start3A_39 : memref<1x3x128xi32, #tpu.memory_space<hbm>> -> memref<3x128xi32, #tpu.memory_space<hbm>>
      %dma_start3A_41 = arith.constant 0 : i32
      %dma_start3A_42 = arith.constant 0 : i32
      %dma_start3A_43 = tpu.memref_slice %arg4[%mul3A_28, %dma_start3A_41, %dma_start3A_42] : memref<2561x3x128xi32, #tpu.memory_space<hbm>> -> memref<1x3x128xi32, #tpu.memory_space<hbm>>
      %dma_start3A_44 = tpu.memref_squeeze %dma_start3A_43 : memref<1x3x128xi32, #tpu.memory_space<hbm>> -> memref<3x128xi32, #tpu.memory_space<hbm>>
      tpu.enqueue_dma source(%dma_start3A_44 : memref<3x128xi32, #tpu.memory_space<hbm>>) target(%arg6 : memref<3x128xi32, #tpu.memory_space<vmem>>) target_semaphore(%run_scoped3A : memref<!tpu.dma_semaphore, #tpu.memory_space<semaphore_mem>>)
      %dma_wait3A = arith.constant 0 : i32
      %dma_wait3A_45 = arith.constant 0 : i32
      %dma_wait3A_46 = tpu.memref_slice %arg4[%mul3A_28, %dma_wait3A, %dma_wait3A_45] : memref<2561x3x128xi32, #tpu.memory_space<hbm>> -> memref<1x3x128xi32, #tpu.memory_space<hbm>>
      %dma_wait3A_47 = tpu.memref_squeeze %dma_wait3A_46 : memref<1x3x128xi32, #tpu.memory_space<hbm>> -> memref<3x128xi32, #tpu.memory_space<hbm>>
      %dma_wait3A_48 = arith.constant 0 : i32
      %dma_wait3A_49 = arith.constant 0 : i32
      %dma_wait3A_50 = tpu.memref_slice %arg4[%mul3A_28, %dma_wait3A_48, %dma_wait3A_49] : memref<2561x3x128xi32, #tpu.memory_space<hbm>> -> memref<1x3x128xi32, #tpu.memory_space<hbm>>
      %dma_wait3A_51 = tpu.memref_squeeze %dma_wait3A_50 : memref<1x3x128xi32, #tpu.memory_space<hbm>> -> memref<3x128xi32, #tpu.memory_space<hbm>>
      tpu.wait_dma2 semaphore(%run_scoped3A : memref<!tpu.dma_semaphore, #tpu.memory_space<semaphore_mem>>) src(%dma_wait3A_51 : memref<3x128xi32, #tpu.memory_space<hbm>>) dst(%arg6 : memref<3x128xi32, #tpu.memory_space<vmem>>)
      tpu.yield
    }) : () -> ()
    %scan3A_29 = arith.constant 0 : i32
    %scan3A_30 = arith.constant 0 : i32
    %scan3A_31 = arith.constant 40 : i32
    %scan3A_32 = arith.addi %scan3A_30, %scan3A_31 : i32
    %scan3A_33 = arith.constant 1 : i32
    scf.for %scan3A_38 = %scan3A_30 to %scan3A_32 step %scan3A_33  : i32 {
      %mul3A_39 = arith.constant 2 : i32
      %mul3A_40 = arith.muli %scan3A_38, %mul3A_39 : i32
      %add3A_41 = arith.addi %mul3A_28, %mul3A_40 : i32
      %dma_start3A = arith.constant 0 : i32
      %dma_start3A_42 = arith.constant 0 : i32
      %dma_start3A_43 = tpu.memref_slice %arg6[%dma_start3A, %dma_start3A_42] : memref<3x128xi32, #tpu.memory_space<vmem>> -> memref<1x128xi32, #tpu.memory_space<vmem>>
      %dma_start3A_44 = tpu.memref_squeeze %dma_start3A_43 : memref<1x128xi32, #tpu.memory_space<vmem>> -> memref<128xi32, #tpu.memory_space<vmem>>
      %dma_start3A_45 = arith.constant 0 : i32
      %dma_start3A_46 = arith.constant 0 : i32
      %dma_start3A_47 = tpu.memref_slice %arg2[%dma_start3A_45, %dma_start3A_46] : memref<10240x128xf32, #tpu.memory_space<hbm>> -> memref<10240x128xf32, #tpu.memory_space<hbm>>
      tpu.enqueue_indirect_dma source(%dma_start3A_47 : memref<10240x128xf32, #tpu.memory_space<hbm>>) target(%arg8 : memref<128x128xf32, #tpu.memory_space<vmem>>) offsets(%dma_start3A_44 : memref<128xi32, #tpu.memory_space<vmem>>) semaphore(%arg10 : memref<!tpu.dma_semaphore, #tpu.memory_space<semaphore_mem>>)
      %dma_start3A_48 = arith.constant 1 : i32
      %dma_start3A_49 = arith.constant 0 : i32
      %dma_start3A_50 = tpu.memref_slice %arg6[%dma_start3A_48, %dma_start3A_49] : memref<3x128xi32, #tpu.memory_space<vmem>> -> memref<1x128xi32, #tpu.memory_space<vmem>>
      %dma_start3A_51 = tpu.memref_squeeze %dma_start3A_50 : memref<1x128xi32, #tpu.memory_space<vmem>> -> memref<128xi32, #tpu.memory_space<vmem>>
      %dma_start3A_52 = arith.constant 0 : i32
      %dma_start3A_53 = arith.constant 0 : i32
      %dma_start3A_54 = tpu.memref_slice %arg3[%dma_start3A_52, %dma_start3A_53] : memref<480x128xf32, #tpu.memory_space<hbm>> -> memref<480x128xf32, #tpu.memory_space<hbm>>
      tpu.enqueue_indirect_dma source(%dma_start3A_54 : memref<480x128xf32, #tpu.memory_space<hbm>>) target(%arg9 : memref<128x128xf32, #tpu.memory_space<vmem>>) offsets(%dma_start3A_51 : memref<128xi32, #tpu.memory_space<vmem>>) semaphore(%arg11 : memref<!tpu.dma_semaphore, #tpu.memory_space<semaphore_mem>>)
      %add3A_55 = arith.constant 1 : i32
      %add3A_56 = arith.addi %add3A_41, %add3A_55 : i32
      "tpu.region"() ({
        %run_scoped3A = tpu.sem_alloc : memref<!tpu.dma_semaphore, #tpu.memory_space<semaphore_mem>>
        %dma_start3A_158 = arith.constant 0 : i32
        %dma_start3A_159 = arith.constant 0 : i32
        %dma_start3A_160 = tpu.memref_slice %arg4[%add3A_56, %dma_start3A_158, %dma_start3A_159] : memref<2561x3x128xi32, #tpu.memory_space<hbm>> -> memref<1x3x128xi32, #tpu.memory_space<hbm>>
        %dma_start3A_161 = tpu.memref_squeeze %dma_start3A_160 : memref<1x3x128xi32, #tpu.memory_space<hbm>> -> memref<3x128xi32, #tpu.memory_space<hbm>>
        %dma_start3A_162 = arith.constant 0 : i32
        %dma_start3A_163 = arith.constant 0 : i32
        %dma_start3A_164 = tpu.memref_slice %arg4[%add3A_56, %dma_start3A_162, %dma_start3A_163] : memref<2561x3x128xi32, #tpu.memory_space<hbm>> -> memref<1x3x128xi32, #tpu.memory_space<hbm>>
        %dma_start3A_165 = tpu.memref_squeeze %dma_start3A_164 : memref<1x3x128xi32, #tpu.memory_space<hbm>> -> memref<3x128xi32, #tpu.memory_space<hbm>>
        tpu.enqueue_dma source(%dma_start3A_165 : memref<3x128xi32, #tpu.memory_space<hbm>>) target(%arg7 : memref<3x128xi32, #tpu.memory_space<vmem>>) target_semaphore(%run_scoped3A : memref<!tpu.dma_semaphore, #tpu.memory_space<semaphore_mem>>)
        %dma_wait3A_166 = arith.constant 0 : i32
        %dma_wait3A_167 = arith.constant 0 : i32
        %dma_wait3A_168 = tpu.memref_slice %arg4[%add3A_56, %dma_wait3A_166, %dma_wait3A_167] : memref<2561x3x128xi32, #tpu.memory_space<hbm>> -> memref<1x3x128xi32, #tpu.memory_space<hbm>>
        %dma_wait3A_169 = tpu.memref_squeeze %dma_wait3A_168 : memref<1x3x128xi32, #tpu.memory_space<hbm>> -> memref<3x128xi32, #tpu.memory_space<hbm>>
        %dma_wait3A_170 = arith.constant 0 : i32
        %dma_wait3A_171 = arith.constant 0 : i32
        %dma_wait3A_172 = tpu.memref_slice %arg4[%add3A_56, %dma_wait3A_170, %dma_wait3A_171] : memref<2561x3x128xi32, #tpu.memory_space<hbm>> -> memref<1x3x128xi32, #tpu.memory_space<hbm>>
        %dma_wait3A_173 = tpu.memref_squeeze %dma_wait3A_172 : memref<1x3x128xi32, #tpu.memory_space<hbm>> -> memref<3x128xi32, #tpu.memory_space<hbm>>
        tpu.wait_dma2 semaphore(%run_scoped3A : memref<!tpu.dma_semaphore, #tpu.memory_space<semaphore_mem>>) src(%dma_wait3A_173 : memref<3x128xi32, #tpu.memory_space<hbm>>) dst(%arg7 : memref<3x128xi32, #tpu.memory_space<vmem>>)
        tpu.yield
      }) : () -> ()
      %dma_wait3A = arith.constant 0 : i32
      %dma_wait3A_57 = arith.constant 0 : i32
      %dma_wait3A_58 = tpu.memref_slice %arg6[%dma_wait3A, %dma_wait3A_57] : memref<3x128xi32, #tpu.memory_space<vmem>> -> memref<1x128xi32, #tpu.memory_space<vmem>>
      %dma_wait3A_59 = tpu.memref_squeeze %dma_wait3A_58 : memref<1x128xi32, #tpu.memory_space<vmem>> -> memref<128xi32, #tpu.memory_space<vmem>>
      %dma_wait3A_60 = arith.constant 0 : i32
      %dma_wait3A_61 = arith.constant 0 : i32
      %dma_wait3A_62 = tpu.memref_slice %arg2[%dma_wait3A_60, %dma_wait3A_61] : memref<10240x128xf32, #tpu.memory_space<hbm>> -> memref<10240x128xf32, #tpu.memory_space<hbm>>
      tpu.wait_indirect_dma semaphore(%arg10 : memref<!tpu.dma_semaphore, #tpu.memory_space<semaphore_mem>>) src(%dma_wait3A_62 : memref<10240x128xf32, #tpu.memory_space<hbm>>) dst(%arg8 : memref<128x128xf32, #tpu.memory_space<vmem>>)
      %dma_start3A_63 = arith.constant 2 : i32
      %dma_start3A_64 = arith.constant 0 : i32
      %dma_start3A_65 = tpu.memref_slice %arg6[%dma_start3A_63, %dma_start3A_64] : memref<3x128xi32, #tpu.memory_space<vmem>> -> memref<1x128xi32, #tpu.memory_space<vmem>>
      %dma_start3A_66 = tpu.memref_squeeze %dma_start3A_65 : memref<1x128xi32, #tpu.memory_space<vmem>> -> memref<128xi32, #tpu.memory_space<vmem>>
      %dma_start3A_67 = arith.constant 0 : i32
      %dma_start3A_68 = arith.constant 0 : i32
      %dma_start3A_69 = tpu.memref_slice %arg14[%dma_start3A_67, %dma_start3A_68] : memref<10112x128xf32, #tpu.memory_space<vmem_shared>> -> memref<10112x128xf32, #tpu.memory_space<vmem_shared>>
      tpu.enqueue_indirect_dma source(%arg8 : memref<128x128xf32, #tpu.memory_space<vmem>>) target(%dma_start3A_69 : memref<10112x128xf32, #tpu.memory_space<vmem_shared>>) offsets(%dma_start3A_66 : memref<128xi32, #tpu.memory_space<vmem>>) semaphore(%arg12 : memref<!tpu.dma_semaphore, #tpu.memory_space<semaphore_mem>>) {add = true}
      %dma_wait3A_70 = arith.constant 1 : i32
      %dma_wait3A_71 = arith.constant 0 : i32
      %dma_wait3A_72 = tpu.memref_slice %arg6[%dma_wait3A_70, %dma_wait3A_71] : memref<3x128xi32, #tpu.memory_space<vmem>> -> memref<1x128xi32, #tpu.memory_space<vmem>>
      %dma_wait3A_73 = tpu.memref_squeeze %dma_wait3A_72 : memref<1x128xi32, #tpu.memory_space<vmem>> -> memref<128xi32, #tpu.memory_space<vmem>>
      %dma_wait3A_74 = arith.constant 0 : i32
      %dma_wait3A_75 = arith.constant 0 : i32
      %dma_wait3A_76 = tpu.memref_slice %arg3[%dma_wait3A_74, %dma_wait3A_75] : memref<480x128xf32, #tpu.memory_space<hbm>> -> memref<480x128xf32, #tpu.memory_space<hbm>>
      tpu.wait_indirect_dma semaphore(%arg11 : memref<!tpu.dma_semaphore, #tpu.memory_space<semaphore_mem>>) src(%dma_wait3A_76 : memref<480x128xf32, #tpu.memory_space<hbm>>) dst(%arg9 : memref<128x128xf32, #tpu.memory_space<vmem>>)
      %dma_start3A_77 = arith.constant 2 : i32
      %dma_start3A_78 = arith.constant 0 : i32
      %dma_start3A_79 = tpu.memref_slice %arg6[%dma_start3A_77, %dma_start3A_78] : memref<3x128xi32, #tpu.memory_space<vmem>> -> memref<1x128xi32, #tpu.memory_space<vmem>>
      %dma_start3A_80 = tpu.memref_squeeze %dma_start3A_79 : memref<1x128xi32, #tpu.memory_space<vmem>> -> memref<128xi32, #tpu.memory_space<vmem>>
      %dma_start3A_81 = arith.constant 0 : i32
      %dma_start3A_82 = arith.constant 0 : i32
      %dma_start3A_83 = tpu.memref_slice %arg14[%dma_start3A_81, %dma_start3A_82] : memref<10112x128xf32, #tpu.memory_space<vmem_shared>> -> memref<10112x128xf32, #tpu.memory_space<vmem_shared>>
      tpu.enqueue_indirect_dma source(%arg9 : memref<128x128xf32, #tpu.memory_space<vmem>>) target(%dma_start3A_83 : memref<10112x128xf32, #tpu.memory_space<vmem_shared>>) offsets(%dma_start3A_80 : memref<128xi32, #tpu.memory_space<vmem>>) semaphore(%arg13 : memref<!tpu.dma_semaphore, #tpu.memory_space<semaphore_mem>>) {add = true}
      %dma_wait3A_84 = arith.constant 2 : i32
      %dma_wait3A_85 = arith.constant 0 : i32
      %dma_wait3A_86 = tpu.memref_slice %arg6[%dma_wait3A_84, %dma_wait3A_85] : memref<3x128xi32, #tpu.memory_space<vmem>> -> memref<1x128xi32, #tpu.memory_space<vmem>>
      %dma_wait3A_87 = tpu.memref_squeeze %dma_wait3A_86 : memref<1x128xi32, #tpu.memory_space<vmem>> -> memref<128xi32, #tpu.memory_space<vmem>>
      %dma_wait3A_88 = arith.constant 0 : i32
      %dma_wait3A_89 = arith.constant 0 : i32
      %dma_wait3A_90 = tpu.memref_slice %arg14[%dma_wait3A_88, %dma_wait3A_89] : memref<10112x128xf32, #tpu.memory_space<vmem_shared>> -> memref<10112x128xf32, #tpu.memory_space<vmem_shared>>
      tpu.wait_indirect_dma semaphore(%arg12 : memref<!tpu.dma_semaphore, #tpu.memory_space<semaphore_mem>>) src(%arg8 : memref<128x128xf32, #tpu.memory_space<vmem>>) dst(%dma_wait3A_90 : memref<10112x128xf32, #tpu.memory_space<vmem_shared>>)
      %dma_wait3A_91 = arith.constant 2 : i32
      %dma_wait3A_92 = arith.constant 0 : i32
      %dma_wait3A_93 = tpu.memref_slice %arg6[%dma_wait3A_91, %dma_wait3A_92] : memref<3x128xi32, #tpu.memory_space<vmem>> -> memref<1x128xi32, #tpu.memory_space<vmem>>
      %dma_wait3A_94 = tpu.memref_squeeze %dma_wait3A_93 : memref<1x128xi32, #tpu.memory_space<vmem>> -> memref<128xi32, #tpu.memory_space<vmem>>
      %dma_wait3A_95 = arith.constant 0 : i32
      %dma_wait3A_96 = arith.constant 0 : i32
      %dma_wait3A_97 = tpu.memref_slice %arg14[%dma_wait3A_95, %dma_wait3A_96] : memref<10112x128xf32, #tpu.memory_space<vmem_shared>> -> memref<10112x128xf32, #tpu.memory_space<vmem_shared>>
      tpu.wait_indirect_dma semaphore(%arg13 : memref<!tpu.dma_semaphore, #tpu.memory_space<semaphore_mem>>) src(%arg9 : memref<128x128xf32, #tpu.memory_space<vmem>>) dst(%dma_wait3A_97 : memref<10112x128xf32, #tpu.memory_space<vmem_shared>>)
      %add3A_98 = arith.constant 1 : i32
      %add3A_99 = arith.addi %add3A_41, %add3A_98 : i32
      %dma_start3A_100 = arith.constant 0 : i32
      %dma_start3A_101 = arith.constant 0 : i32
      %dma_start3A_102 = tpu.memref_slice %arg7[%dma_start3A_100, %dma_start3A_101] : memref<3x128xi32, #tpu.memory_space<vmem>> -> memref<1x128xi32, #tpu.memory_space<vmem>>
      %dma_start3A_103 = tpu.memref_squeeze %dma_start3A_102 : memref<1x128xi32, #tpu.memory_space<vmem>> -> memref<128xi32, #tpu.memory_space<vmem>>
      %dma_start3A_104 = arith.constant 0 : i32
      %dma_start3A_105 = arith.constant 0 : i32
      %dma_start3A_106 = tpu.memref_slice %arg2[%dma_start3A_104, %dma_start3A_105] : memref<10240x128xf32, #tpu.memory_space<hbm>> -> memref<10240x128xf32, #tpu.memory_space<hbm>>
      tpu.enqueue_indirect_dma source(%dma_start3A_106 : memref<10240x128xf32, #tpu.memory_space<hbm>>) target(%arg8 : memref<128x128xf32, #tpu.memory_space<vmem>>) offsets(%dma_start3A_103 : memref<128xi32, #tpu.memory_space<vmem>>) semaphore(%arg10 : memref<!tpu.dma_semaphore, #tpu.memory_space<semaphore_mem>>)
      %dma_start3A_107 = arith.constant 1 : i32
      %dma_start3A_108 = arith.constant 0 : i32
      %dma_start3A_109 = tpu.memref_slice %arg7[%dma_start3A_107, %dma_start3A_108] : memref<3x128xi32, #tpu.memory_space<vmem>> -> memref<1x128xi32, #tpu.memory_space<vmem>>
      %dma_start3A_110 = tpu.memref_squeeze %dma_start3A_109 : memref<1x128xi32, #tpu.memory_space<vmem>> -> memref<128xi32, #tpu.memory_space<vmem>>
      %dma_start3A_111 = arith.constant 0 : i32
      %dma_start3A_112 = arith.constant 0 : i32
      %dma_start3A_113 = tpu.memref_slice %arg3[%dma_start3A_111, %dma_start3A_112] : memref<480x128xf32, #tpu.memory_space<hbm>> -> memref<480x128xf32, #tpu.memory_space<hbm>>
      tpu.enqueue_indirect_dma source(%dma_start3A_113 : memref<480x128xf32, #tpu.memory_space<hbm>>) target(%arg9 : memref<128x128xf32, #tpu.memory_space<vmem>>) offsets(%dma_start3A_110 : memref<128xi32, #tpu.memory_space<vmem>>) semaphore(%arg11 : memref<!tpu.dma_semaphore, #tpu.memory_space<semaphore_mem>>)
      %add3A_114 = arith.constant 1 : i32
      %add3A_115 = arith.addi %add3A_99, %add3A_114 : i32
      "tpu.region"() ({
        %run_scoped3A = tpu.sem_alloc : memref<!tpu.dma_semaphore, #tpu.memory_space<semaphore_mem>>
        %dma_start3A_158 = arith.constant 0 : i32
        %dma_start3A_159 = arith.constant 0 : i32
        %dma_start3A_160 = tpu.memref_slice %arg4[%add3A_115, %dma_start3A_158, %dma_start3A_159] : memref<2561x3x128xi32, #tpu.memory_space<hbm>> -> memref<1x3x128xi32, #tpu.memory_space<hbm>>
        %dma_start3A_161 = tpu.memref_squeeze %dma_start3A_160 : memref<1x3x128xi32, #tpu.memory_space<hbm>> -> memref<3x128xi32, #tpu.memory_space<hbm>>
        %dma_start3A_162 = arith.constant 0 : i32
        %dma_start3A_163 = arith.constant 0 : i32
        %dma_start3A_164 = tpu.memref_slice %arg4[%add3A_115, %dma_start3A_162, %dma_start3A_163] : memref<2561x3x128xi32, #tpu.memory_space<hbm>> -> memref<1x3x128xi32, #tpu.memory_space<hbm>>
        %dma_start3A_165 = tpu.memref_squeeze %dma_start3A_164 : memref<1x3x128xi32, #tpu.memory_space<hbm>> -> memref<3x128xi32, #tpu.memory_space<hbm>>
        tpu.enqueue_dma source(%dma_start3A_165 : memref<3x128xi32, #tpu.memory_space<hbm>>) target(%arg6 : memref<3x128xi32, #tpu.memory_space<vmem>>) target_semaphore(%run_scoped3A : memref<!tpu.dma_semaphore, #tpu.memory_space<semaphore_mem>>)
        %dma_wait3A_166 = arith.constant 0 : i32
        %dma_wait3A_167 = arith.constant 0 : i32
        %dma_wait3A_168 = tpu.memref_slice %arg4[%add3A_115, %dma_wait3A_166, %dma_wait3A_167] : memref<2561x3x128xi32, #tpu.memory_space<hbm>> -> memref<1x3x128xi32, #tpu.memory_space<hbm>>
        %dma_wait3A_169 = tpu.memref_squeeze %dma_wait3A_168 : memref<1x3x128xi32, #tpu.memory_space<hbm>> -> memref<3x128xi32, #tpu.memory_space<hbm>>
        %dma_wait3A_170 = arith.constant 0 : i32
        %dma_wait3A_171 = arith.constant 0 : i32
        %dma_wait3A_172 = tpu.memref_slice %arg4[%add3A_115, %dma_wait3A_170, %dma_wait3A_171] : memref<2561x3x128xi32, #tpu.memory_space<hbm>> -> memref<1x3x128xi32, #tpu.memory_space<hbm>>
        %dma_wait3A_173 = tpu.memref_squeeze %dma_wait3A_172 : memref<1x3x128xi32, #tpu.memory_space<hbm>> -> memref<3x128xi32, #tpu.memory_space<hbm>>
        tpu.wait_dma2 semaphore(%run_scoped3A : memref<!tpu.dma_semaphore, #tpu.memory_space<semaphore_mem>>) src(%dma_wait3A_173 : memref<3x128xi32, #tpu.memory_space<hbm>>) dst(%arg6 : memref<3x128xi32, #tpu.memory_space<vmem>>)
        tpu.yield
      }) : () -> ()
      %dma_wait3A_116 = arith.constant 0 : i32
      %dma_wait3A_117 = arith.constant 0 : i32
      %dma_wait3A_118 = tpu.memref_slice %arg7[%dma_wait3A_116, %dma_wait3A_117] : memref<3x128xi32, #tpu.memory_space<vmem>> -> memref<1x128xi32, #tpu.memory_space<vmem>>
      %dma_wait3A_119 = tpu.memref_squeeze %dma_wait3A_118 : memref<1x128xi32, #tpu.memory_space<vmem>> -> memref<128xi32, #tpu.memory_space<vmem>>
      %dma_wait3A_120 = arith.constant 0 : i32
      %dma_wait3A_121 = arith.constant 0 : i32
      %dma_wait3A_122 = tpu.memref_slice %arg2[%dma_wait3A_120, %dma_wait3A_121] : memref<10240x128xf32, #tpu.memory_space<hbm>> -> memref<10240x128xf32, #tpu.memory_space<hbm>>
      tpu.wait_indirect_dma semaphore(%arg10 : memref<!tpu.dma_semaphore, #tpu.memory_space<semaphore_mem>>) src(%dma_wait3A_122 : memref<10240x128xf32, #tpu.memory_space<hbm>>) dst(%arg8 : memref<128x128xf32, #tpu.memory_space<vmem>>)
      %dma_start3A_123 = arith.constant 2 : i32
      %dma_start3A_124 = arith.constant 0 : i32
      %dma_start3A_125 = tpu.memref_slice %arg7[%dma_start3A_123, %dma_start3A_124] : memref<3x128xi32, #tpu.memory_space<vmem>> -> memref<1x128xi32, #tpu.memory_space<vmem>>
      %dma_start3A_126 = tpu.memref_squeeze %dma_start3A_125 : memref<1x128xi32, #tpu.memory_space<vmem>> -> memref<128xi32, #tpu.memory_space<vmem>>
      %dma_start3A_127 = arith.constant 0 : i32
      %dma_start3A_128 = arith.constant 0 : i32
      %dma_start3A_129 = tpu.memref_slice %arg14[%dma_start3A_127, %dma_start3A_128] : memref<10112x128xf32, #tpu.memory_space<vmem_shared>> -> memref<10112x128xf32, #tpu.memory_space<vmem_shared>>
      tpu.enqueue_indirect_dma source(%arg8 : memref<128x128xf32, #tpu.memory_space<vmem>>) target(%dma_start3A_129 : memref<10112x128xf32, #tpu.memory_space<vmem_shared>>) offsets(%dma_start3A_126 : memref<128xi32, #tpu.memory_space<vmem>>) semaphore(%arg12 : memref<!tpu.dma_semaphore, #tpu.memory_space<semaphore_mem>>) {add = true}
      %dma_wait3A_130 = arith.constant 1 : i32
      %dma_wait3A_131 = arith.constant 0 : i32
      %dma_wait3A_132 = tpu.memref_slice %arg7[%dma_wait3A_130, %dma_wait3A_131] : memref<3x128xi32, #tpu.memory_space<vmem>> -> memref<1x128xi32, #tpu.memory_space<vmem>>
      %dma_wait3A_133 = tpu.memref_squeeze %dma_wait3A_132 : memref<1x128xi32, #tpu.memory_space<vmem>> -> memref<128xi32, #tpu.memory_space<vmem>>
      %dma_wait3A_134 = arith.constant 0 : i32
      %dma_wait3A_135 = arith.constant 0 : i32
      %dma_wait3A_136 = tpu.memref_slice %arg3[%dma_wait3A_134, %dma_wait3A_135] : memref<480x128xf32, #tpu.memory_space<hbm>> -> memref<480x128xf32, #tpu.memory_space<hbm>>
      tpu.wait_indirect_dma semaphore(%arg11 : memref<!tpu.dma_semaphore, #tpu.memory_space<semaphore_mem>>) src(%dma_wait3A_136 : memref<480x128xf32, #tpu.memory_space<hbm>>) dst(%arg9 : memref<128x128xf32, #tpu.memory_space<vmem>>)
      %dma_start3A_137 = arith.constant 2 : i32
      %dma_start3A_138 = arith.constant 0 : i32
      %dma_start3A_139 = tpu.memref_slice %arg7[%dma_start3A_137, %dma_start3A_138] : memref<3x128xi32, #tpu.memory_space<vmem>> -> memref<1x128xi32, #tpu.memory_space<vmem>>
      %dma_start3A_140 = tpu.memref_squeeze %dma_start3A_139 : memref<1x128xi32, #tpu.memory_space<vmem>> -> memref<128xi32, #tpu.memory_space<vmem>>
      %dma_start3A_141 = arith.constant 0 : i32
      %dma_start3A_142 = arith.constant 0 : i32
      %dma_start3A_143 = tpu.memref_slice %arg14[%dma_start3A_141, %dma_start3A_142] : memref<10112x128xf32, #tpu.memory_space<vmem_shared>> -> memref<10112x128xf32, #tpu.memory_space<vmem_shared>>
      tpu.enqueue_indirect_dma source(%arg9 : memref<128x128xf32, #tpu.memory_space<vmem>>) target(%dma_start3A_143 : memref<10112x128xf32, #tpu.memory_space<vmem_shared>>) offsets(%dma_start3A_140 : memref<128xi32, #tpu.memory_space<vmem>>) semaphore(%arg13 : memref<!tpu.dma_semaphore, #tpu.memory_space<semaphore_mem>>) {add = true}
      %dma_wait3A_144 = arith.constant 2 : i32
      %dma_wait3A_145 = arith.constant 0 : i32
      %dma_wait3A_146 = tpu.memref_slice %arg7[%dma_wait3A_144, %dma_wait3A_145] : memref<3x128xi32, #tpu.memory_space<vmem>> -> memref<1x128xi32, #tpu.memory_space<vmem>>
      %dma_wait3A_147 = tpu.memref_squeeze %dma_wait3A_146 : memref<1x128xi32, #tpu.memory_space<vmem>> -> memref<128xi32, #tpu.memory_space<vmem>>
      %dma_wait3A_148 = arith.constant 0 : i32
      %dma_wait3A_149 = arith.constant 0 : i32
      %dma_wait3A_150 = tpu.memref_slice %arg14[%dma_wait3A_148, %dma_wait3A_149] : memref<10112x128xf32, #tpu.memory_space<vmem_shared>> -> memref<10112x128xf32, #tpu.memory_space<vmem_shared>>
      tpu.wait_indirect_dma semaphore(%arg12 : memref<!tpu.dma_semaphore, #tpu.memory_space<semaphore_mem>>) src(%arg8 : memref<128x128xf32, #tpu.memory_space<vmem>>) dst(%dma_wait3A_150 : memref<10112x128xf32, #tpu.memory_space<vmem_shared>>)
      %dma_wait3A_151 = arith.constant 2 : i32
      %dma_wait3A_152 = arith.constant 0 : i32
      %dma_wait3A_153 = tpu.memref_slice %arg7[%dma_wait3A_151, %dma_wait3A_152] : memref<3x128xi32, #tpu.memory_space<vmem>> -> memref<1x128xi32, #tpu.memory_space<vmem>>
      %dma_wait3A_154 = tpu.memref_squeeze %dma_wait3A_153 : memref<1x128xi32, #tpu.memory_space<vmem>> -> memref<128xi32, #tpu.memory_space<vmem>>
      %dma_wait3A_155 = arith.constant 0 : i32
      %dma_wait3A_156 = arith.constant 0 : i32
      %dma_wait3A_157 = tpu.memref_slice %arg14[%dma_wait3A_155, %dma_wait3A_156] : memref<10112x128xf32, #tpu.memory_space<vmem_shared>> -> memref<10112x128xf32, #tpu.memory_space<vmem_shared>>
      tpu.wait_indirect_dma semaphore(%arg13 : memref<!tpu.dma_semaphore, #tpu.memory_space<semaphore_mem>>) src(%arg9 : memref<128x128xf32, #tpu.memory_space<vmem>>) dst(%dma_wait3A_157 : memref<10112x128xf32, #tpu.memory_space<vmem_shared>>)
    }
    %scan3A_34 = arith.constant 40 : i32
    %barrier3A_35 = arith.constant 0 : index
    tpu.barrier barrier_id(%barrier3A_35)
    %mul3A_36 = arith.constant 632 : i32
    %mul3A_37 = arith.muli %arg1, %mul3A_36 : i32
    "tpu.region"() ({
      %run_scoped3A = tpu.sem_alloc : memref<!tpu.dma_semaphore, #tpu.memory_space<semaphore_mem>>
      %dma_start3A = arith.constant 0 : i32
      %dma_start3A_38 = tpu.memref_slice %arg5[%arg0, %mul3A_37, %dma_start3A] : memref<2x10240x128xf32, #tpu.memory_space<hbm>> -> memref<1x632x128xf32, #tpu.memory_space<hbm>>
      %dma_start3A_39 = tpu.memref_squeeze %dma_start3A_38 : memref<1x632x128xf32, #tpu.memory_space<hbm>> -> memref<632x128xf32, #tpu.memory_space<hbm>>
      %dma_start3A_40 = arith.constant 0 : i32
      %dma_start3A_41 = tpu.memref_slice %arg14[%mul3A_37, %dma_start3A_40] : memref<10112x128xf32, #tpu.memory_space<vmem_shared>> -> memref<632x128xf32, #tpu.memory_space<vmem_shared>>
      tpu.enqueue_dma source(%dma_start3A_41 : memref<632x128xf32, #tpu.memory_space<vmem_shared>>) target(%dma_start3A_39 : memref<632x128xf32, #tpu.memory_space<hbm>>) target_semaphore(%run_scoped3A : memref<!tpu.dma_semaphore, #tpu.memory_space<semaphore_mem>>)
      %dma_wait3A = arith.constant 0 : i32
      %dma_wait3A_42 = tpu.memref_slice %arg5[%arg0, %mul3A_37, %dma_wait3A] : memref<2x10240x128xf32, #tpu.memory_space<hbm>> -> memref<1x632x128xf32, #tpu.memory_space<hbm>>
      %dma_wait3A_43 = tpu.memref_squeeze %dma_wait3A_42 : memref<1x632x128xf32, #tpu.memory_space<hbm>> -> memref<632x128xf32, #tpu.memory_space<hbm>>
      %dma_wait3A_44 = arith.constant 0 : i32
      %dma_wait3A_45 = tpu.memref_slice %arg14[%mul3A_37, %dma_wait3A_44] : memref<10112x128xf32, #tpu.memory_space<vmem_shared>> -> memref<632x128xf32, #tpu.memory_space<vmem_shared>>
      tpu.wait_dma2 semaphore(%run_scoped3A : memref<!tpu.dma_semaphore, #tpu.memory_space<semaphore_mem>>) src(%dma_wait3A_45 : memref<632x128xf32, #tpu.memory_space<vmem_shared>>) dst(%dma_wait3A_43 : memref<632x128xf32, #tpu.memory_space<hbm>>)
      tpu.yield
    }) : () -> ()
    return
  }
}

#map = affine_map<(d0, d1) -> (0, 0, 0)>
module attributes {stable_mosaic.version = 14 : i64} {
  func.func @body(%arg0: i32, %arg1: i32, %arg2: memref<32x81x128xi32, #tpu.memory_space<hbm>>, %arg3: memref<2x10240x128xf32, #tpu.memory_space<hbm>>, %arg4: memref<128xi32, #tpu.memory_space<vmem>>, %arg5: memref<128xi32, #tpu.memory_space<vmem>>, %arg6: memref<128x128xf32, #tpu.memory_space<vmem>>, %arg7: memref<!tpu.dma_semaphore, #tpu.memory_space<semaphore_mem>>, %arg8: memref<!tpu.dma_semaphore, #tpu.memory_space<semaphore_mem>>, %arg9: memref<10112x128xf32, #tpu.memory_space<vmem_shared>>) attributes {dimension_semantics = [#tpu.dimension_semantics<core_parallel>, #tpu.dimension_semantics<subcore_parallel>], iteration_bounds = array<i64: 2, 16>, scalar_prefetch = 0 : i64, scratch_operands = 6 : i64, tpu.core_type = #tpu.core_type<sc_vector_subcore>, window_params = [{transform_indices = #map}, {transform_indices = #map}]} {
    %broadcast_in_dim3A = arith.constant 0.000000e+00 : f32
    %broadcast_in_dim3A_0 = vector.broadcast %broadcast_in_dim3A : f32 to vector<16xf32>
    %broadcast_in_dim3A_1 = arith.constant 1.000000e+00 : f32
    %broadcast_in_dim3A_2 = vector.broadcast %broadcast_in_dim3A_1 : f32 to vector<16xf32>
    %scan3A = arith.constant 0 : i32
    %scan3A_3 = arith.constant 0 : i32
    %scan3A_4 = arith.constant 128 : i32
    %scan3A_5 = arith.addi %scan3A_3, %scan3A_4 : i32
    %scan3A_6 = arith.constant 1 : i32
    scf.for %scan3A_44 = %scan3A_3 to %scan3A_5 step %scan3A_6  : i32 {
      %swap3A = arith.index_cast %scan3A_44 : i32 to index
      %swap3A_45 = arith.constant 0 : index
      %swap3A_46 = tpu.vector_load %arg6[%swap3A, %swap3A_45] {strides = array<i32>} : memref<128x128xf32, #tpu.memory_space<vmem>>, vector<1x16xf32>,
      %swap3A_47 = vector.shape_cast %swap3A_46 : vector<1x16xf32> to vector<16xf32>
      %swap3A_48 = vector.shape_cast %broadcast_in_dim3A_0 : vector<16xf32> to vector<1x16xf32>
      tpu.vector_store %arg6[%swap3A, %swap3A_45], %swap3A_48 {strides = array<i32>} : memref<128x128xf32, #tpu.memory_space<vmem>>, vector<1x16xf32>,
      %swap3A_49 = arith.index_cast %scan3A_44 : i32 to index
      %swap3A_50 = arith.constant 16 : index
      %swap3A_51 = tpu.vector_load %arg6[%swap3A_49, %swap3A_50] {strides = array<i32>} : memref<128x128xf32, #tpu.memory_space<vmem>>, vector<1x16xf32>,
      %swap3A_52 = vector.shape_cast %swap3A_51 : vector<1x16xf32> to vector<16xf32>
      %swap3A_53 = vector.shape_cast %broadcast_in_dim3A_0 : vector<16xf32> to vector<1x16xf32>
      tpu.vector_store %arg6[%swap3A_49, %swap3A_50], %swap3A_53 {strides = array<i32>} : memref<128x128xf32, #tpu.memory_space<vmem>>, vector<1x16xf32>,
      %swap3A_54 = arith.index_cast %scan3A_44 : i32 to index
      %swap3A_55 = arith.constant 32 : index
      %swap3A_56 = tpu.vector_load %arg6[%swap3A_54, %swap3A_55] {strides = array<i32>} : memref<128x128xf32, #tpu.memory_space<vmem>>, vector<1x16xf32>,
      %swap3A_57 = vector.shape_cast %swap3A_56 : vector<1x16xf32> to vector<16xf32>
      %swap3A_58 = vector.shape_cast %broadcast_in_dim3A_0 : vector<16xf32> to vector<1x16xf32>
      tpu.vector_store %arg6[%swap3A_54, %swap3A_55], %swap3A_58 {strides = array<i32>} : memref<128x128xf32, #tpu.memory_space<vmem>>, vector<1x16xf32>,
      %swap3A_59 = arith.index_cast %scan3A_44 : i32 to index
      %swap3A_60 = arith.constant 48 : index
      %swap3A_61 = tpu.vector_load %arg6[%swap3A_59, %swap3A_60] {strides = array<i32>} : memref<128x128xf32, #tpu.memory_space<vmem>>, vector<1x16xf32>,
      %swap3A_62 = vector.shape_cast %swap3A_61 : vector<1x16xf32> to vector<16xf32>
      %swap3A_63 = vector.shape_cast %broadcast_in_dim3A_0 : vector<16xf32> to vector<1x16xf32>
      tpu.vector_store %arg6[%swap3A_59, %swap3A_60], %swap3A_63 {strides = array<i32>} : memref<128x128xf32, #tpu.memory_space<vmem>>, vector<1x16xf32>,
      %swap3A_64 = arith.index_cast %scan3A_44 : i32 to index
      %swap3A_65 = arith.constant 64 : index
      %swap3A_66 = tpu.vector_load %arg6[%swap3A_64, %swap3A_65] {strides = array<i32>} : memref<128x128xf32, #tpu.memory_space<vmem>>, vector<1x16xf32>,
      %swap3A_67 = vector.shape_cast %swap3A_66 : vector<1x16xf32> to vector<16xf32>
      %swap3A_68 = vector.shape_cast %broadcast_in_dim3A_0 : vector<16xf32> to vector<1x16xf32>
      tpu.vector_store %arg6[%swap3A_64, %swap3A_65], %swap3A_68 {strides = array<i32>} : memref<128x128xf32, #tpu.memory_space<vmem>>, vector<1x16xf32>,
      %swap3A_69 = arith.index_cast %scan3A_44 : i32 to index
      %swap3A_70 = arith.constant 80 : index
      %swap3A_71 = tpu.vector_load %arg6[%swap3A_69, %swap3A_70] {strides = array<i32>} : memref<128x128xf32, #tpu.memory_space<vmem>>, vector<1x16xf32>,
      %swap3A_72 = vector.shape_cast %swap3A_71 : vector<1x16xf32> to vector<16xf32>
      %swap3A_73 = vector.shape_cast %broadcast_in_dim3A_0 : vector<16xf32> to vector<1x16xf32>
      tpu.vector_store %arg6[%swap3A_69, %swap3A_70], %swap3A_73 {strides = array<i32>} : memref<128x128xf32, #tpu.memory_space<vmem>>, vector<1x16xf32>,
      %swap3A_74 = arith.index_cast %scan3A_44 : i32 to index
      %swap3A_75 = arith.constant 96 : index
      %swap3A_76 = tpu.vector_load %arg6[%swap3A_74, %swap3A_75] {strides = array<i32>} : memref<128x128xf32, #tpu.memory_space<vmem>>, vector<1x16xf32>,
      %swap3A_77 = vector.shape_cast %swap3A_76 : vector<1x16xf32> to vector<16xf32>
      %swap3A_78 = vector.shape_cast %broadcast_in_dim3A_0 : vector<16xf32> to vector<1x16xf32>
      tpu.vector_store %arg6[%swap3A_74, %swap3A_75], %swap3A_78 {strides = array<i32>} : memref<128x128xf32, #tpu.memory_space<vmem>>, vector<1x16xf32>,
      %swap3A_79 = arith.index_cast %scan3A_44 : i32 to index
      %swap3A_80 = arith.constant 112 : index
      %swap3A_81 = tpu.vector_load %arg6[%swap3A_79, %swap3A_80] {strides = array<i32>} : memref<128x128xf32, #tpu.memory_space<vmem>>, vector<1x16xf32>,
      %swap3A_82 = vector.shape_cast %swap3A_81 : vector<1x16xf32> to vector<16xf32>
      %swap3A_83 = vector.shape_cast %broadcast_in_dim3A_0 : vector<16xf32> to vector<1x16xf32>
      tpu.vector_store %arg6[%swap3A_79, %swap3A_80], %swap3A_83 {strides = array<i32>} : memref<128x128xf32, #tpu.memory_space<vmem>>, vector<1x16xf32>,
    }
    %scan3A_7 = arith.constant 128 : i32
    %mul3A = arith.constant 632 : i32
    %mul3A_8 = arith.muli %arg1, %mul3A : i32
    %add3A = arith.constant 0 : i32
    %add3A_9 = arith.addi %mul3A_8, %add3A : i32
    "tpu.region"() ({
      %run_scoped3A = tpu.sem_alloc : memref<!tpu.dma_semaphore, #tpu.memory_space<semaphore_mem>>
      %dma_start3A = arith.constant 0 : i32
      %dma_start3A_44 = arith.constant 0 : i32
      %dma_start3A_45 = tpu.memref_slice %arg6[%dma_start3A, %dma_start3A_44] : memref<128x128xf32, #tpu.memory_space<vmem>> -> memref<128x128xf32, #tpu.memory_space<vmem>>
      %dma_start3A_46 = arith.constant 0 : i32
      %dma_start3A_47 = tpu.memref_slice %arg9[%add3A_9, %dma_start3A_46] : memref<10112x128xf32, #tpu.memory_space<vmem_shared>> -> memref<128x128xf32, #tpu.memory_space<vmem_shared>>
      %dma_start3A_48 = arith.constant 0 : i32
      %dma_start3A_49 = tpu.memref_slice %arg9[%add3A_9, %dma_start3A_48] : memref<10112x128xf32, #tpu.memory_space<vmem_shared>> -> memref<128x128xf32, #tpu.memory_space<vmem_shared>>
      %dma_start3A_50 = arith.constant 0 : i32
      %dma_start3A_51 = arith.constant 0 : i32
      %dma_start3A_52 = tpu.memref_slice %arg6[%dma_start3A_50, %dma_start3A_51] : memref<128x128xf32, #tpu.memory_space<vmem>> -> memref<128x128xf32, #tpu.memory_space<vmem>>
      tpu.enqueue_dma source(%dma_start3A_52 : memref<128x128xf32, #tpu.memory_space<vmem>>) target(%dma_start3A_49 : memref<128x128xf32, #tpu.memory_space<vmem_shared>>) target_semaphore(%run_scoped3A : memref<!tpu.dma_semaphore, #tpu.memory_space<semaphore_mem>>)
      %dma_wait3A = arith.constant 0 : i32
      %dma_wait3A_53 = arith.constant 0 : i32
      %dma_wait3A_54 = tpu.memref_slice %arg6[%dma_wait3A, %dma_wait3A_53] : memref<128x128xf32, #tpu.memory_space<vmem>> -> memref<128x128xf32, #tpu.memory_space<vmem>>
      %dma_wait3A_55 = arith.constant 0 : i32
      %dma_wait3A_56 = tpu.memref_slice %arg9[%add3A_9, %dma_wait3A_55] : memref<10112x128xf32, #tpu.memory_space<vmem_shared>> -> memref<128x128xf32, #tpu.memory_space<vmem_shared>>
      %dma_wait3A_57 = arith.constant 0 : i32
      %dma_wait3A_58 = tpu.memref_slice %arg9[%add3A_9, %dma_wait3A_57] : memref<10112x128xf32, #tpu.memory_space<vmem_shared>> -> memref<128x128xf32, #tpu.memory_space<vmem_shared>>
      %dma_wait3A_59 = arith.constant 0 : i32
      %dma_wait3A_60 = arith.constant 0 : i32
      %dma_wait3A_61 = tpu.memref_slice %arg6[%dma_wait3A_59, %dma_wait3A_60] : memref<128x128xf32, #tpu.memory_space<vmem>> -> memref<128x128xf32, #tpu.memory_space<vmem>>
      tpu.wait_dma2 semaphore(%run_scoped3A : memref<!tpu.dma_semaphore, #tpu.memory_space<semaphore_mem>>) src(%dma_wait3A_61 : memref<128x128xf32, #tpu.memory_space<vmem>>) dst(%dma_wait3A_58 : memref<128x128xf32, #tpu.memory_space<vmem_shared>>)
      tpu.yield
    }) : () -> ()
    %mul3A_10 = arith.constant 632 : i32
    %mul3A_11 = arith.muli %arg1, %mul3A_10 : i32
    %add3A_12 = arith.constant 128 : i32
    %add3A_13 = arith.addi %mul3A_11, %add3A_12 : i32
    "tpu.region"() ({
      %run_scoped3A = tpu.sem_alloc : memref<!tpu.dma_semaphore, #tpu.memory_space<semaphore_mem>>
      %dma_start3A = arith.constant 0 : i32
      %dma_start3A_44 = arith.constant 0 : i32
      %dma_start3A_45 = tpu.memref_slice %arg6[%dma_start3A, %dma_start3A_44] : memref<128x128xf32, #tpu.memory_space<vmem>> -> memref<128x128xf32, #tpu.memory_space<vmem>>
      %dma_start3A_46 = arith.constant 0 : i32
      %dma_start3A_47 = tpu.memref_slice %arg9[%add3A_13, %dma_start3A_46] : memref<10112x128xf32, #tpu.memory_space<vmem_shared>> -> memref<128x128xf32, #tpu.memory_space<vmem_shared>>
      %dma_start3A_48 = arith.constant 0 : i32
      %dma_start3A_49 = tpu.memref_slice %arg9[%add3A_13, %dma_start3A_48] : memref<10112x128xf32, #tpu.memory_space<vmem_shared>> -> memref<128x128xf32, #tpu.memory_space<vmem_shared>>
      %dma_start3A_50 = arith.constant 0 : i32
      %dma_start3A_51 = arith.constant 0 : i32
      %dma_start3A_52 = tpu.memref_slice %arg6[%dma_start3A_50, %dma_start3A_51] : memref<128x128xf32, #tpu.memory_space<vmem>> -> memref<128x128xf32, #tpu.memory_space<vmem>>
      tpu.enqueue_dma source(%dma_start3A_52 : memref<128x128xf32, #tpu.memory_space<vmem>>) target(%dma_start3A_49 : memref<128x128xf32, #tpu.memory_space<vmem_shared>>) target_semaphore(%run_scoped3A : memref<!tpu.dma_semaphore, #tpu.memory_space<semaphore_mem>>)
      %dma_wait3A = arith.constant 0 : i32
      %dma_wait3A_53 = arith.constant 0 : i32
      %dma_wait3A_54 = tpu.memref_slice %arg6[%dma_wait3A, %dma_wait3A_53] : memref<128x128xf32, #tpu.memory_space<vmem>> -> memref<128x128xf32, #tpu.memory_space<vmem>>
      %dma_wait3A_55 = arith.constant 0 : i32
      %dma_wait3A_56 = tpu.memref_slice %arg9[%add3A_13, %dma_wait3A_55] : memref<10112x128xf32, #tpu.memory_space<vmem_shared>> -> memref<128x128xf32, #tpu.memory_space<vmem_shared>>
      %dma_wait3A_57 = arith.constant 0 : i32
      %dma_wait3A_58 = tpu.memref_slice %arg9[%add3A_13, %dma_wait3A_57] : memref<10112x128xf32, #tpu.memory_space<vmem_shared>> -> memref<128x128xf32, #tpu.memory_space<vmem_shared>>
      %dma_wait3A_59 = arith.constant 0 : i32
      %dma_wait3A_60 = arith.constant 0 : i32
      %dma_wait3A_61 = tpu.memref_slice %arg6[%dma_wait3A_59, %dma_wait3A_60] : memref<128x128xf32, #tpu.memory_space<vmem>> -> memref<128x128xf32, #tpu.memory_space<vmem>>
      tpu.wait_dma2 semaphore(%run_scoped3A : memref<!tpu.dma_semaphore, #tpu.memory_space<semaphore_mem>>) src(%dma_wait3A_61 : memref<128x128xf32, #tpu.memory_space<vmem>>) dst(%dma_wait3A_58 : memref<128x128xf32, #tpu.memory_space<vmem_shared>>)
      tpu.yield
    }) : () -> ()
    %mul3A_14 = arith.constant 632 : i32
    %mul3A_15 = arith.muli %arg1, %mul3A_14 : i32
    %add3A_16 = arith.constant 256 : i32
    %add3A_17 = arith.addi %mul3A_15, %add3A_16 : i32
    "tpu.region"() ({
      %run_scoped3A = tpu.sem_alloc : memref<!tpu.dma_semaphore, #tpu.memory_space<semaphore_mem>>
      %dma_start3A = arith.constant 0 : i32
      %dma_start3A_44 = arith.constant 0 : i32
      %dma_start3A_45 = tpu.memref_slice %arg6[%dma_start3A, %dma_start3A_44] : memref<128x128xf32, #tpu.memory_space<vmem>> -> memref<128x128xf32, #tpu.memory_space<vmem>>
      %dma_start3A_46 = arith.constant 0 : i32
      %dma_start3A_47 = tpu.memref_slice %arg9[%add3A_17, %dma_start3A_46] : memref<10112x128xf32, #tpu.memory_space<vmem_shared>> -> memref<128x128xf32, #tpu.memory_space<vmem_shared>>
      %dma_start3A_48 = arith.constant 0 : i32
      %dma_start3A_49 = tpu.memref_slice %arg9[%add3A_17, %dma_start3A_48] : memref<10112x128xf32, #tpu.memory_space<vmem_shared>> -> memref<128x128xf32, #tpu.memory_space<vmem_shared>>
      %dma_start3A_50 = arith.constant 0 : i32
      %dma_start3A_51 = arith.constant 0 : i32
      %dma_start3A_52 = tpu.memref_slice %arg6[%dma_start3A_50, %dma_start3A_51] : memref<128x128xf32, #tpu.memory_space<vmem>> -> memref<128x128xf32, #tpu.memory_space<vmem>>
      tpu.enqueue_dma source(%dma_start3A_52 : memref<128x128xf32, #tpu.memory_space<vmem>>) target(%dma_start3A_49 : memref<128x128xf32, #tpu.memory_space<vmem_shared>>) target_semaphore(%run_scoped3A : memref<!tpu.dma_semaphore, #tpu.memory_space<semaphore_mem>>)
      %dma_wait3A = arith.constant 0 : i32
      %dma_wait3A_53 = arith.constant 0 : i32
      %dma_wait3A_54 = tpu.memref_slice %arg6[%dma_wait3A, %dma_wait3A_53] : memref<128x128xf32, #tpu.memory_space<vmem>> -> memref<128x128xf32, #tpu.memory_space<vmem>>
      %dma_wait3A_55 = arith.constant 0 : i32
      %dma_wait3A_56 = tpu.memref_slice %arg9[%add3A_17, %dma_wait3A_55] : memref<10112x128xf32, #tpu.memory_space<vmem_shared>> -> memref<128x128xf32, #tpu.memory_space<vmem_shared>>
      %dma_wait3A_57 = arith.constant 0 : i32
      %dma_wait3A_58 = tpu.memref_slice %arg9[%add3A_17, %dma_wait3A_57] : memref<10112x128xf32, #tpu.memory_space<vmem_shared>> -> memref<128x128xf32, #tpu.memory_space<vmem_shared>>
      %dma_wait3A_59 = arith.constant 0 : i32
      %dma_wait3A_60 = arith.constant 0 : i32
      %dma_wait3A_61 = tpu.memref_slice %arg6[%dma_wait3A_59, %dma_wait3A_60] : memref<128x128xf32, #tpu.memory_space<vmem>> -> memref<128x128xf32, #tpu.memory_space<vmem>>
      tpu.wait_dma2 semaphore(%run_scoped3A : memref<!tpu.dma_semaphore, #tpu.memory_space<semaphore_mem>>) src(%dma_wait3A_61 : memref<128x128xf32, #tpu.memory_space<vmem>>) dst(%dma_wait3A_58 : memref<128x128xf32, #tpu.memory_space<vmem_shared>>)
      tpu.yield
    }) : () -> ()
    %mul3A_18 = arith.constant 632 : i32
    %mul3A_19 = arith.muli %arg1, %mul3A_18 : i32
    %add3A_20 = arith.constant 384 : i32
    %add3A_21 = arith.addi %mul3A_19, %add3A_20 : i32
    "tpu.region"() ({
      %run_scoped3A = tpu.sem_alloc : memref<!tpu.dma_semaphore, #tpu.memory_space<semaphore_mem>>
      %dma_start3A = arith.constant 0 : i32
      %dma_start3A_44 = arith.constant 0 : i32
      %dma_start3A_45 = tpu.memref_slice %arg6[%dma_start3A, %dma_start3A_44] : memref<128x128xf32, #tpu.memory_space<vmem>> -> memref<128x128xf32, #tpu.memory_space<vmem>>
      %dma_start3A_46 = arith.constant 0 : i32
      %dma_start3A_47 = tpu.memref_slice %arg9[%add3A_21, %dma_start3A_46] : memref<10112x128xf32, #tpu.memory_space<vmem_shared>> -> memref<128x128xf32, #tpu.memory_space<vmem_shared>>
      %dma_start3A_48 = arith.constant 0 : i32
      %dma_start3A_49 = tpu.memref_slice %arg9[%add3A_21, %dma_start3A_48] : memref<10112x128xf32, #tpu.memory_space<vmem_shared>> -> memref<128x128xf32, #tpu.memory_space<vmem_shared>>
      %dma_start3A_50 = arith.constant 0 : i32
      %dma_start3A_51 = arith.constant 0 : i32
      %dma_start3A_52 = tpu.memref_slice %arg6[%dma_start3A_50, %dma_start3A_51] : memref<128x128xf32, #tpu.memory_space<vmem>> -> memref<128x128xf32, #tpu.memory_space<vmem>>
      tpu.enqueue_dma source(%dma_start3A_52 : memref<128x128xf32, #tpu.memory_space<vmem>>) target(%dma_start3A_49 : memref<128x128xf32, #tpu.memory_space<vmem_shared>>) target_semaphore(%run_scoped3A : memref<!tpu.dma_semaphore, #tpu.memory_space<semaphore_mem>>)
      %dma_wait3A = arith.constant 0 : i32
      %dma_wait3A_53 = arith.constant 0 : i32
      %dma_wait3A_54 = tpu.memref_slice %arg6[%dma_wait3A, %dma_wait3A_53] : memref<128x128xf32, #tpu.memory_space<vmem>> -> memref<128x128xf32, #tpu.memory_space<vmem>>
      %dma_wait3A_55 = arith.constant 0 : i32
      %dma_wait3A_56 = tpu.memref_slice %arg9[%add3A_21, %dma_wait3A_55] : memref<10112x128xf32, #tpu.memory_space<vmem_shared>> -> memref<128x128xf32, #tpu.memory_space<vmem_shared>>
      %dma_wait3A_57 = arith.constant 0 : i32
      %dma_wait3A_58 = tpu.memref_slice %arg9[%add3A_21, %dma_wait3A_57] : memref<10112x128xf32, #tpu.memory_space<vmem_shared>> -> memref<128x128xf32, #tpu.memory_space<vmem_shared>>
      %dma_wait3A_59 = arith.constant 0 : i32
      %dma_wait3A_60 = arith.constant 0 : i32
      %dma_wait3A_61 = tpu.memref_slice %arg6[%dma_wait3A_59, %dma_wait3A_60] : memref<128x128xf32, #tpu.memory_space<vmem>> -> memref<128x128xf32, #tpu.memory_space<vmem>>
      tpu.wait_dma2 semaphore(%run_scoped3A : memref<!tpu.dma_semaphore, #tpu.memory_space<semaphore_mem>>) src(%dma_wait3A_61 : memref<128x128xf32, #tpu.memory_space<vmem>>) dst(%dma_wait3A_58 : memref<128x128xf32, #tpu.memory_space<vmem_shared>>)
      tpu.yield
    }) : () -> ()
    %mul3A_22 = arith.constant 632 : i32
    %mul3A_23 = arith.muli %arg1, %mul3A_22 : i32
    %add3A_24 = arith.constant 512 : i32
    %add3A_25 = arith.addi %mul3A_23, %add3A_24 : i32
    "tpu.region"() ({
      %run_scoped3A = tpu.sem_alloc : memref<!tpu.dma_semaphore, #tpu.memory_space<semaphore_mem>>
      %dma_start3A = arith.constant 0 : i32
      %dma_start3A_44 = arith.constant 0 : i32
      %dma_start3A_45 = tpu.memref_slice %arg6[%dma_start3A, %dma_start3A_44] : memref<128x128xf32, #tpu.memory_space<vmem>> -> memref<120x128xf32, #tpu.memory_space<vmem>>
      %dma_start3A_46 = arith.constant 0 : i32
      %dma_start3A_47 = tpu.memref_slice %arg9[%add3A_25, %dma_start3A_46] : memref<10112x128xf32, #tpu.memory_space<vmem_shared>> -> memref<120x128xf32, #tpu.memory_space<vmem_shared>>
      %dma_start3A_48 = arith.constant 0 : i32
      %dma_start3A_49 = tpu.memref_slice %arg9[%add3A_25, %dma_start3A_48] : memref<10112x128xf32, #tpu.memory_space<vmem_shared>> -> memref<120x128xf32, #tpu.memory_space<vmem_shared>>
      %dma_start3A_50 = arith.constant 0 : i32
      %dma_start3A_51 = arith.constant 0 : i32
      %dma_start3A_52 = tpu.memref_slice %arg6[%dma_start3A_50, %dma_start3A_51] : memref<128x128xf32, #tpu.memory_space<vmem>> -> memref<120x128xf32, #tpu.memory_space<vmem>>
      tpu.enqueue_dma source(%dma_start3A_52 : memref<120x128xf32, #tpu.memory_space<vmem>>) target(%dma_start3A_49 : memref<120x128xf32, #tpu.memory_space<vmem_shared>>) target_semaphore(%run_scoped3A : memref<!tpu.dma_semaphore, #tpu.memory_space<semaphore_mem>>)
      %dma_wait3A = arith.constant 0 : i32
      %dma_wait3A_53 = arith.constant 0 : i32
      %dma_wait3A_54 = tpu.memref_slice %arg6[%dma_wait3A, %dma_wait3A_53] : memref<128x128xf32, #tpu.memory_space<vmem>> -> memref<120x128xf32, #tpu.memory_space<vmem>>
      %dma_wait3A_55 = arith.constant 0 : i32
      %dma_wait3A_56 = tpu.memref_slice %arg9[%add3A_25, %dma_wait3A_55] : memref<10112x128xf32, #tpu.memory_space<vmem_shared>> -> memref<120x128xf32, #tpu.memory_space<vmem_shared>>
      %dma_wait3A_57 = arith.constant 0 : i32
      %dma_wait3A_58 = tpu.memref_slice %arg9[%add3A_25, %dma_wait3A_57] : memref<10112x128xf32, #tpu.memory_space<vmem_shared>> -> memref<120x128xf32, #tpu.memory_space<vmem_shared>>
      %dma_wait3A_59 = arith.constant 0 : i32
      %dma_wait3A_60 = arith.constant 0 : i32
      %dma_wait3A_61 = tpu.memref_slice %arg6[%dma_wait3A_59, %dma_wait3A_60] : memref<128x128xf32, #tpu.memory_space<vmem>> -> memref<120x128xf32, #tpu.memory_space<vmem>>
      tpu.wait_dma2 semaphore(%run_scoped3A : memref<!tpu.dma_semaphore, #tpu.memory_space<semaphore_mem>>) src(%dma_wait3A_61 : memref<120x128xf32, #tpu.memory_space<vmem>>) dst(%dma_wait3A_58 : memref<120x128xf32, #tpu.memory_space<vmem_shared>>)
      tpu.yield
    }) : () -> ()
    %scan3A_26 = arith.constant 0 : i32
    %scan3A_27 = arith.constant 0 : i32
    %scan3A_28 = arith.constant 128 : i32
    %scan3A_29 = arith.addi %scan3A_27, %scan3A_28 : i32
    %scan3A_30 = arith.constant 1 : i32
    scf.for %scan3A_44 = %scan3A_27 to %scan3A_29 step %scan3A_30  : i32 {
      %swap3A = arith.index_cast %scan3A_44 : i32 to index
      %swap3A_45 = arith.constant 0 : index
      %swap3A_46 = tpu.vector_load %arg6[%swap3A, %swap3A_45] {strides = array<i32>} : memref<128x128xf32, #tpu.memory_space<vmem>>, vector<1x16xf32>,
      %swap3A_47 = vector.shape_cast %swap3A_46 : vector<1x16xf32> to vector<16xf32>
      %swap3A_48 = vector.shape_cast %broadcast_in_dim3A_2 : vector<16xf32> to vector<1x16xf32>
      tpu.vector_store %arg6[%swap3A, %swap3A_45], %swap3A_48 {strides = array<i32>} : memref<128x128xf32, #tpu.memory_space<vmem>>, vector<1x16xf32>,
      %swap3A_49 = arith.index_cast %scan3A_44 : i32 to index
      %swap3A_50 = arith.constant 16 : index
      %swap3A_51 = tpu.vector_load %arg6[%swap3A_49, %swap3A_50] {strides = array<i32>} : memref<128x128xf32, #tpu.memory_space<vmem>>, vector<1x16xf32>,
      %swap3A_52 = vector.shape_cast %swap3A_51 : vector<1x16xf32> to vector<16xf32>
      %swap3A_53 = vector.shape_cast %broadcast_in_dim3A_2 : vector<16xf32> to vector<1x16xf32>
      tpu.vector_store %arg6[%swap3A_49, %swap3A_50], %swap3A_53 {strides = array<i32>} : memref<128x128xf32, #tpu.memory_space<vmem>>, vector<1x16xf32>,
      %swap3A_54 = arith.index_cast %scan3A_44 : i32 to index
      %swap3A_55 = arith.constant 32 : index
      %swap3A_56 = tpu.vector_load %arg6[%swap3A_54, %swap3A_55] {strides = array<i32>} : memref<128x128xf32, #tpu.memory_space<vmem>>, vector<1x16xf32>,
      %swap3A_57 = vector.shape_cast %swap3A_56 : vector<1x16xf32> to vector<16xf32>
      %swap3A_58 = vector.shape_cast %broadcast_in_dim3A_2 : vector<16xf32> to vector<1x16xf32>
      tpu.vector_store %arg6[%swap3A_54, %swap3A_55], %swap3A_58 {strides = array<i32>} : memref<128x128xf32, #tpu.memory_space<vmem>>, vector<1x16xf32>,
      %swap3A_59 = arith.index_cast %scan3A_44 : i32 to index
      %swap3A_60 = arith.constant 48 : index
      %swap3A_61 = tpu.vector_load %arg6[%swap3A_59, %swap3A_60] {strides = array<i32>} : memref<128x128xf32, #tpu.memory_space<vmem>>, vector<1x16xf32>,
      %swap3A_62 = vector.shape_cast %swap3A_61 : vector<1x16xf32> to vector<16xf32>
      %swap3A_63 = vector.shape_cast %broadcast_in_dim3A_2 : vector<16xf32> to vector<1x16xf32>
      tpu.vector_store %arg6[%swap3A_59, %swap3A_60], %swap3A_63 {strides = array<i32>} : memref<128x128xf32, #tpu.memory_space<vmem>>, vector<1x16xf32>,
      %swap3A_64 = arith.index_cast %scan3A_44 : i32 to index
      %swap3A_65 = arith.constant 64 : index
      %swap3A_66 = tpu.vector_load %arg6[%swap3A_64, %swap3A_65] {strides = array<i32>} : memref<128x128xf32, #tpu.memory_space<vmem>>, vector<1x16xf32>,
      %swap3A_67 = vector.shape_cast %swap3A_66 : vector<1x16xf32> to vector<16xf32>
      %swap3A_68 = vector.shape_cast %broadcast_in_dim3A_2 : vector<16xf32> to vector<1x16xf32>
      tpu.vector_store %arg6[%swap3A_64, %swap3A_65], %swap3A_68 {strides = array<i32>} : memref<128x128xf32, #tpu.memory_space<vmem>>, vector<1x16xf32>,
      %swap3A_69 = arith.index_cast %scan3A_44 : i32 to index
      %swap3A_70 = arith.constant 80 : index
      %swap3A_71 = tpu.vector_load %arg6[%swap3A_69, %swap3A_70] {strides = array<i32>} : memref<128x128xf32, #tpu.memory_space<vmem>>, vector<1x16xf32>,
      %swap3A_72 = vector.shape_cast %swap3A_71 : vector<1x16xf32> to vector<16xf32>
      %swap3A_73 = vector.shape_cast %broadcast_in_dim3A_2 : vector<16xf32> to vector<1x16xf32>
      tpu.vector_store %arg6[%swap3A_69, %swap3A_70], %swap3A_73 {strides = array<i32>} : memref<128x128xf32, #tpu.memory_space<vmem>>, vector<1x16xf32>,
      %swap3A_74 = arith.index_cast %scan3A_44 : i32 to index
      %swap3A_75 = arith.constant 96 : index
      %swap3A_76 = tpu.vector_load %arg6[%swap3A_74, %swap3A_75] {strides = array<i32>} : memref<128x128xf32, #tpu.memory_space<vmem>>, vector<1x16xf32>,
      %swap3A_77 = vector.shape_cast %swap3A_76 : vector<1x16xf32> to vector<16xf32>
      %swap3A_78 = vector.shape_cast %broadcast_in_dim3A_2 : vector<16xf32> to vector<1x16xf32>
      tpu.vector_store %arg6[%swap3A_74, %swap3A_75], %swap3A_78 {strides = array<i32>} : memref<128x128xf32, #tpu.memory_space<vmem>>, vector<1x16xf32>,
      %swap3A_79 = arith.index_cast %scan3A_44 : i32 to index
      %swap3A_80 = arith.constant 112 : index
      %swap3A_81 = tpu.vector_load %arg6[%swap3A_79, %swap3A_80] {strides = array<i32>} : memref<128x128xf32, #tpu.memory_space<vmem>>, vector<1x16xf32>,
      %swap3A_82 = vector.shape_cast %swap3A_81 : vector<1x16xf32> to vector<16xf32>
      %swap3A_83 = vector.shape_cast %broadcast_in_dim3A_2 : vector<16xf32> to vector<1x16xf32>
      tpu.vector_store %arg6[%swap3A_79, %swap3A_80], %swap3A_83 {strides = array<i32>} : memref<128x128xf32, #tpu.memory_space<vmem>>, vector<1x16xf32>,
    }
    %scan3A_31 = arith.constant 128 : i32
    %barrier3A = arith.constant 0 : index
    tpu.barrier barrier_id(%barrier3A)
    %mul3A_32 = arith.constant 16 : i32
    %mul3A_33 = arith.muli %arg0, %mul3A_32 : i32
    %add3A_34 = arith.addi %mul3A_33, %arg1 : i32
    %scan3A_35 = arith.constant 0 : i32
    %scan3A_36 = arith.constant 0 : i32
    %scan3A_37 = arith.constant 80 : i32
    %scan3A_38 = arith.addi %scan3A_36, %scan3A_37 : i32
    %scan3A_39 = arith.constant 1 : i32
    scf.for %scan3A_44 = %scan3A_36 to %scan3A_38 step %scan3A_39  : i32 {
      "tpu.region"() ({
        %run_scoped3A = tpu.sem_alloc : memref<!tpu.dma_semaphore, #tpu.memory_space<semaphore_mem>>
        %dma_start3A = arith.constant 0 : i32
        %dma_start3A_45 = tpu.memref_slice %arg2[%add3A_34, %scan3A_44, %dma_start3A] : memref<32x81x128xi32, #tpu.memory_space<hbm>> -> memref<1x1x128xi32, #tpu.memory_space<hbm>>
        %dma_start3A_46 = tpu.memref_squeeze %dma_start3A_45 : memref<1x1x128xi32, #tpu.memory_space<hbm>> -> memref<128xi32, #tpu.memory_space<hbm>>
        %dma_start3A_47 = arith.constant 0 : i32
        %dma_start3A_48 = tpu.memref_slice %arg2[%add3A_34, %scan3A_44, %dma_start3A_47] : memref<32x81x128xi32, #tpu.memory_space<hbm>> -> memref<1x1x128xi32, #tpu.memory_space<hbm>>
        %dma_start3A_49 = tpu.memref_squeeze %dma_start3A_48 : memref<1x1x128xi32, #tpu.memory_space<hbm>> -> memref<128xi32, #tpu.memory_space<hbm>>
        tpu.enqueue_dma source(%dma_start3A_49 : memref<128xi32, #tpu.memory_space<hbm>>) target(%arg4 : memref<128xi32, #tpu.memory_space<vmem>>) target_semaphore(%run_scoped3A : memref<!tpu.dma_semaphore, #tpu.memory_space<semaphore_mem>>)
        %dma_wait3A = arith.constant 0 : i32
        %dma_wait3A_50 = tpu.memref_slice %arg2[%add3A_34, %scan3A_44, %dma_wait3A] : memref<32x81x128xi32, #tpu.memory_space<hbm>> -> memref<1x1x128xi32, #tpu.memory_space<hbm>>
        %dma_wait3A_51 = tpu.memref_squeeze %dma_wait3A_50 : memref<1x1x128xi32, #tpu.memory_space<hbm>> -> memref<128xi32, #tpu.memory_space<hbm>>
        %dma_wait3A_52 = arith.constant 0 : i32
        %dma_wait3A_53 = tpu.memref_slice %arg2[%add3A_34, %scan3A_44, %dma_wait3A_52] : memref<32x81x128xi32, #tpu.memory_space<hbm>> -> memref<1x1x128xi32, #tpu.memory_space<hbm>>
        %dma_wait3A_54 = tpu.memref_squeeze %dma_wait3A_53 : memref<1x1x128xi32, #tpu.memory_space<hbm>> -> memref<128xi32, #tpu.memory_space<hbm>>
        tpu.wait_dma2 semaphore(%run_scoped3A : memref<!tpu.dma_semaphore, #tpu.memory_space<semaphore_mem>>) src(%dma_wait3A_54 : memref<128xi32, #tpu.memory_space<hbm>>) dst(%arg4 : memref<128xi32, #tpu.memory_space<vmem>>)
        tpu.yield
      }) : () -> ()
      "tpu.region"() ({
        %run_scoped3A = tpu.sem_alloc : memref<!tpu.dma_semaphore, #tpu.memory_space<semaphore_mem>>
        %dma_start3A = arith.constant 0 : i32
        %dma_start3A_45 = arith.constant 0 : i32
        %dma_start3A_46 = tpu.memref_slice %arg9[%dma_start3A, %dma_start3A_45] : memref<10112x128xf32, #tpu.memory_space<vmem_shared>> -> memref<10112x128xf32, #tpu.memory_space<vmem_shared>>
        tpu.enqueue_indirect_dma source(%arg6 : memref<128x128xf32, #tpu.memory_space<vmem>>) target(%dma_start3A_46 : memref<10112x128xf32, #tpu.memory_space<vmem_shared>>) offsets(%arg4 : memref<128xi32, #tpu.memory_space<vmem>>) semaphore(%run_scoped3A : memref<!tpu.dma_semaphore, #tpu.memory_space<semaphore_mem>>) {add = true}
        %dma_wait3A = arith.constant 0 : i32
        %dma_wait3A_47 = arith.constant 0 : i32
        %dma_wait3A_48 = tpu.memref_slice %arg9[%dma_wait3A, %dma_wait3A_47] : memref<10112x128xf32, #tpu.memory_space<vmem_shared>> -> memref<10112x128xf32, #tpu.memory_space<vmem_shared>>
        tpu.wait_indirect_dma semaphore(%run_scoped3A : memref<!tpu.dma_semaphore, #tpu.memory_space<semaphore_mem>>) src(%arg6 : memref<128x128xf32, #tpu.memory_space<vmem>>) dst(%dma_wait3A_48 : memref<10112x128xf32, #tpu.memory_space<vmem_shared>>)
        tpu.yield
      }) : () -> ()
    }
    %scan3A_40 = arith.constant 80 : i32
    %barrier3A_41 = arith.constant 0 : index
    tpu.barrier barrier_id(%barrier3A_41)
    %mul3A_42 = arith.constant 632 : i32
    %mul3A_43 = arith.muli %arg1, %mul3A_42 : i32
    "tpu.region"() ({
      %run_scoped3A = tpu.sem_alloc : memref<!tpu.dma_semaphore, #tpu.memory_space<semaphore_mem>>
      %dma_start3A = arith.constant 0 : i32
      %dma_start3A_44 = tpu.memref_slice %arg3[%arg0, %mul3A_43, %dma_start3A] : memref<2x10240x128xf32, #tpu.memory_space<hbm>> -> memref<1x632x128xf32, #tpu.memory_space<hbm>>
      %dma_start3A_45 = tpu.memref_squeeze %dma_start3A_44 : memref<1x632x128xf32, #tpu.memory_space<hbm>> -> memref<632x128xf32, #tpu.memory_space<hbm>>
      %dma_start3A_46 = arith.constant 0 : i32
      %dma_start3A_47 = tpu.memref_slice %arg9[%mul3A_43, %dma_start3A_46] : memref<10112x128xf32, #tpu.memory_space<vmem_shared>> -> memref<632x128xf32, #tpu.memory_space<vmem_shared>>
      tpu.enqueue_dma source(%dma_start3A_47 : memref<632x128xf32, #tpu.memory_space<vmem_shared>>) target(%dma_start3A_45 : memref<632x128xf32, #tpu.memory_space<hbm>>) target_semaphore(%run_scoped3A : memref<!tpu.dma_semaphore, #tpu.memory_space<semaphore_mem>>)
      %dma_wait3A = arith.constant 0 : i32
      %dma_wait3A_48 = tpu.memref_slice %arg3[%arg0, %mul3A_43, %dma_wait3A] : memref<2x10240x128xf32, #tpu.memory_space<hbm>> -> memref<1x632x128xf32, #tpu.memory_space<hbm>>
      %dma_wait3A_49 = tpu.memref_squeeze %dma_wait3A_48 : memref<1x632x128xf32, #tpu.memory_space<hbm>> -> memref<632x128xf32, #tpu.memory_space<hbm>>
      %dma_wait3A_50 = arith.constant 0 : i32
      %dma_wait3A_51 = tpu.memref_slice %arg9[%mul3A_43, %dma_wait3A_50] : memref<10112x128xf32, #tpu.memory_space<vmem_shared>> -> memref<632x128xf32, #tpu.memory_space<vmem_shared>>
      tpu.wait_dma2 semaphore(%run_scoped3A : memref<!tpu.dma_semaphore, #tpu.memory_space<semaphore_mem>>) src(%dma_wait3A_51 : memref<632x128xf32, #tpu.memory_space<vmem_shared>>) dst(%dma_wait3A_49 : memref<632x128xf32, #tpu.memory_space<hbm>>)
      tpu.yield
    }) : () -> ()
    return
  }
}

module attributes {stable_mosaic.version = 14 : i64} {
  func.func @_rm_body(%arg0: memref<480x128xf32, #tpu.memory_space<vmem>>, %arg1: memref<128x128xf32, #tpu.memory_space<vmem>>, %arg2: memref<480x128xf32, #tpu.memory_space<vmem>>) attributes {dimension_semantics = [], scalar_prefetch = 0 : i64, scratch_operands = 0 : i64, tpu.core_type = #tpu.core_type<tc>} {
    %get3A = arith.constant 0 : index
    %get3A_0 = arith.constant 0 : index
    %get3A_1 = vector.load %arg0[%get3A, %get3A_0] : memref<480x128xf32, #tpu.memory_space<vmem>>, vector<480x128xf32>
    %get3A_2 = arith.constant 0 : index
    %get3A_3 = arith.constant 0 : index
    %get3A_4 = vector.load %arg1[%get3A_2, %get3A_3] : memref<128x128xf32, #tpu.memory_space<vmem>>, vector<128x128xf32>
    %dot_general3A = arith.constant dense<0.000000e+00> : vector<480x128xf32>
    %dot_general3A_5 = tpu.matmul %get3A_1, %get3A_4, %dot_general3A {dimension_numbers = #tpu.dot_dimension_numbers<[1], [0], [0], [1], [0, 0, 1, 1], [], []>, transpose_lhs_hint = false} : vector<480x128xf32>, vector<128x128xf32>, vector<480x128xf32> -> vector<480x128xf32>
    %swap3A = arith.constant 0 : index
    %swap3A_6 = arith.constant 0 : index
    %swap3A_7 = vector.load %arg2[%swap3A, %swap3A_6] : memref<480x128xf32, #tpu.memory_space<vmem>>, vector<480x128xf32>
    tpu.vector_store %arg2[%swap3A, %swap3A_6], %dot_general3A_5 {strides = array<i32>} : memref<480x128xf32, #tpu.memory_space<vmem>>, vector<480x128xf32>,
    return
  }
}

module attributes {stable_mosaic.version = 14 : i64} {
  func.func @_dense0_body(%arg0: i32, %arg1: memref<512x128xf32, #tpu.memory_space<vmem>>, %arg2: memref<128x128xf32, #tpu.memory_space<vmem>>, %arg3: memref<128x128xf32, #tpu.memory_space<vmem>>, %arg4: memref<512x128xf32, #tpu.memory_space<vmem>>, %arg5: memref<512x128xf32, #tpu.memory_space<vmem>>) attributes {dimension_semantics = [#tpu.dimension_semantics<arbitrary>], iteration_bounds = array<i64: 20>, scalar_prefetch = 0 : i64, scratch_operands = 0 : i64, tpu.core_type = #tpu.core_type<tc>, window_params = [{transform_indices = @transform_0, window_bounds = array<i64: 512, 128>}, {pipeline_mode = #tpu.pipeline_mode<synchronous>, transform_indices = @transform_1, window_bounds = array<i64: 128, 128>}, {pipeline_mode = #tpu.pipeline_mode<synchronous>, transform_indices = @transform_2, window_bounds = array<i64: 128, 128>}, {transform_indices = @transform_3, window_bounds = array<i64: 512, 128>}, {transform_indices = @transform_4, window_bounds = array<i64: 512, 128>}]} {
    %get3A = arith.constant 0 : index
    %get3A_0 = arith.constant 0 : index
    %get3A_1 = vector.load %arg1[%get3A, %get3A_0] : memref<512x128xf32, #tpu.memory_space<vmem>>, vector<512x128xf32>
    %get3A_2 = arith.constant 0 : index
    %get3A_3 = arith.constant 0 : index
    %get3A_4 = vector.load %arg2[%get3A_2, %get3A_3] : memref<128x128xf32, #tpu.memory_space<vmem>>, vector<128x128xf32>
    %dot_general3A = arith.constant dense<0.000000e+00> : vector<512x128xf32>
    %dot_general3A_5 = tpu.matmul %get3A_1, %get3A_4, %dot_general3A {dimension_numbers = #tpu.dot_dimension_numbers<[1], [0], [0], [1], [0, 0, 1, 1], [], []>, transpose_lhs_hint = false} : vector<512x128xf32>, vector<128x128xf32>, vector<512x128xf32> -> vector<512x128xf32>
    %swap3A = arith.constant 0 : index
    %swap3A_6 = arith.constant 0 : index
    %swap3A_7 = vector.load %arg4[%swap3A, %swap3A_6] : memref<512x128xf32, #tpu.memory_space<vmem>>, vector<512x128xf32>
    tpu.vector_store %arg4[%swap3A, %swap3A_6], %dot_general3A_5 {strides = array<i32>} : memref<512x128xf32, #tpu.memory_space<vmem>>, vector<512x128xf32>,
    %get3A_8 = arith.constant 0 : index
    %get3A_9 = arith.constant 0 : index
    %get3A_10 = vector.load %arg3[%get3A_8, %get3A_9] : memref<128x128xf32, #tpu.memory_space<vmem>>, vector<128x128xf32>
    %dot_general3A_11 = arith.constant dense<0.000000e+00> : vector<512x128xf32>
    %dot_general3A_12 = tpu.matmul %get3A_1, %get3A_10, %dot_general3A_11 {dimension_numbers = #tpu.dot_dimension_numbers<[1], [0], [0], [1], [0, 0, 1, 1], [], []>, transpose_lhs_hint = false} : vector<512x128xf32>, vector<128x128xf32>, vector<512x128xf32> -> vector<512x128xf32>
    %swap3A_13 = arith.constant 0 : index
    %swap3A_14 = arith.constant 0 : index
    %swap3A_15 = vector.load %arg5[%swap3A_13, %swap3A_14] : memref<512x128xf32, #tpu.memory_space<vmem>>, vector<512x128xf32>
    tpu.vector_store %arg5[%swap3A_13, %swap3A_14], %dot_general3A_12 {strides = array<i32>} : memref<512x128xf32, #tpu.memory_space<vmem>>, vector<512x128xf32>,
    return
  }
  func.func @transform_0(%arg0: i32) -> (i32, i32) {
    %c0_i32 = arith.constant 0 : i32
    %c0_i32_0 = arith.constant 0 : i32
    return %arg0, %c0_i32 : i32, i32
  }
  func.func @transform_1(%arg0: i32) -> (i32, i32) {
    %c0_i32 = arith.constant 0 : i32
    %c0_i32_0 = arith.constant 0 : i32
    %c0_i32_1 = arith.constant 0 : i32
    return %c0_i32, %c0_i32_0 : i32, i32
  }
  func.func @transform_2(%arg0: i32) -> (i32, i32) {
    %c0_i32 = arith.constant 0 : i32
    %c0_i32_0 = arith.constant 0 : i32
    %c0_i32_1 = arith.constant 0 : i32
    return %c0_i32, %c0_i32_0 : i32, i32
  }
  func.func @transform_3(%arg0: i32) -> (i32, i32) {
    %c0_i32 = arith.constant 0 : i32
    %c0_i32_0 = arith.constant 0 : i32
    return %arg0, %c0_i32 : i32, i32
  }
  func.func @transform_4(%arg0: i32) -> (i32, i32) {
    %c0_i32 = arith.constant 0 : i32
    %c0_i32_0 = arith.constant 0 : i32
    return %arg0, %c0_i32 : i32, i32
  }
}

module attributes {stable_mosaic.version = 14 : i64} {
  func.func @_layer_body(%arg0: i32, %arg1: memref<2x512x128xf32, #tpu.memory_space<vmem>>, %arg2: memref<2x512x128xf32, #tpu.memory_space<vmem>>, %arg3: memref<512x128xf32, #tpu.memory_space<vmem>>, %arg4: memref<128x128xf32, #tpu.memory_space<vmem>>, %arg5: memref<128x128xf32, #tpu.memory_space<vmem>>, %arg6: memref<512x128xf32, #tpu.memory_space<vmem>>, %arg7: memref<512x128xf32, #tpu.memory_space<vmem>>) attributes {dimension_semantics = [#tpu.dimension_semantics<arbitrary>], iteration_bounds = array<i64: 20>, scalar_prefetch = 0 : i64, scratch_operands = 0 : i64, tpu.core_type = #tpu.core_type<tc>, window_params = [{transform_indices = @transform_0, window_bounds = array<i64: 2, 512, 128>}, {transform_indices = @transform_1, window_bounds = array<i64: 2, 512, 128>}, {transform_indices = @transform_2, window_bounds = array<i64: 512, 128>}, {pipeline_mode = #tpu.pipeline_mode<synchronous>, transform_indices = @transform_3, window_bounds = array<i64: 128, 128>}, {pipeline_mode = #tpu.pipeline_mode<synchronous>, transform_indices = @transform_4, window_bounds = array<i64: 128, 128>}, {transform_indices = @transform_5, window_bounds = array<i64: 512, 128>}, {transform_indices = @transform_6, window_bounds = array<i64: 512, 128>}]} {
    %get3A = arith.constant 0 : index
    %get3A_0 = arith.constant 0 : index
    %get3A_1 = arith.constant 0 : index
    %get3A_2 = vector.load %arg1[%get3A, %get3A_0, %get3A_1] : memref<2x512x128xf32, #tpu.memory_space<vmem>>, vector<1x512x128xf32>
    %get3A_3 = vector.shape_cast %get3A_2 : vector<1x512x128xf32> to vector<512x128xf32>
    %get3A_4 = arith.constant 1 : index
    %get3A_5 = arith.constant 0 : index
    %get3A_6 = arith.constant 0 : index
    %get3A_7 = vector.load %arg1[%get3A_4, %get3A_5, %get3A_6] : memref<2x512x128xf32, #tpu.memory_space<vmem>>, vector<1x512x128xf32>
    %get3A_8 = vector.shape_cast %get3A_7 : vector<1x512x128xf32> to vector<512x128xf32>
    %add3A = arith.addf %get3A_3, %get3A_8 : vector<512x128xf32>
    %get3A_9 = arith.constant 0 : index
    %get3A_10 = arith.constant 0 : index
    %get3A_11 = arith.constant 0 : index
    %get3A_12 = vector.load %arg2[%get3A_9, %get3A_10, %get3A_11] : memref<2x512x128xf32, #tpu.memory_space<vmem>>, vector<1x512x128xf32>
    %get3A_13 = vector.shape_cast %get3A_12 : vector<1x512x128xf32> to vector<512x128xf32>
    %slice3A = vector.extract_strided_slice %get3A_13 {offsets = [0, 0], sizes = [512, 1], strides = [1, 1]} : vector<512x128xf32> to vector<512x1xf32>
    %get3A_14 = arith.constant 1 : index
    %get3A_15 = arith.constant 0 : index
    %get3A_16 = arith.constant 0 : index
    %get3A_17 = vector.load %arg2[%get3A_14, %get3A_15, %get3A_16] : memref<2x512x128xf32, #tpu.memory_space<vmem>>, vector<1x512x128xf32>
    %get3A_18 = vector.shape_cast %get3A_17 : vector<1x512x128xf32> to vector<512x128xf32>
    %slice3A_19 = vector.extract_strided_slice %get3A_18 {offsets = [0, 0], sizes = [512, 1], strides = [1, 1]} : vector<512x128xf32> to vector<512x1xf32>
    %add3A_20 = arith.addf %slice3A, %slice3A_19 : vector<512x1xf32>
    %max3A = arith.constant 1.000000e+00 : f32
    %max3A_21 = vector.broadcast %max3A : f32 to vector<512x1xf32>
    %max3A_22 = arith.maximumf %add3A_20, %max3A_21 : vector<512x1xf32>
    %div3A = vector.broadcast %max3A_22 : vector<512x1xf32> to vector<512x128xf32>
    %div3A_23 = arith.divf %add3A, %div3A : vector<512x128xf32>
    %get3A_24 = arith.constant 0 : index
    %get3A_25 = arith.constant 0 : index
    %get3A_26 = vector.load %arg3[%get3A_24, %get3A_25] : memref<512x128xf32, #tpu.memory_space<vmem>>, vector<512x128xf32>
    %add3A_27 = arith.addf %div3A_23, %get3A_26 : vector<512x128xf32>
    %max3A_28 = arith.constant 0.000000e+00 : f32
    %max3A_29 = vector.broadcast %max3A_28 : f32 to vector<512x128xf32>
    %max3A_30 = arith.maximumf %add3A_27, %max3A_29 : vector<512x128xf32>
    %get3A_31 = arith.constant 0 : index
    %get3A_32 = arith.constant 0 : index
    %get3A_33 = vector.load %arg4[%get3A_31, %get3A_32] : memref<128x128xf32, #tpu.memory_space<vmem>>, vector<128x128xf32>
    %dot_general3A = arith.constant dense<0.000000e+00> : vector<512x128xf32>
    %dot_general3A_34 = tpu.matmul %max3A_30, %get3A_33, %dot_general3A {dimension_numbers = #tpu.dot_dimension_numbers<[1], [0], [0], [1], [0, 0, 1, 1], [], []>, transpose_lhs_hint = false} : vector<512x128xf32>, vector<128x128xf32>, vector<512x128xf32> -> vector<512x128xf32>
    %swap3A = arith.constant 0 : index
    %swap3A_35 = arith.constant 0 : index
    %swap3A_36 = vector.load %arg6[%swap3A, %swap3A_35] : memref<512x128xf32, #tpu.memory_space<vmem>>, vector<512x128xf32>
    tpu.vector_store %arg6[%swap3A, %swap3A_35], %dot_general3A_34 {strides = array<i32>} : memref<512x128xf32, #tpu.memory_space<vmem>>, vector<512x128xf32>,
    %get3A_37 = arith.constant 0 : index
    %get3A_38 = arith.constant 0 : index
    %get3A_39 = vector.load %arg5[%get3A_37, %get3A_38] : memref<128x128xf32, #tpu.memory_space<vmem>>, vector<128x128xf32>
    %dot_general3A_40 = arith.constant dense<0.000000e+00> : vector<512x128xf32>
    %dot_general3A_41 = tpu.matmul %max3A_30, %get3A_39, %dot_general3A_40 {dimension_numbers = #tpu.dot_dimension_numbers<[1], [0], [0], [1], [0, 0, 1, 1], [], []>, transpose_lhs_hint = false} : vector<512x128xf32>, vector<128x128xf32>, vector<512x128xf32> -> vector<512x128xf32>
    %swap3A_42 = arith.constant 0 : index
    %swap3A_43 = arith.constant 0 : index
    %swap3A_44 = vector.load %arg7[%swap3A_42, %swap3A_43] : memref<512x128xf32, #tpu.memory_space<vmem>>, vector<512x128xf32>
    tpu.vector_store %arg7[%swap3A_42, %swap3A_43], %dot_general3A_41 {strides = array<i32>} : memref<512x128xf32, #tpu.memory_space<vmem>>, vector<512x128xf32>,
    return
  }
  func.func @transform_0(%arg0: i32) -> (i32, i32, i32) {
    %c0_i32 = arith.constant 0 : i32
    %c0_i32_0 = arith.constant 0 : i32
    %c0_i32_1 = arith.constant 0 : i32
    return %c0_i32, %arg0, %c0_i32_0 : i32, i32, i32
  }
  func.func @transform_1(%arg0: i32) -> (i32, i32, i32) {
    %c0_i32 = arith.constant 0 : i32
    %c0_i32_0 = arith.constant 0 : i32
    %c0_i32_1 = arith.constant 0 : i32
    return %c0_i32, %arg0, %c0_i32_0 : i32, i32, i32
  }
  func.func @transform_2(%arg0: i32) -> (i32, i32) {
    %c0_i32 = arith.constant 0 : i32
    %c0_i32_0 = arith.constant 0 : i32
    return %arg0, %c0_i32 : i32, i32
  }
  func.func @transform_3(%arg0: i32) -> (i32, i32) {
    %c0_i32 = arith.constant 0 : i32
    %c0_i32_0 = arith.constant 0 : i32
    %c0_i32_1 = arith.constant 0 : i32
    return %c0_i32, %c0_i32_0 : i32, i32
  }
  func.func @transform_4(%arg0: i32) -> (i32, i32) {
    %c0_i32 = arith.constant 0 : i32
    %c0_i32_0 = arith.constant 0 : i32
    %c0_i32_1 = arith.constant 0 : i32
    return %c0_i32, %c0_i32_0 : i32, i32
  }
  func.func @transform_5(%arg0: i32) -> (i32, i32) {
    %c0_i32 = arith.constant 0 : i32
    %c0_i32_0 = arith.constant 0 : i32
    return %arg0, %c0_i32 : i32, i32
  }
  func.func @transform_6(%arg0: i32) -> (i32, i32) {
    %c0_i32 = arith.constant 0 : i32
    %c0_i32_0 = arith.constant 0 : i32
    return %arg0, %c0_i32 : i32, i32
  }
}

module attributes {stable_mosaic.version = 14 : i64} {
  func.func @_final_body(%arg0: i32, %arg1: memref<2x512x128xf32, #tpu.memory_space<vmem>>, %arg2: memref<2x512x128xf32, #tpu.memory_space<vmem>>, %arg3: memref<512x128xf32, #tpu.memory_space<vmem>>, %arg4: memref<512x1xi32, #tpu.memory_space<vmem>>, %arg5: memref<80x1xi32, #tpu.memory_space<vmem>>, %arg6: memref<80x1xf32, #tpu.memory_space<vmem>>, %arg7: memref<80x128xf32, #tpu.memory_space<vmem>>, %arg8: memref<16x128xf32, #tpu.memory_space<vmem>>) attributes {dimension_semantics = [#tpu.dimension_semantics<arbitrary>], iteration_bounds = array<i64: 20>, scalar_prefetch = 0 : i64, scratch_operands = 1 : i64, tpu.core_type = #tpu.core_type<tc>, window_params = [{transform_indices = @transform_0, window_bounds = array<i64: 2, 512, 128>}, {transform_indices = @transform_1, window_bounds = array<i64: 2, 512, 128>}, {transform_indices = @transform_2, window_bounds = array<i64: 512, 128>}, {transform_indices = @transform_3, window_bounds = array<i64: 512, 1>}, {pipeline_mode = #tpu.pipeline_mode<synchronous>, transform_indices = @transform_4, window_bounds = array<i64: 80, 1>}, {pipeline_mode = #tpu.pipeline_mode<synchronous>, transform_indices = @transform_5, window_bounds = array<i64: 80, 1>}, {pipeline_mode = #tpu.pipeline_mode<synchronous>, transform_indices = @transform_6, window_bounds = array<i64: 80, 128>}]} {
    %eq3A = arith.constant 0 : i32
    %eq3A_0 = arith.cmpi eq, %arg0, %eq3A : i32
    %convert_element_type3A = arith.extui %eq3A_0 : i1 to i32
    %cond3A = arith.constant 0 : i32
    %cond3A_1 = arith.cmpi ne, %convert_element_type3A, %cond3A : i32
    scf.if %cond3A_1 {
      %broadcast_in_dim3A_324 = arith.constant 0xFF800000 : f32
      %broadcast_in_dim3A_325 = vector.broadcast %broadcast_in_dim3A_324 : f32 to vector<16x128xf32>
      %swap3A_326 = arith.constant 0 : index
      %swap3A_327 = arith.constant 0 : index
      %swap3A_328 = vector.load %arg8[%swap3A_326, %swap3A_327] : memref<16x128xf32, #tpu.memory_space<vmem>>, vector<16x128xf32>
      tpu.vector_store %arg8[%swap3A_326, %swap3A_327], %broadcast_in_dim3A_325 {strides = array<i32>} : memref<16x128xf32, #tpu.memory_space<vmem>>, vector<16x128xf32>,
    } else {
    }
    %get3A = arith.constant 0 : index
    %get3A_2 = arith.constant 0 : index
    %get3A_3 = arith.constant 0 : index
    %get3A_4 = vector.load %arg1[%get3A, %get3A_2, %get3A_3] : memref<2x512x128xf32, #tpu.memory_space<vmem>>, vector<1x512x128xf32>
    %get3A_5 = vector.shape_cast %get3A_4 : vector<1x512x128xf32> to vector<512x128xf32>
    %get3A_6 = arith.constant 1 : index
    %get3A_7 = arith.constant 0 : index
    %get3A_8 = arith.constant 0 : index
    %get3A_9 = vector.load %arg1[%get3A_6, %get3A_7, %get3A_8] : memref<2x512x128xf32, #tpu.memory_space<vmem>>, vector<1x512x128xf32>
    %get3A_10 = vector.shape_cast %get3A_9 : vector<1x512x128xf32> to vector<512x128xf32>
    %add3A = arith.addf %get3A_5, %get3A_10 : vector<512x128xf32>
    %get3A_11 = arith.constant 0 : index
    %get3A_12 = arith.constant 0 : index
    %get3A_13 = arith.constant 0 : index
    %get3A_14 = vector.load %arg2[%get3A_11, %get3A_12, %get3A_13] : memref<2x512x128xf32, #tpu.memory_space<vmem>>, vector<1x512x128xf32>
    %get3A_15 = vector.shape_cast %get3A_14 : vector<1x512x128xf32> to vector<512x128xf32>
    %slice3A = vector.extract_strided_slice %get3A_15 {offsets = [0, 0], sizes = [512, 1], strides = [1, 1]} : vector<512x128xf32> to vector<512x1xf32>
    %get3A_16 = arith.constant 1 : index
    %get3A_17 = arith.constant 0 : index
    %get3A_18 = arith.constant 0 : index
    %get3A_19 = vector.load %arg2[%get3A_16, %get3A_17, %get3A_18] : memref<2x512x128xf32, #tpu.memory_space<vmem>>, vector<1x512x128xf32>
    %get3A_20 = vector.shape_cast %get3A_19 : vector<1x512x128xf32> to vector<512x128xf32>
    %slice3A_21 = vector.extract_strided_slice %get3A_20 {offsets = [0, 0], sizes = [512, 1], strides = [1, 1]} : vector<512x128xf32> to vector<512x1xf32>
    %add3A_22 = arith.addf %slice3A, %slice3A_21 : vector<512x1xf32>
    %max3A = arith.constant 1.000000e+00 : f32
    %max3A_23 = vector.broadcast %max3A : f32 to vector<512x1xf32>
    %max3A_24 = arith.maximumf %add3A_22, %max3A_23 : vector<512x1xf32>
    %div3A = vector.broadcast %max3A_24 : vector<512x1xf32> to vector<512x128xf32>
    %div3A_25 = arith.divf %add3A, %div3A : vector<512x128xf32>
    %get3A_26 = arith.constant 0 : index
    %get3A_27 = arith.constant 0 : index
    %get3A_28 = vector.load %arg3[%get3A_26, %get3A_27] : memref<512x128xf32, #tpu.memory_space<vmem>>, vector<512x128xf32>
    %add3A_29 = arith.addf %div3A_25, %get3A_28 : vector<512x128xf32>
    %max3A_30 = arith.constant 0.000000e+00 : f32
    %max3A_31 = vector.broadcast %max3A_30 : f32 to vector<512x128xf32>
    %max3A_32 = arith.maximumf %add3A_29, %max3A_31 : vector<512x128xf32>
    %get3A_33 = arith.constant 0 : index
    %get3A_34 = arith.constant 0 : index
    %get3A_35 = vector.load %arg4[%get3A_33, %get3A_34] : memref<512x1xi32, #tpu.memory_space<vmem>>, vector<512x1xi32>
    %eq3A_36 = arith.constant 0 : i32
    %eq3A_37 = vector.broadcast %eq3A_36 : i32 to vector<512x1xi32>
    %eq3A_38 = arith.cmpi eq, %get3A_35, %eq3A_37 : vector<512x1xi32>
    %jit3A = arith.constant 0xFF800000 : f32
    %broadcast_in_dim3A = vector.shape_cast %eq3A_38 : vector<512x1xi1> to vector<512x1xi1>
    %broadcast_in_dim3A_39 = vector.broadcast %broadcast_in_dim3A : vector<512x1xi1> to vector<512x128xi1>
    %broadcast_in_dim3A_40 = vector.broadcast %jit3A : f32 to vector<512x128xf32>
    %select_n3A = arith.select %broadcast_in_dim3A_39, %max3A_32, %broadcast_in_dim3A_40 : vector<512x128xi1>, vector<512x128xf32>
    %reduce_max3A = arith.constant dense<0xFF800000> : vector<128xf32>
    %reduce_max3A_41 = vector.multi_reduction <maximumf>, %select_n3A, %reduce_max3A [0] : vector<512x128xf32> to vector<128xf32>
    %broadcast_in_dim3A_42 = vector.shape_cast %reduce_max3A_41 : vector<128xf32> to vector<1x128xf32>
    %get3A_43 = arith.constant 0 : index
    %get3A_44 = arith.constant 0 : index
    %get3A_45 = vector.load %arg8[%get3A_43, %get3A_44] : memref<16x128xf32, #tpu.memory_space<vmem>>, vector<1x128xf32>
    %max3A_46 = arith.maximumf %get3A_45, %broadcast_in_dim3A_42 : vector<1x128xf32>
    %swap3A = arith.constant 0 : index
    %swap3A_47 = arith.constant 0 : index
    %swap3A_48 = vector.load %arg8[%swap3A, %swap3A_47] : memref<16x128xf32, #tpu.memory_space<vmem>>, vector<1x128xf32>
    tpu.vector_store %arg8[%swap3A, %swap3A_47], %max3A_46 {strides = array<i32>} : memref<16x128xf32, #tpu.memory_space<vmem>>, vector<1x128xf32>,
    %eq3A_49 = arith.constant 1 : i32
    %eq3A_50 = vector.broadcast %eq3A_49 : i32 to vector<512x1xi32>
    %eq3A_51 = arith.cmpi eq, %get3A_35, %eq3A_50 : vector<512x1xi32>
    %jit3A_52 = arith.constant 0xFF800000 : f32
    %broadcast_in_dim3A_53 = vector.shape_cast %eq3A_51 : vector<512x1xi1> to vector<512x1xi1>
    %broadcast_in_dim3A_54 = vector.broadcast %broadcast_in_dim3A_53 : vector<512x1xi1> to vector<512x128xi1>
    %broadcast_in_dim3A_55 = vector.broadcast %jit3A_52 : f32 to vector<512x128xf32>
    %select_n3A_56 = arith.select %broadcast_in_dim3A_54, %max3A_32, %broadcast_in_dim3A_55 : vector<512x128xi1>, vector<512x128xf32>
    %reduce_max3A_57 = arith.constant dense<0xFF800000> : vector<128xf32>
    %reduce_max3A_58 = vector.multi_reduction <maximumf>, %select_n3A_56, %reduce_max3A_57 [0] : vector<512x128xf32> to vector<128xf32>
    %broadcast_in_dim3A_59 = vector.shape_cast %reduce_max3A_58 : vector<128xf32> to vector<1x128xf32>
    %get3A_60 = arith.constant 1 : index
    %get3A_61 = arith.constant 0 : index
    %get3A_62 = vector.load %arg8[%get3A_60, %get3A_61] : memref<16x128xf32, #tpu.memory_space<vmem>>, vector<1x128xf32>
    %max3A_63 = arith.maximumf %get3A_62, %broadcast_in_dim3A_59 : vector<1x128xf32>
    %swap3A_64 = arith.constant 1 : index
    %swap3A_65 = arith.constant 0 : index
    %swap3A_66 = vector.load %arg8[%swap3A_64, %swap3A_65] : memref<16x128xf32, #tpu.memory_space<vmem>>, vector<1x128xf32>
    tpu.vector_store %arg8[%swap3A_64, %swap3A_65], %max3A_63 {strides = array<i32>} : memref<16x128xf32, #tpu.memory_space<vmem>>, vector<1x128xf32>,
    %eq3A_67 = arith.constant 2 : i32
    %eq3A_68 = vector.broadcast %eq3A_67 : i32 to vector<512x1xi32>
    %eq3A_69 = arith.cmpi eq, %get3A_35, %eq3A_68 : vector<512x1xi32>
    %jit3A_70 = arith.constant 0xFF800000 : f32
    %broadcast_in_dim3A_71 = vector.shape_cast %eq3A_69 : vector<512x1xi1> to vector<512x1xi1>
    %broadcast_in_dim3A_72 = vector.broadcast %broadcast_in_dim3A_71 : vector<512x1xi1> to vector<512x128xi1>
    %broadcast_in_dim3A_73 = vector.broadcast %jit3A_70 : f32 to vector<512x128xf32>
    %select_n3A_74 = arith.select %broadcast_in_dim3A_72, %max3A_32, %broadcast_in_dim3A_73 : vector<512x128xi1>, vector<512x128xf32>
    %reduce_max3A_75 = arith.constant dense<0xFF800000> : vector<128xf32>
    %reduce_max3A_76 = vector.multi_reduction <maximumf>, %select_n3A_74, %reduce_max3A_75 [0] : vector<512x128xf32> to vector<128xf32>
    %broadcast_in_dim3A_77 = vector.shape_cast %reduce_max3A_76 : vector<128xf32> to vector<1x128xf32>
    %get3A_78 = arith.constant 2 : index
    %get3A_79 = arith.constant 0 : index
    %get3A_80 = vector.load %arg8[%get3A_78, %get3A_79] : memref<16x128xf32, #tpu.memory_space<vmem>>, vector<1x128xf32>
    %max3A_81 = arith.maximumf %get3A_80, %broadcast_in_dim3A_77 : vector<1x128xf32>
    %swap3A_82 = arith.constant 2 : index
    %swap3A_83 = arith.constant 0 : index
    %swap3A_84 = vector.load %arg8[%swap3A_82, %swap3A_83] : memref<16x128xf32, #tpu.memory_space<vmem>>, vector<1x128xf32>
    tpu.vector_store %arg8[%swap3A_82, %swap3A_83], %max3A_81 {strides = array<i32>} : memref<16x128xf32, #tpu.memory_space<vmem>>, vector<1x128xf32>,
    %eq3A_85 = arith.constant 3 : i32
    %eq3A_86 = vector.broadcast %eq3A_85 : i32 to vector<512x1xi32>
    %eq3A_87 = arith.cmpi eq, %get3A_35, %eq3A_86 : vector<512x1xi32>
    %jit3A_88 = arith.constant 0xFF800000 : f32
    %broadcast_in_dim3A_89 = vector.shape_cast %eq3A_87 : vector<512x1xi1> to vector<512x1xi1>
    %broadcast_in_dim3A_90 = vector.broadcast %broadcast_in_dim3A_89 : vector<512x1xi1> to vector<512x128xi1>
    %broadcast_in_dim3A_91 = vector.broadcast %jit3A_88 : f32 to vector<512x128xf32>
    %select_n3A_92 = arith.select %broadcast_in_dim3A_90, %max3A_32, %broadcast_in_dim3A_91 : vector<512x128xi1>, vector<512x128xf32>
    %reduce_max3A_93 = arith.constant dense<0xFF800000> : vector<128xf32>
    %reduce_max3A_94 = vector.multi_reduction <maximumf>, %select_n3A_92, %reduce_max3A_93 [0] : vector<512x128xf32> to vector<128xf32>
    %broadcast_in_dim3A_95 = vector.shape_cast %reduce_max3A_94 : vector<128xf32> to vector<1x128xf32>
    %get3A_96 = arith.constant 3 : index
    %get3A_97 = arith.constant 0 : index
    %get3A_98 = vector.load %arg8[%get3A_96, %get3A_97] : memref<16x128xf32, #tpu.memory_space<vmem>>, vector<1x128xf32>
    %max3A_99 = arith.maximumf %get3A_98, %broadcast_in_dim3A_95 : vector<1x128xf32>
    %swap3A_100 = arith.constant 3 : index
    %swap3A_101 = arith.constant 0 : index
    %swap3A_102 = vector.load %arg8[%swap3A_100, %swap3A_101] : memref<16x128xf32, #tpu.memory_space<vmem>>, vector<1x128xf32>
    tpu.vector_store %arg8[%swap3A_100, %swap3A_101], %max3A_99 {strides = array<i32>} : memref<16x128xf32, #tpu.memory_space<vmem>>, vector<1x128xf32>,
    %eq3A_103 = arith.constant 4 : i32
    %eq3A_104 = vector.broadcast %eq3A_103 : i32 to vector<512x1xi32>
    %eq3A_105 = arith.cmpi eq, %get3A_35, %eq3A_104 : vector<512x1xi32>
    %jit3A_106 = arith.constant 0xFF800000 : f32
    %broadcast_in_dim3A_107 = vector.shape_cast %eq3A_105 : vector<512x1xi1> to vector<512x1xi1>
    %broadcast_in_dim3A_108 = vector.broadcast %broadcast_in_dim3A_107 : vector<512x1xi1> to vector<512x128xi1>
    %broadcast_in_dim3A_109 = vector.broadcast %jit3A_106 : f32 to vector<512x128xf32>
    %select_n3A_110 = arith.select %broadcast_in_dim3A_108, %max3A_32, %broadcast_in_dim3A_109 : vector<512x128xi1>, vector<512x128xf32>
    %reduce_max3A_111 = arith.constant dense<0xFF800000> : vector<128xf32>
    %reduce_max3A_112 = vector.multi_reduction <maximumf>, %select_n3A_110, %reduce_max3A_111 [0] : vector<512x128xf32> to vector<128xf32>
    %broadcast_in_dim3A_113 = vector.shape_cast %reduce_max3A_112 : vector<128xf32> to vector<1x128xf32>
    %get3A_114 = arith.constant 4 : index
    %get3A_115 = arith.constant 0 : index
    %get3A_116 = vector.load %arg8[%get3A_114, %get3A_115] : memref<16x128xf32, #tpu.memory_space<vmem>>, vector<1x128xf32>
    %max3A_117 = arith.maximumf %get3A_116, %broadcast_in_dim3A_113 : vector<1x128xf32>
    %swap3A_118 = arith.constant 4 : index
    %swap3A_119 = arith.constant 0 : index
    %swap3A_120 = vector.load %arg8[%swap3A_118, %swap3A_119] : memref<16x128xf32, #tpu.memory_space<vmem>>, vector<1x128xf32>
    tpu.vector_store %arg8[%swap3A_118, %swap3A_119], %max3A_117 {strides = array<i32>} : memref<16x128xf32, #tpu.memory_space<vmem>>, vector<1x128xf32>,
    %eq3A_121 = arith.constant 5 : i32
    %eq3A_122 = vector.broadcast %eq3A_121 : i32 to vector<512x1xi32>
    %eq3A_123 = arith.cmpi eq, %get3A_35, %eq3A_122 : vector<512x1xi32>
    %jit3A_124 = arith.constant 0xFF800000 : f32
    %broadcast_in_dim3A_125 = vector.shape_cast %eq3A_123 : vector<512x1xi1> to vector<512x1xi1>
    %broadcast_in_dim3A_126 = vector.broadcast %broadcast_in_dim3A_125 : vector<512x1xi1> to vector<512x128xi1>
    %broadcast_in_dim3A_127 = vector.broadcast %jit3A_124 : f32 to vector<512x128xf32>
    %select_n3A_128 = arith.select %broadcast_in_dim3A_126, %max3A_32, %broadcast_in_dim3A_127 : vector<512x128xi1>, vector<512x128xf32>
    %reduce_max3A_129 = arith.constant dense<0xFF800000> : vector<128xf32>
    %reduce_max3A_130 = vector.multi_reduction <maximumf>, %select_n3A_128, %reduce_max3A_129 [0] : vector<512x128xf32> to vector<128xf32>
    %broadcast_in_dim3A_131 = vector.shape_cast %reduce_max3A_130 : vector<128xf32> to vector<1x128xf32>
    %get3A_132 = arith.constant 5 : index
    %get3A_133 = arith.constant 0 : index
    %get3A_134 = vector.load %arg8[%get3A_132, %get3A_133] : memref<16x128xf32, #tpu.memory_space<vmem>>, vector<1x128xf32>
    %max3A_135 = arith.maximumf %get3A_134, %broadcast_in_dim3A_131 : vector<1x128xf32>
    %swap3A_136 = arith.constant 5 : index
    %swap3A_137 = arith.constant 0 : index
    %swap3A_138 = vector.load %arg8[%swap3A_136, %swap3A_137] : memref<16x128xf32, #tpu.memory_space<vmem>>, vector<1x128xf32>
    tpu.vector_store %arg8[%swap3A_136, %swap3A_137], %max3A_135 {strides = array<i32>} : memref<16x128xf32, #tpu.memory_space<vmem>>, vector<1x128xf32>,
    %eq3A_139 = arith.constant 6 : i32
    %eq3A_140 = vector.broadcast %eq3A_139 : i32 to vector<512x1xi32>
    %eq3A_141 = arith.cmpi eq, %get3A_35, %eq3A_140 : vector<512x1xi32>
    %jit3A_142 = arith.constant 0xFF800000 : f32
    %broadcast_in_dim3A_143 = vector.shape_cast %eq3A_141 : vector<512x1xi1> to vector<512x1xi1>
    %broadcast_in_dim3A_144 = vector.broadcast %broadcast_in_dim3A_143 : vector<512x1xi1> to vector<512x128xi1>
    %broadcast_in_dim3A_145 = vector.broadcast %jit3A_142 : f32 to vector<512x128xf32>
    %select_n3A_146 = arith.select %broadcast_in_dim3A_144, %max3A_32, %broadcast_in_dim3A_145 : vector<512x128xi1>, vector<512x128xf32>
    %reduce_max3A_147 = arith.constant dense<0xFF800000> : vector<128xf32>
    %reduce_max3A_148 = vector.multi_reduction <maximumf>, %select_n3A_146, %reduce_max3A_147 [0] : vector<512x128xf32> to vector<128xf32>
    %broadcast_in_dim3A_149 = vector.shape_cast %reduce_max3A_148 : vector<128xf32> to vector<1x128xf32>
    %get3A_150 = arith.constant 6 : index
    %get3A_151 = arith.constant 0 : index
    %get3A_152 = vector.load %arg8[%get3A_150, %get3A_151] : memref<16x128xf32, #tpu.memory_space<vmem>>, vector<1x128xf32>
    %max3A_153 = arith.maximumf %get3A_152, %broadcast_in_dim3A_149 : vector<1x128xf32>
    %swap3A_154 = arith.constant 6 : index
    %swap3A_155 = arith.constant 0 : index
    %swap3A_156 = vector.load %arg8[%swap3A_154, %swap3A_155] : memref<16x128xf32, #tpu.memory_space<vmem>>, vector<1x128xf32>
    tpu.vector_store %arg8[%swap3A_154, %swap3A_155], %max3A_153 {strides = array<i32>} : memref<16x128xf32, #tpu.memory_space<vmem>>, vector<1x128xf32>,
    %eq3A_157 = arith.constant 7 : i32
    %eq3A_158 = vector.broadcast %eq3A_157 : i32 to vector<512x1xi32>
    %eq3A_159 = arith.cmpi eq, %get3A_35, %eq3A_158 : vector<512x1xi32>
    %jit3A_160 = arith.constant 0xFF800000 : f32
    %broadcast_in_dim3A_161 = vector.shape_cast %eq3A_159 : vector<512x1xi1> to vector<512x1xi1>
    %broadcast_in_dim3A_162 = vector.broadcast %broadcast_in_dim3A_161 : vector<512x1xi1> to vector<512x128xi1>
    %broadcast_in_dim3A_163 = vector.broadcast %jit3A_160 : f32 to vector<512x128xf32>
    %select_n3A_164 = arith.select %broadcast_in_dim3A_162, %max3A_32, %broadcast_in_dim3A_163 : vector<512x128xi1>, vector<512x128xf32>
    %reduce_max3A_165 = arith.constant dense<0xFF800000> : vector<128xf32>
    %reduce_max3A_166 = vector.multi_reduction <maximumf>, %select_n3A_164, %reduce_max3A_165 [0] : vector<512x128xf32> to vector<128xf32>
    %broadcast_in_dim3A_167 = vector.shape_cast %reduce_max3A_166 : vector<128xf32> to vector<1x128xf32>
    %get3A_168 = arith.constant 7 : index
    %get3A_169 = arith.constant 0 : index
    %get3A_170 = vector.load %arg8[%get3A_168, %get3A_169] : memref<16x128xf32, #tpu.memory_space<vmem>>, vector<1x128xf32>
    %max3A_171 = arith.maximumf %get3A_170, %broadcast_in_dim3A_167 : vector<1x128xf32>
    %swap3A_172 = arith.constant 7 : index
    %swap3A_173 = arith.constant 0 : index
    %swap3A_174 = vector.load %arg8[%swap3A_172, %swap3A_173] : memref<16x128xf32, #tpu.memory_space<vmem>>, vector<1x128xf32>
    tpu.vector_store %arg8[%swap3A_172, %swap3A_173], %max3A_171 {strides = array<i32>} : memref<16x128xf32, #tpu.memory_space<vmem>>, vector<1x128xf32>,
    %eq3A_175 = arith.constant 8 : i32
    %eq3A_176 = vector.broadcast %eq3A_175 : i32 to vector<512x1xi32>
    %eq3A_177 = arith.cmpi eq, %get3A_35, %eq3A_176 : vector<512x1xi32>
    %jit3A_178 = arith.constant 0xFF800000 : f32
    %broadcast_in_dim3A_179 = vector.shape_cast %eq3A_177 : vector<512x1xi1> to vector<512x1xi1>
    %broadcast_in_dim3A_180 = vector.broadcast %broadcast_in_dim3A_179 : vector<512x1xi1> to vector<512x128xi1>
    %broadcast_in_dim3A_181 = vector.broadcast %jit3A_178 : f32 to vector<512x128xf32>
    %select_n3A_182 = arith.select %broadcast_in_dim3A_180, %max3A_32, %broadcast_in_dim3A_181 : vector<512x128xi1>, vector<512x128xf32>
    %reduce_max3A_183 = arith.constant dense<0xFF800000> : vector<128xf32>
    %reduce_max3A_184 = vector.multi_reduction <maximumf>, %select_n3A_182, %reduce_max3A_183 [0] : vector<512x128xf32> to vector<128xf32>
    %broadcast_in_dim3A_185 = vector.shape_cast %reduce_max3A_184 : vector<128xf32> to vector<1x128xf32>
    %get3A_186 = arith.constant 8 : index
    %get3A_187 = arith.constant 0 : index
    %get3A_188 = vector.load %arg8[%get3A_186, %get3A_187] : memref<16x128xf32, #tpu.memory_space<vmem>>, vector<1x128xf32>
    %max3A_189 = arith.maximumf %get3A_188, %broadcast_in_dim3A_185 : vector<1x128xf32>
    %swap3A_190 = arith.constant 8 : index
    %swap3A_191 = arith.constant 0 : index
    %swap3A_192 = vector.load %arg8[%swap3A_190, %swap3A_191] : memref<16x128xf32, #tpu.memory_space<vmem>>, vector<1x128xf32>
    tpu.vector_store %arg8[%swap3A_190, %swap3A_191], %max3A_189 {strides = array<i32>} : memref<16x128xf32, #tpu.memory_space<vmem>>, vector<1x128xf32>,
    %eq3A_193 = arith.constant 9 : i32
    %eq3A_194 = vector.broadcast %eq3A_193 : i32 to vector<512x1xi32>
    %eq3A_195 = arith.cmpi eq, %get3A_35, %eq3A_194 : vector<512x1xi32>
    %jit3A_196 = arith.constant 0xFF800000 : f32
    %broadcast_in_dim3A_197 = vector.shape_cast %eq3A_195 : vector<512x1xi1> to vector<512x1xi1>
    %broadcast_in_dim3A_198 = vector.broadcast %broadcast_in_dim3A_197 : vector<512x1xi1> to vector<512x128xi1>
    %broadcast_in_dim3A_199 = vector.broadcast %jit3A_196 : f32 to vector<512x128xf32>
    %select_n3A_200 = arith.select %broadcast_in_dim3A_198, %max3A_32, %broadcast_in_dim3A_199 : vector<512x128xi1>, vector<512x128xf32>
    %reduce_max3A_201 = arith.constant dense<0xFF800000> : vector<128xf32>
    %reduce_max3A_202 = vector.multi_reduction <maximumf>, %select_n3A_200, %reduce_max3A_201 [0] : vector<512x128xf32> to vector<128xf32>
    %broadcast_in_dim3A_203 = vector.shape_cast %reduce_max3A_202 : vector<128xf32> to vector<1x128xf32>
    %get3A_204 = arith.constant 9 : index
    %get3A_205 = arith.constant 0 : index
    %get3A_206 = vector.load %arg8[%get3A_204, %get3A_205] : memref<16x128xf32, #tpu.memory_space<vmem>>, vector<1x128xf32>
    %max3A_207 = arith.maximumf %get3A_206, %broadcast_in_dim3A_203 : vector<1x128xf32>
    %swap3A_208 = arith.constant 9 : index
    %swap3A_209 = arith.constant 0 : index
    %swap3A_210 = vector.load %arg8[%swap3A_208, %swap3A_209] : memref<16x128xf32, #tpu.memory_space<vmem>>, vector<1x128xf32>
    tpu.vector_store %arg8[%swap3A_208, %swap3A_209], %max3A_207 {strides = array<i32>} : memref<16x128xf32, #tpu.memory_space<vmem>>, vector<1x128xf32>,
    %eq3A_211 = arith.constant 10 : i32
    %eq3A_212 = vector.broadcast %eq3A_211 : i32 to vector<512x1xi32>
    %eq3A_213 = arith.cmpi eq, %get3A_35, %eq3A_212 : vector<512x1xi32>
    %jit3A_214 = arith.constant 0xFF800000 : f32
    %broadcast_in_dim3A_215 = vector.shape_cast %eq3A_213 : vector<512x1xi1> to vector<512x1xi1>
    %broadcast_in_dim3A_216 = vector.broadcast %broadcast_in_dim3A_215 : vector<512x1xi1> to vector<512x128xi1>
    %broadcast_in_dim3A_217 = vector.broadcast %jit3A_214 : f32 to vector<512x128xf32>
    %select_n3A_218 = arith.select %broadcast_in_dim3A_216, %max3A_32, %broadcast_in_dim3A_217 : vector<512x128xi1>, vector<512x128xf32>
    %reduce_max3A_219 = arith.constant dense<0xFF800000> : vector<128xf32>
    %reduce_max3A_220 = vector.multi_reduction <maximumf>, %select_n3A_218, %reduce_max3A_219 [0] : vector<512x128xf32> to vector<128xf32>
    %broadcast_in_dim3A_221 = vector.shape_cast %reduce_max3A_220 : vector<128xf32> to vector<1x128xf32>
    %get3A_222 = arith.constant 10 : index
    %get3A_223 = arith.constant 0 : index
    %get3A_224 = vector.load %arg8[%get3A_222, %get3A_223] : memref<16x128xf32, #tpu.memory_space<vmem>>, vector<1x128xf32>
    %max3A_225 = arith.maximumf %get3A_224, %broadcast_in_dim3A_221 : vector<1x128xf32>
    %swap3A_226 = arith.constant 10 : index
    %swap3A_227 = arith.constant 0 : index
    %swap3A_228 = vector.load %arg8[%swap3A_226, %swap3A_227] : memref<16x128xf32, #tpu.memory_space<vmem>>, vector<1x128xf32>
    tpu.vector_store %arg8[%swap3A_226, %swap3A_227], %max3A_225 {strides = array<i32>} : memref<16x128xf32, #tpu.memory_space<vmem>>, vector<1x128xf32>,
    %eq3A_229 = arith.constant 11 : i32
    %eq3A_230 = vector.broadcast %eq3A_229 : i32 to vector<512x1xi32>
    %eq3A_231 = arith.cmpi eq, %get3A_35, %eq3A_230 : vector<512x1xi32>
    %jit3A_232 = arith.constant 0xFF800000 : f32
    %broadcast_in_dim3A_233 = vector.shape_cast %eq3A_231 : vector<512x1xi1> to vector<512x1xi1>
    %broadcast_in_dim3A_234 = vector.broadcast %broadcast_in_dim3A_233 : vector<512x1xi1> to vector<512x128xi1>
    %broadcast_in_dim3A_235 = vector.broadcast %jit3A_232 : f32 to vector<512x128xf32>
    %select_n3A_236 = arith.select %broadcast_in_dim3A_234, %max3A_32, %broadcast_in_dim3A_235 : vector<512x128xi1>, vector<512x128xf32>
    %reduce_max3A_237 = arith.constant dense<0xFF800000> : vector<128xf32>
    %reduce_max3A_238 = vector.multi_reduction <maximumf>, %select_n3A_236, %reduce_max3A_237 [0] : vector<512x128xf32> to vector<128xf32>
    %broadcast_in_dim3A_239 = vector.shape_cast %reduce_max3A_238 : vector<128xf32> to vector<1x128xf32>
    %get3A_240 = arith.constant 11 : index
    %get3A_241 = arith.constant 0 : index
    %get3A_242 = vector.load %arg8[%get3A_240, %get3A_241] : memref<16x128xf32, #tpu.memory_space<vmem>>, vector<1x128xf32>
    %max3A_243 = arith.maximumf %get3A_242, %broadcast_in_dim3A_239 : vector<1x128xf32>
    %swap3A_244 = arith.constant 11 : index
    %swap3A_245 = arith.constant 0 : index
    %swap3A_246 = vector.load %arg8[%swap3A_244, %swap3A_245] : memref<16x128xf32, #tpu.memory_space<vmem>>, vector<1x128xf32>
    tpu.vector_store %arg8[%swap3A_244, %swap3A_245], %max3A_243 {strides = array<i32>} : memref<16x128xf32, #tpu.memory_space<vmem>>, vector<1x128xf32>,
    %eq3A_247 = arith.constant 12 : i32
    %eq3A_248 = vector.broadcast %eq3A_247 : i32 to vector<512x1xi32>
    %eq3A_249 = arith.cmpi eq, %get3A_35, %eq3A_248 : vector<512x1xi32>
    %jit3A_250 = arith.constant 0xFF800000 : f32
    %broadcast_in_dim3A_251 = vector.shape_cast %eq3A_249 : vector<512x1xi1> to vector<512x1xi1>
    %broadcast_in_dim3A_252 = vector.broadcast %broadcast_in_dim3A_251 : vector<512x1xi1> to vector<512x128xi1>
    %broadcast_in_dim3A_253 = vector.broadcast %jit3A_250 : f32 to vector<512x128xf32>
    %select_n3A_254 = arith.select %broadcast_in_dim3A_252, %max3A_32, %broadcast_in_dim3A_253 : vector<512x128xi1>, vector<512x128xf32>
    %reduce_max3A_255 = arith.constant dense<0xFF800000> : vector<128xf32>
    %reduce_max3A_256 = vector.multi_reduction <maximumf>, %select_n3A_254, %reduce_max3A_255 [0] : vector<512x128xf32> to vector<128xf32>
    %broadcast_in_dim3A_257 = vector.shape_cast %reduce_max3A_256 : vector<128xf32> to vector<1x128xf32>
    %get3A_258 = arith.constant 12 : index
    %get3A_259 = arith.constant 0 : index
    %get3A_260 = vector.load %arg8[%get3A_258, %get3A_259] : memref<16x128xf32, #tpu.memory_space<vmem>>, vector<1x128xf32>
    %max3A_261 = arith.maximumf %get3A_260, %broadcast_in_dim3A_257 : vector<1x128xf32>
    %swap3A_262 = arith.constant 12 : index
    %swap3A_263 = arith.constant 0 : index
    %swap3A_264 = vector.load %arg8[%swap3A_262, %swap3A_263] : memref<16x128xf32, #tpu.memory_space<vmem>>, vector<1x128xf32>
    tpu.vector_store %arg8[%swap3A_262, %swap3A_263], %max3A_261 {strides = array<i32>} : memref<16x128xf32, #tpu.memory_space<vmem>>, vector<1x128xf32>,
    %eq3A_265 = arith.constant 13 : i32
    %eq3A_266 = vector.broadcast %eq3A_265 : i32 to vector<512x1xi32>
    %eq3A_267 = arith.cmpi eq, %get3A_35, %eq3A_266 : vector<512x1xi32>
    %jit3A_268 = arith.constant 0xFF800000 : f32
    %broadcast_in_dim3A_269 = vector.shape_cast %eq3A_267 : vector<512x1xi1> to vector<512x1xi1>
    %broadcast_in_dim3A_270 = vector.broadcast %broadcast_in_dim3A_269 : vector<512x1xi1> to vector<512x128xi1>
    %broadcast_in_dim3A_271 = vector.broadcast %jit3A_268 : f32 to vector<512x128xf32>
    %select_n3A_272 = arith.select %broadcast_in_dim3A_270, %max3A_32, %broadcast_in_dim3A_271 : vector<512x128xi1>, vector<512x128xf32>
    %reduce_max3A_273 = arith.constant dense<0xFF800000> : vector<128xf32>
    %reduce_max3A_274 = vector.multi_reduction <maximumf>, %select_n3A_272, %reduce_max3A_273 [0] : vector<512x128xf32> to vector<128xf32>
    %broadcast_in_dim3A_275 = vector.shape_cast %reduce_max3A_274 : vector<128xf32> to vector<1x128xf32>
    %get3A_276 = arith.constant 13 : index
    %get3A_277 = arith.constant 0 : index
    %get3A_278 = vector.load %arg8[%get3A_276, %get3A_277] : memref<16x128xf32, #tpu.memory_space<vmem>>, vector<1x128xf32>
    %max3A_279 = arith.maximumf %get3A_278, %broadcast_in_dim3A_275 : vector<1x128xf32>
    %swap3A_280 = arith.constant 13 : index
    %swap3A_281 = arith.constant 0 : index
    %swap3A_282 = vector.load %arg8[%swap3A_280, %swap3A_281] : memref<16x128xf32, #tpu.memory_space<vmem>>, vector<1x128xf32>
    tpu.vector_store %arg8[%swap3A_280, %swap3A_281], %max3A_279 {strides = array<i32>} : memref<16x128xf32, #tpu.memory_space<vmem>>, vector<1x128xf32>,
    %eq3A_283 = arith.constant 14 : i32
    %eq3A_284 = vector.broadcast %eq3A_283 : i32 to vector<512x1xi32>
    %eq3A_285 = arith.cmpi eq, %get3A_35, %eq3A_284 : vector<512x1xi32>
    %jit3A_286 = arith.constant 0xFF800000 : f32
    %broadcast_in_dim3A_287 = vector.shape_cast %eq3A_285 : vector<512x1xi1> to vector<512x1xi1>
    %broadcast_in_dim3A_288 = vector.broadcast %broadcast_in_dim3A_287 : vector<512x1xi1> to vector<512x128xi1>
    %broadcast_in_dim3A_289 = vector.broadcast %jit3A_286 : f32 to vector<512x128xf32>
    %select_n3A_290 = arith.select %broadcast_in_dim3A_288, %max3A_32, %broadcast_in_dim3A_289 : vector<512x128xi1>, vector<512x128xf32>
    %reduce_max3A_291 = arith.constant dense<0xFF800000> : vector<128xf32>
    %reduce_max3A_292 = vector.multi_reduction <maximumf>, %select_n3A_290, %reduce_max3A_291 [0] : vector<512x128xf32> to vector<128xf32>
    %broadcast_in_dim3A_293 = vector.shape_cast %reduce_max3A_292 : vector<128xf32> to vector<1x128xf32>
    %get3A_294 = arith.constant 14 : index
    %get3A_295 = arith.constant 0 : index
    %get3A_296 = vector.load %arg8[%get3A_294, %get3A_295] : memref<16x128xf32, #tpu.memory_space<vmem>>, vector<1x128xf32>
    %max3A_297 = arith.maximumf %get3A_296, %broadcast_in_dim3A_293 : vector<1x128xf32>
    %swap3A_298 = arith.constant 14 : index
    %swap3A_299 = arith.constant 0 : index
    %swap3A_300 = vector.load %arg8[%swap3A_298, %swap3A_299] : memref<16x128xf32, #tpu.memory_space<vmem>>, vector<1x128xf32>
    tpu.vector_store %arg8[%swap3A_298, %swap3A_299], %max3A_297 {strides = array<i32>} : memref<16x128xf32, #tpu.memory_space<vmem>>, vector<1x128xf32>,
    %eq3A_301 = arith.constant 15 : i32
    %eq3A_302 = vector.broadcast %eq3A_301 : i32 to vector<512x1xi32>
    %eq3A_303 = arith.cmpi eq, %get3A_35, %eq3A_302 : vector<512x1xi32>
    %jit3A_304 = arith.constant 0xFF800000 : f32
    %broadcast_in_dim3A_305 = vector.shape_cast %eq3A_303 : vector<512x1xi1> to vector<512x1xi1>
    %broadcast_in_dim3A_306 = vector.broadcast %broadcast_in_dim3A_305 : vector<512x1xi1> to vector<512x128xi1>
    %broadcast_in_dim3A_307 = vector.broadcast %jit3A_304 : f32 to vector<512x128xf32>
    %select_n3A_308 = arith.select %broadcast_in_dim3A_306, %max3A_32, %broadcast_in_dim3A_307 : vector<512x128xi1>, vector<512x128xf32>
    %reduce_max3A_309 = arith.constant dense<0xFF800000> : vector<128xf32>
    %reduce_max3A_310 = vector.multi_reduction <maximumf>, %select_n3A_308, %reduce_max3A_309 [0] : vector<512x128xf32> to vector<128xf32>
    %broadcast_in_dim3A_311 = vector.shape_cast %reduce_max3A_310 : vector<128xf32> to vector<1x128xf32>
    %get3A_312 = arith.constant 15 : index
    %get3A_313 = arith.constant 0 : index
    %get3A_314 = vector.load %arg8[%get3A_312, %get3A_313] : memref<16x128xf32, #tpu.memory_space<vmem>>, vector<1x128xf32>
    %max3A_315 = arith.maximumf %get3A_314, %broadcast_in_dim3A_311 : vector<1x128xf32>
    %swap3A_316 = arith.constant 15 : index
    %swap3A_317 = arith.constant 0 : index
    %swap3A_318 = vector.load %arg8[%swap3A_316, %swap3A_317] : memref<16x128xf32, #tpu.memory_space<vmem>>, vector<1x128xf32>
    tpu.vector_store %arg8[%swap3A_316, %swap3A_317], %max3A_315 {strides = array<i32>} : memref<16x128xf32, #tpu.memory_space<vmem>>, vector<1x128xf32>,
    %eq3A_319 = arith.constant 19 : i32
    %eq3A_320 = arith.cmpi eq, %arg0, %eq3A_319 : i32
    %convert_element_type3A_321 = arith.extui %eq3A_320 : i1 to i32
    %cond3A_322 = arith.constant 0 : i32
    %cond3A_323 = arith.cmpi ne, %convert_element_type3A_321, %cond3A_322 : i32
    scf.if %cond3A_323 {
      %get3A_324 = arith.constant 0 : index
      %get3A_325 = arith.constant 0 : index
      %get3A_326 = vector.load %arg5[%get3A_324, %get3A_325] : memref<80x1xi32, #tpu.memory_space<vmem>>, vector<80x1xi32>
      %broadcast_in_dim3A_327 = arith.constant 0xFF800000 : f32
      %broadcast_in_dim3A_328 = vector.broadcast %broadcast_in_dim3A_327 : f32 to vector<80x128xf32>
      %eq3A_329 = arith.constant 0 : i32
      %eq3A_330 = vector.broadcast %eq3A_329 : i32 to vector<80x1xi32>
      %eq3A_331 = arith.cmpi eq, %get3A_326, %eq3A_330 : vector<80x1xi32>
      %get3A_332 = arith.constant 0 : index
      %get3A_333 = arith.constant 0 : index
      %get3A_334 = vector.load %arg8[%get3A_332, %get3A_333] : memref<16x128xf32, #tpu.memory_space<vmem>>, vector<1x128xf32>
      %broadcast_in_dim3A_335 = vector.shape_cast %eq3A_331 : vector<80x1xi1> to vector<80x1xi1>
      %broadcast_in_dim3A_336 = vector.broadcast %broadcast_in_dim3A_335 : vector<80x1xi1> to vector<80x128xi1>
      %broadcast_in_dim3A_337 = vector.shape_cast %get3A_334 : vector<1x128xf32> to vector<1x128xf32>
      %broadcast_in_dim3A_338 = vector.broadcast %broadcast_in_dim3A_337 : vector<1x128xf32> to vector<80x128xf32>
      %select_n3A_339 = arith.select %broadcast_in_dim3A_336, %broadcast_in_dim3A_338, %broadcast_in_dim3A_328 : vector<80x128xi1>, vector<80x128xf32>
      %eq3A_340 = arith.constant 1 : i32
      %eq3A_341 = vector.broadcast %eq3A_340 : i32 to vector<80x1xi32>
      %eq3A_342 = arith.cmpi eq, %get3A_326, %eq3A_341 : vector<80x1xi32>
      %get3A_343 = arith.constant 1 : index
      %get3A_344 = arith.constant 0 : index
      %get3A_345 = vector.load %arg8[%get3A_343, %get3A_344] : memref<16x128xf32, #tpu.memory_space<vmem>>, vector<1x128xf32>
      %broadcast_in_dim3A_346 = vector.shape_cast %eq3A_342 : vector<80x1xi1> to vector<80x1xi1>
      %broadcast_in_dim3A_347 = vector.broadcast %broadcast_in_dim3A_346 : vector<80x1xi1> to vector<80x128xi1>
      %broadcast_in_dim3A_348 = vector.shape_cast %get3A_345 : vector<1x128xf32> to vector<1x128xf32>
      %broadcast_in_dim3A_349 = vector.broadcast %broadcast_in_dim3A_348 : vector<1x128xf32> to vector<80x128xf32>
      %select_n3A_350 = arith.select %broadcast_in_dim3A_347, %broadcast_in_dim3A_349, %select_n3A_339 : vector<80x128xi1>, vector<80x128xf32>
      %eq3A_351 = arith.constant 2 : i32
      %eq3A_352 = vector.broadcast %eq3A_351 : i32 to vector<80x1xi32>
      %eq3A_353 = arith.cmpi eq, %get3A_326, %eq3A_352 : vector<80x1xi32>
      %get3A_354 = arith.constant 2 : index
      %get3A_355 = arith.constant 0 : index
      %get3A_356 = vector.load %arg8[%get3A_354, %get3A_355] : memref<16x128xf32, #tpu.memory_space<vmem>>, vector<1x128xf32>
      %broadcast_in_dim3A_357 = vector.shape_cast %eq3A_353 : vector<80x1xi1> to vector<80x1xi1>
      %broadcast_in_dim3A_358 = vector.broadcast %broadcast_in_dim3A_357 : vector<80x1xi1> to vector<80x128xi1>
      %broadcast_in_dim3A_359 = vector.shape_cast %get3A_356 : vector<1x128xf32> to vector<1x128xf32>
      %broadcast_in_dim3A_360 = vector.broadcast %broadcast_in_dim3A_359 : vector<1x128xf32> to vector<80x128xf32>
      %select_n3A_361 = arith.select %broadcast_in_dim3A_358, %broadcast_in_dim3A_360, %select_n3A_350 : vector<80x128xi1>, vector<80x128xf32>
      %eq3A_362 = arith.constant 3 : i32
      %eq3A_363 = vector.broadcast %eq3A_362 : i32 to vector<80x1xi32>
      %eq3A_364 = arith.cmpi eq, %get3A_326, %eq3A_363 : vector<80x1xi32>
      %get3A_365 = arith.constant 3 : index
      %get3A_366 = arith.constant 0 : index
      %get3A_367 = vector.load %arg8[%get3A_365, %get3A_366] : memref<16x128xf32, #tpu.memory_space<vmem>>, vector<1x128xf32>
      %broadcast_in_dim3A_368 = vector.shape_cast %eq3A_364 : vector<80x1xi1> to vector<80x1xi1>
      %broadcast_in_dim3A_369 = vector.broadcast %broadcast_in_dim3A_368 : vector<80x1xi1> to vector<80x128xi1>
      %broadcast_in_dim3A_370 = vector.shape_cast %get3A_367 : vector<1x128xf32> to vector<1x128xf32>
      %broadcast_in_dim3A_371 = vector.broadcast %broadcast_in_dim3A_370 : vector<1x128xf32> to vector<80x128xf32>
      %select_n3A_372 = arith.select %broadcast_in_dim3A_369, %broadcast_in_dim3A_371, %select_n3A_361 : vector<80x128xi1>, vector<80x128xf32>
      %eq3A_373 = arith.constant 4 : i32
      %eq3A_374 = vector.broadcast %eq3A_373 : i32 to vector<80x1xi32>
      %eq3A_375 = arith.cmpi eq, %get3A_326, %eq3A_374 : vector<80x1xi32>
      %get3A_376 = arith.constant 4 : index
      %get3A_377 = arith.constant 0 : index
      %get3A_378 = vector.load %arg8[%get3A_376, %get3A_377] : memref<16x128xf32, #tpu.memory_space<vmem>>, vector<1x128xf32>
      %broadcast_in_dim3A_379 = vector.shape_cast %eq3A_375 : vector<80x1xi1> to vector<80x1xi1>
      %broadcast_in_dim3A_380 = vector.broadcast %broadcast_in_dim3A_379 : vector<80x1xi1> to vector<80x128xi1>
      %broadcast_in_dim3A_381 = vector.shape_cast %get3A_378 : vector<1x128xf32> to vector<1x128xf32>
      %broadcast_in_dim3A_382 = vector.broadcast %broadcast_in_dim3A_381 : vector<1x128xf32> to vector<80x128xf32>
      %select_n3A_383 = arith.select %broadcast_in_dim3A_380, %broadcast_in_dim3A_382, %select_n3A_372 : vector<80x128xi1>, vector<80x128xf32>
      %eq3A_384 = arith.constant 5 : i32
      %eq3A_385 = vector.broadcast %eq3A_384 : i32 to vector<80x1xi32>
      %eq3A_386 = arith.cmpi eq, %get3A_326, %eq3A_385 : vector<80x1xi32>
      %get3A_387 = arith.constant 5 : index
      %get3A_388 = arith.constant 0 : index
      %get3A_389 = vector.load %arg8[%get3A_387, %get3A_388] : memref<16x128xf32, #tpu.memory_space<vmem>>, vector<1x128xf32>
      %broadcast_in_dim3A_390 = vector.shape_cast %eq3A_386 : vector<80x1xi1> to vector<80x1xi1>
      %broadcast_in_dim3A_391 = vector.broadcast %broadcast_in_dim3A_390 : vector<80x1xi1> to vector<80x128xi1>
      %broadcast_in_dim3A_392 = vector.shape_cast %get3A_389 : vector<1x128xf32> to vector<1x128xf32>
      %broadcast_in_dim3A_393 = vector.broadcast %broadcast_in_dim3A_392 : vector<1x128xf32> to vector<80x128xf32>
      %select_n3A_394 = arith.select %broadcast_in_dim3A_391, %broadcast_in_dim3A_393, %select_n3A_383 : vector<80x128xi1>, vector<80x128xf32>
      %eq3A_395 = arith.constant 6 : i32
      %eq3A_396 = vector.broadcast %eq3A_395 : i32 to vector<80x1xi32>
      %eq3A_397 = arith.cmpi eq, %get3A_326, %eq3A_396 : vector<80x1xi32>
      %get3A_398 = arith.constant 6 : index
      %get3A_399 = arith.constant 0 : index
      %get3A_400 = vector.load %arg8[%get3A_398, %get3A_399] : memref<16x128xf32, #tpu.memory_space<vmem>>, vector<1x128xf32>
      %broadcast_in_dim3A_401 = vector.shape_cast %eq3A_397 : vector<80x1xi1> to vector<80x1xi1>
      %broadcast_in_dim3A_402 = vector.broadcast %broadcast_in_dim3A_401 : vector<80x1xi1> to vector<80x128xi1>
      %broadcast_in_dim3A_403 = vector.shape_cast %get3A_400 : vector<1x128xf32> to vector<1x128xf32>
      %broadcast_in_dim3A_404 = vector.broadcast %broadcast_in_dim3A_403 : vector<1x128xf32> to vector<80x128xf32>
      %select_n3A_405 = arith.select %broadcast_in_dim3A_402, %broadcast_in_dim3A_404, %select_n3A_394 : vector<80x128xi1>, vector<80x128xf32>
      %eq3A_406 = arith.constant 7 : i32
      %eq3A_407 = vector.broadcast %eq3A_406 : i32 to vector<80x1xi32>
      %eq3A_408 = arith.cmpi eq, %get3A_326, %eq3A_407 : vector<80x1xi32>
      %get3A_409 = arith.constant 7 : index
      %get3A_410 = arith.constant 0 : index
      %get3A_411 = vector.load %arg8[%get3A_409, %get3A_410] : memref<16x128xf32, #tpu.memory_space<vmem>>, vector<1x128xf32>
      %broadcast_in_dim3A_412 = vector.shape_cast %eq3A_408 : vector<80x1xi1> to vector<80x1xi1>
      %broadcast_in_dim3A_413 = vector.broadcast %broadcast_in_dim3A_412 : vector<80x1xi1> to vector<80x128xi1>
      %broadcast_in_dim3A_414 = vector.shape_cast %get3A_411 : vector<1x128xf32> to vector<1x128xf32>
      %broadcast_in_dim3A_415 = vector.broadcast %broadcast_in_dim3A_414 : vector<1x128xf32> to vector<80x128xf32>
      %select_n3A_416 = arith.select %broadcast_in_dim3A_413, %broadcast_in_dim3A_415, %select_n3A_405 : vector<80x128xi1>, vector<80x128xf32>
      %eq3A_417 = arith.constant 8 : i32
      %eq3A_418 = vector.broadcast %eq3A_417 : i32 to vector<80x1xi32>
      %eq3A_419 = arith.cmpi eq, %get3A_326, %eq3A_418 : vector<80x1xi32>
      %get3A_420 = arith.constant 8 : index
      %get3A_421 = arith.constant 0 : index
      %get3A_422 = vector.load %arg8[%get3A_420, %get3A_421] : memref<16x128xf32, #tpu.memory_space<vmem>>, vector<1x128xf32>
      %broadcast_in_dim3A_423 = vector.shape_cast %eq3A_419 : vector<80x1xi1> to vector<80x1xi1>
      %broadcast_in_dim3A_424 = vector.broadcast %broadcast_in_dim3A_423 : vector<80x1xi1> to vector<80x128xi1>
      %broadcast_in_dim3A_425 = vector.shape_cast %get3A_422 : vector<1x128xf32> to vector<1x128xf32>
      %broadcast_in_dim3A_426 = vector.broadcast %broadcast_in_dim3A_425 : vector<1x128xf32> to vector<80x128xf32>
      %select_n3A_427 = arith.select %broadcast_in_dim3A_424, %broadcast_in_dim3A_426, %select_n3A_416 : vector<80x128xi1>, vector<80x128xf32>
      %eq3A_428 = arith.constant 9 : i32
      %eq3A_429 = vector.broadcast %eq3A_428 : i32 to vector<80x1xi32>
      %eq3A_430 = arith.cmpi eq, %get3A_326, %eq3A_429 : vector<80x1xi32>
      %get3A_431 = arith.constant 9 : index
      %get3A_432 = arith.constant 0 : index
      %get3A_433 = vector.load %arg8[%get3A_431, %get3A_432] : memref<16x128xf32, #tpu.memory_space<vmem>>, vector<1x128xf32>
      %broadcast_in_dim3A_434 = vector.shape_cast %eq3A_430 : vector<80x1xi1> to vector<80x1xi1>
      %broadcast_in_dim3A_435 = vector.broadcast %broadcast_in_dim3A_434 : vector<80x1xi1> to vector<80x128xi1>
      %broadcast_in_dim3A_436 = vector.shape_cast %get3A_433 : vector<1x128xf32> to vector<1x128xf32>
      %broadcast_in_dim3A_437 = vector.broadcast %broadcast_in_dim3A_436 : vector<1x128xf32> to vector<80x128xf32>
      %select_n3A_438 = arith.select %broadcast_in_dim3A_435, %broadcast_in_dim3A_437, %select_n3A_427 : vector<80x128xi1>, vector<80x128xf32>
      %eq3A_439 = arith.constant 10 : i32
      %eq3A_440 = vector.broadcast %eq3A_439 : i32 to vector<80x1xi32>
      %eq3A_441 = arith.cmpi eq, %get3A_326, %eq3A_440 : vector<80x1xi32>
      %get3A_442 = arith.constant 10 : index
      %get3A_443 = arith.constant 0 : index
      %get3A_444 = vector.load %arg8[%get3A_442, %get3A_443] : memref<16x128xf32, #tpu.memory_space<vmem>>, vector<1x128xf32>
      %broadcast_in_dim3A_445 = vector.shape_cast %eq3A_441 : vector<80x1xi1> to vector<80x1xi1>
      %broadcast_in_dim3A_446 = vector.broadcast %broadcast_in_dim3A_445 : vector<80x1xi1> to vector<80x128xi1>
      %broadcast_in_dim3A_447 = vector.shape_cast %get3A_444 : vector<1x128xf32> to vector<1x128xf32>
      %broadcast_in_dim3A_448 = vector.broadcast %broadcast_in_dim3A_447 : vector<1x128xf32> to vector<80x128xf32>
      %select_n3A_449 = arith.select %broadcast_in_dim3A_446, %broadcast_in_dim3A_448, %select_n3A_438 : vector<80x128xi1>, vector<80x128xf32>
      %eq3A_450 = arith.constant 11 : i32
      %eq3A_451 = vector.broadcast %eq3A_450 : i32 to vector<80x1xi32>
      %eq3A_452 = arith.cmpi eq, %get3A_326, %eq3A_451 : vector<80x1xi32>
      %get3A_453 = arith.constant 11 : index
      %get3A_454 = arith.constant 0 : index
      %get3A_455 = vector.load %arg8[%get3A_453, %get3A_454] : memref<16x128xf32, #tpu.memory_space<vmem>>, vector<1x128xf32>
      %broadcast_in_dim3A_456 = vector.shape_cast %eq3A_452 : vector<80x1xi1> to vector<80x1xi1>
      %broadcast_in_dim3A_457 = vector.broadcast %broadcast_in_dim3A_456 : vector<80x1xi1> to vector<80x128xi1>
      %broadcast_in_dim3A_458 = vector.shape_cast %get3A_455 : vector<1x128xf32> to vector<1x128xf32>
      %broadcast_in_dim3A_459 = vector.broadcast %broadcast_in_dim3A_458 : vector<1x128xf32> to vector<80x128xf32>
      %select_n3A_460 = arith.select %broadcast_in_dim3A_457, %broadcast_in_dim3A_459, %select_n3A_449 : vector<80x128xi1>, vector<80x128xf32>
      %eq3A_461 = arith.constant 12 : i32
      %eq3A_462 = vector.broadcast %eq3A_461 : i32 to vector<80x1xi32>
      %eq3A_463 = arith.cmpi eq, %get3A_326, %eq3A_462 : vector<80x1xi32>
      %get3A_464 = arith.constant 12 : index
      %get3A_465 = arith.constant 0 : index
      %get3A_466 = vector.load %arg8[%get3A_464, %get3A_465] : memref<16x128xf32, #tpu.memory_space<vmem>>, vector<1x128xf32>
      %broadcast_in_dim3A_467 = vector.shape_cast %eq3A_463 : vector<80x1xi1> to vector<80x1xi1>
      %broadcast_in_dim3A_468 = vector.broadcast %broadcast_in_dim3A_467 : vector<80x1xi1> to vector<80x128xi1>
      %broadcast_in_dim3A_469 = vector.shape_cast %get3A_466 : vector<1x128xf32> to vector<1x128xf32>
      %broadcast_in_dim3A_470 = vector.broadcast %broadcast_in_dim3A_469 : vector<1x128xf32> to vector<80x128xf32>
      %select_n3A_471 = arith.select %broadcast_in_dim3A_468, %broadcast_in_dim3A_470, %select_n3A_460 : vector<80x128xi1>, vector<80x128xf32>
      %eq3A_472 = arith.constant 13 : i32
      %eq3A_473 = vector.broadcast %eq3A_472 : i32 to vector<80x1xi32>
      %eq3A_474 = arith.cmpi eq, %get3A_326, %eq3A_473 : vector<80x1xi32>
      %get3A_475 = arith.constant 13 : index
      %get3A_476 = arith.constant 0 : index
      %get3A_477 = vector.load %arg8[%get3A_475, %get3A_476] : memref<16x128xf32, #tpu.memory_space<vmem>>, vector<1x128xf32>
      %broadcast_in_dim3A_478 = vector.shape_cast %eq3A_474 : vector<80x1xi1> to vector<80x1xi1>
      %broadcast_in_dim3A_479 = vector.broadcast %broadcast_in_dim3A_478 : vector<80x1xi1> to vector<80x128xi1>
      %broadcast_in_dim3A_480 = vector.shape_cast %get3A_477 : vector<1x128xf32> to vector<1x128xf32>
      %broadcast_in_dim3A_481 = vector.broadcast %broadcast_in_dim3A_480 : vector<1x128xf32> to vector<80x128xf32>
      %select_n3A_482 = arith.select %broadcast_in_dim3A_479, %broadcast_in_dim3A_481, %select_n3A_471 : vector<80x128xi1>, vector<80x128xf32>
      %eq3A_483 = arith.constant 14 : i32
      %eq3A_484 = vector.broadcast %eq3A_483 : i32 to vector<80x1xi32>
      %eq3A_485 = arith.cmpi eq, %get3A_326, %eq3A_484 : vector<80x1xi32>
      %get3A_486 = arith.constant 14 : index
      %get3A_487 = arith.constant 0 : index
      %get3A_488 = vector.load %arg8[%get3A_486, %get3A_487] : memref<16x128xf32, #tpu.memory_space<vmem>>, vector<1x128xf32>
      %broadcast_in_dim3A_489 = vector.shape_cast %eq3A_485 : vector<80x1xi1> to vector<80x1xi1>
      %broadcast_in_dim3A_490 = vector.broadcast %broadcast_in_dim3A_489 : vector<80x1xi1> to vector<80x128xi1>
      %broadcast_in_dim3A_491 = vector.shape_cast %get3A_488 : vector<1x128xf32> to vector<1x128xf32>
      %broadcast_in_dim3A_492 = vector.broadcast %broadcast_in_dim3A_491 : vector<1x128xf32> to vector<80x128xf32>
      %select_n3A_493 = arith.select %broadcast_in_dim3A_490, %broadcast_in_dim3A_492, %select_n3A_482 : vector<80x128xi1>, vector<80x128xf32>
      %eq3A_494 = arith.constant 15 : i32
      %eq3A_495 = vector.broadcast %eq3A_494 : i32 to vector<80x1xi32>
      %eq3A_496 = arith.cmpi eq, %get3A_326, %eq3A_495 : vector<80x1xi32>
      %get3A_497 = arith.constant 15 : index
      %get3A_498 = arith.constant 0 : index
      %get3A_499 = vector.load %arg8[%get3A_497, %get3A_498] : memref<16x128xf32, #tpu.memory_space<vmem>>, vector<1x128xf32>
      %broadcast_in_dim3A_500 = vector.shape_cast %eq3A_496 : vector<80x1xi1> to vector<80x1xi1>
      %broadcast_in_dim3A_501 = vector.broadcast %broadcast_in_dim3A_500 : vector<80x1xi1> to vector<80x128xi1>
      %broadcast_in_dim3A_502 = vector.shape_cast %get3A_499 : vector<1x128xf32> to vector<1x128xf32>
      %broadcast_in_dim3A_503 = vector.broadcast %broadcast_in_dim3A_502 : vector<1x128xf32> to vector<80x128xf32>
      %select_n3A_504 = arith.select %broadcast_in_dim3A_501, %broadcast_in_dim3A_503, %select_n3A_493 : vector<80x128xi1>, vector<80x128xf32>
      %get3A_505 = arith.constant 0 : index
      %get3A_506 = arith.constant 0 : index
      %get3A_507 = vector.load %arg6[%get3A_505, %get3A_506] : memref<80x1xf32, #tpu.memory_space<vmem>>, vector<80x1xf32>
      %mul3A = vector.broadcast %get3A_507 : vector<80x1xf32> to vector<80x128xf32>
      %mul3A_508 = arith.mulf %select_n3A_504, %mul3A : vector<80x128xf32>
      %swap3A_509 = arith.constant 0 : index
      %swap3A_510 = arith.constant 0 : index
      %swap3A_511 = vector.load %arg7[%swap3A_509, %swap3A_510] : memref<80x128xf32, #tpu.memory_space<vmem>>, vector<80x128xf32>
      tpu.vector_store %arg7[%swap3A_509, %swap3A_510], %mul3A_508 {strides = array<i32>} : memref<80x128xf32, #tpu.memory_space<vmem>>, vector<80x128xf32>,
    } else {
    }
    return
  }
  func.func @transform_0(%arg0: i32) -> (i32, i32, i32) {
    %c0_i32 = arith.constant 0 : i32
    %c0_i32_0 = arith.constant 0 : i32
    %c0_i32_1 = arith.constant 0 : i32
    return %c0_i32, %arg0, %c0_i32_0 : i32, i32, i32
  }
  func.func @transform_1(%arg0: i32) -> (i32, i32, i32) {
    %c0_i32 = arith.constant 0 : i32
    %c0_i32_0 = arith.constant 0 : i32
    %c0_i32_1 = arith.constant 0 : i32
    return %c0_i32, %arg0, %c0_i32_0 : i32, i32, i32
  }
  func.func @transform_2(%arg0: i32) -> (i32, i32) {
    %c0_i32 = arith.constant 0 : i32
    %c0_i32_0 = arith.constant 0 : i32
    return %arg0, %c0_i32 : i32, i32
  }
  func.func @transform_3(%arg0: i32) -> (i32, i32) {
    %c0_i32 = arith.constant 0 : i32
    %c0_i32_0 = arith.constant 0 : i32
    return %arg0, %c0_i32 : i32, i32
  }
  func.func @transform_4(%arg0: i32) -> (i32, i32) {
    %c0_i32 = arith.constant 0 : i32
    %c0_i32_0 = arith.constant 0 : i32
    %c0_i32_1 = arith.constant 0 : i32
    return %c0_i32, %c0_i32_0 : i32, i32
  }
  func.func @transform_5(%arg0: i32) -> (i32, i32) {
    %c0_i32 = arith.constant 0 : i32
    %c0_i32_0 = arith.constant 0 : i32
    %c0_i32_1 = arith.constant 0 : i32
    return %c0_i32, %c0_i32_0 : i32, i32
  }
  func.func @transform_6(%arg0: i32) -> (i32, i32) {
    %c0_i32 = arith.constant 0 : i32
    %c0_i32_0 = arith.constant 0 : i32
    %c0_i32_1 = arith.constant 0 : i32
    return %c0_i32, %c0_i32_0 : i32, i32
  }
}

</mosaic_0001>

<sc_bundles>
// kernel: kernel.10.cloned.1.call-start
scs
__scs_entry_jumppad:
0x0: {  	(pc) =	sbr.rel $0x88, $3  }
0x1: {  	(tag) =	ssettag $0x0;
	lr =	simm.s32 $0x1  }
0x2: {  	[smem:$0x3F97] =	sst lr;
	_ =	strace $0xD0000000  }
0x3: {  	_ = 	snop  }
0x4: {  	_ = 	snop  }
0x5: {  	_ = 	snop  }
0x6: {  	_ = 	snop  }
0x7: {  	_ = 	snop  }
__scs_overlays_trampoline_lowered:
0x8: {  	[smem:$0x3FA6] =	sst s0  }
0x9: {  	[smem:$0x3FA7] =	sst s1  }
0xa: {  	[smem:$0x3FA8] =	sst s2  }
0xb: {  	[smem:$0x3FA9] =	sst s3  }
0xc: {  	[smem:$0x3FAA] =	sst s4  }
0xd: {  	[smem:$0x3FAB] =	sst s5  }
0xe: {  	[smem:$0x3FAC] =	sst s6  }
0xf: {  	[smem:$0x3FAD] =	sst s7  }
0x10: {  	[smem:$0x3FAE] =	sst s8  }
0x11: {  	[smem:$0x3FAF] =	sst s9;
	s0 =	simm.s32 @!p0 $0x0  }
0x12: {  	s1 =	sld [smem:$0x3F95];
	s0 =	simm.s32 @p0 $0x1  }
0x13: {  	[smem:$0x3FB0] =	sst s0;
	s0 =	simm.s32 @!p1 $0x0  }
0x14: {  	s2 =	sld [smem:$0x3F94];
	s0 =	simm.s32 @p1 $0x1  }
0x15: {  	[smem:$0x3FB1] =	sst s0;
	s0 =	simm.s32 @!p2 $0x0  }
0x16: {  	s3 =	sld [smem:$0x3FDB];
	s0 =	simm.s32 @p2 $0x1  }
0x17: {  	s4 =	simm.s32 $0x1BF5;
	[smem:$0x3FB3] =	sst s0  }
0x18: {  	s0 =	sld [smem:$0x3F96];
	_ =	swait.ge [sflag:s4], $0x0  }
0x19: {  	s7 =	sld [smem:$0x3F97]  }
0x1a: {  	s8 =	sadd.s32 $0xFFFFE003, lr  }
0x1b: {  	s9 =	sadd.s32 $0xFFFFFEF7, lr;
	s5 =	simm.s32 $0xFFFFFFFF;
	p2 =	slt.u32 s8, $0xFFFFF086  }
0x1c: {  	p1 =	slt.u32 s9, $0xF7A;
	s5 =	simm.s32 @!p2 $0x0  }
0x1d: {  	s5 =	simm.s32 @p1 $0x1;
	p0 =	seq.s32 s7, s2  }
0x1e: {  	s7 =	smul.u32 @!p0 $0xF7A, s2;
	p2 =	seq.s32 @!p0 s5, $0x0  }
0x1f: {  	s9 =	smul.u32 $0xF7A, s1;
	s8 =	simm.s32 @!p0 $0x1BF5;
	p2 =	por !p2, p0  }
0x20: {  	[sflag:s8] =	ssyncset.s32 @!p0 $0xFFFFF086;
	s6 =	sadd.s32 @!p0 s3, s7;
	s7 =	simm.s32 @!p0 $0x108  }
0x21: {  	s3 =	sadd.s32 s3, s9;
	s6 =	sadd.s32 @!p0 $0x88, s6;
	s7 =	simm.s32 @p2 $0x1082  }
0x22: {  	[simem:s7], [sflag:s8] =	dma.local @!p0 [hbm:s6], $0xF7A  }
0x23: {  	s9 =	sor.u32 $0xD0000000, s2;
	s6 =	simm.s32 $0x108;
	_ =	swait.ge @!p0 [sflag:s8], $0x0  }
0x24: {  	s3 =	sadd.s32 $0x88, s3;
	s6 =	simm.s32 @!p1 $0x1082;
	[sflag:s4] =	ssyncset.s32 $0xFFFFF086  }
0x25: {  	[simem:s6], [sflag:s4] =	dma.local [hbm:s3], $0xF7A  }
0x26: {  	[smem:$0x3F97] =	sst s1;
	(tag) =	ssettag s2;
	_ =	strace s9  }
0x27: {  	s1 =	sld [smem:$0x3FA7]  }
0x28: {  	s2 =	sld [smem:$0x3FA8]  }
0x29: {  	s4 =	sld [smem:$0x3FAA]  }
0x2a: {  	p0 =	seq.s32 s5, $0x0;
	s5 =	sld [smem:$0x3FAB]  }
0x2b: {  	s6 =	sld [smem:$0x3FAC]  }
0x2c: {  	s7 =	sld [smem:$0x3FAD]  }
0x2d: {  	s3 =	simm.s32 $0x108;
	s8 =	sld [smem:$0x3FAE]  }
0x2e: {  	s3 =	simm.s32 @!p0 $0x1082;
	s9 =	sld [smem:$0x3FAF]  }
0x2f: {  	lr =	sadd.s32 s0, s3;
	s0 =	sld [smem:$0x3FA6]  }
0x30: {  	s3 =	sld [smem:$0x3FA9]  }
0x31: {  	[smem:$0x3FB2] =	sst s10  }
0x32: {  	s10 =	sld [smem:$0x3FB0];
	_ =	sdelay $0x3  }
0x33: {  	p0 =	seq.s32 s10, $0x1;
	s10 =	sld [smem:$0x3FB2];
	_ =	sdelay $0x3  }
0x34: {  	[smem:$0x3FB2] =	sst s10  }
0x35: {  	s10 =	sld [smem:$0x3FB1];
	_ =	sdelay $0x3  }
0x36: {  	p1 =	seq.s32 s10, $0x1;
	s10 =	sld [smem:$0x3FB2];
	_ =	sdelay $0x3  }
0x37: {  	[smem:$0x3FB2] =	sst s10  }
0x38: {  	s10 =	sld [smem:$0x3FB3]  }
0x39: {  	_ = 	snop;
	(pc) =	sbr.ind lr, $3  }
0x3a: {  	_ = 	snop  }
0x3b: {  	_ = 	snop  }
0x3c: {  	p2 =	seq.s32 s10, $0x1;
	s10 =	sld [smem:$0x3FB2]  }
0x3d: {  	_ =	shalt  }
0x3e: {  	_ =	shalt  }
0x3f: {  	_ =	shalt  }
0x40: {  	_ =	shalt  }
0x41: {  	_ =	shalt  }
0x42: {  	_ =	shalt  }
0x43: {  	_ =	shalt  }
0x44: {  	_ =	shalt  }
0x45: {  	_ =	shalt  }
0x46: {  	_ =	shalt  }
0x47: {  	_ =	shalt  }
0x48: {  	_ =	shalt  }
0x49: {  	_ =	shalt  }
0x4a: {  	_ =	shalt  }
0x4b: {  	_ =	shalt  }
0x4c: {  	_ =	shalt  }
0x4d: {  	_ =	shalt  }
0x4e: {  	_ =	shalt  }
0x4f: {  	_ =	shalt  }
0x50: {  	_ =	shalt  }
0x51: {  	_ =	shalt  }
0x52: {  	_ =	shalt  }
0x53: {  	_ =	shalt  }
0x54: {  	_ =	shalt  }
0x55: {  	_ =	shalt  }
0x56: {  	_ =	shalt  }
0x57: {  	_ =	shalt  }
0x58: {  	_ =	shalt  }
0x59: {  	_ =	shalt  }
0x5a: {  	_ =	shalt  }
0x5b: {  	_ =	shalt  }
0x5c: {  	_ =	shalt  }
0x5d: {  	_ =	shalt  }
0x5e: {  	_ =	shalt  }
0x5f: {  	_ =	shalt  }
0x60: {  	_ =	shalt  }
0x61: {  	_ =	shalt  }
0x62: {  	_ =	shalt  }
0x63: {  	_ =	shalt  }
0x64: {  	_ =	shalt  }
0x65: {  	_ =	shalt  }
0x66: {  	_ =	shalt  }
0x67: {  	_ =	shalt  }
0x68: {  	_ =	shalt  }
0x69: {  	_ =	shalt  }
0x6a: {  	_ =	shalt  }
0x6b: {  	_ =	shalt  }
0x6c: {  	_ =	shalt  }
0x6d: {  	_ =	shalt  }
0x6e: {  	_ =	shalt  }
0x6f: {  	_ =	shalt  }
0x70: {  	_ =	shalt  }
0x71: {  	_ =	shalt  }
0x72: {  	_ =	shalt  }
0x73: {  	_ =	shalt  }
0x74: {  	_ =	shalt  }
0x75: {  	_ =	shalt  }
0x76: {  	_ =	shalt  }
0x77: {  	_ =	shalt  }
0x78: {  	_ =	shalt  }
0x79: {  	_ =	shalt  }
0x7a: {  	_ =	shalt  }
0x7b: {  	_ =	shalt  }
0x7c: {  	_ =	shalt  }
0x7d: {  	_ =	shalt  }
0x7e: {  	_ =	shalt  }
0x7f: {  	_ =	shalt  }
0x80: {  	_ =	shalt  }
0x81: {  	_ =	shalt  }
0x82: {  	_ =	shalt  }
0x83: {  	_ =	shalt  }
0x84: {  	_ =	shalt  }
0x85: {  	_ =	shalt  }
0x86: {  	_ =	shalt  }
0x87: {  	_ =	shalt  }
.Lfunc_end0:
.L_simem_size_0:
called_computation_lowered:
.L_overlay_start_0:
0x88: {  	s2 =	sld [smem:$0x3FD9]  }
0x89: {  	s3 =	sld [smem:$0x3FFE];
	_ =	sdelay $0x1  }
0x8a: {  	s1 =	srdreg.scid  }
0x8b: {  	s0 =	sand.u32 $0x1, s1  }
0x8c: {  	s17 =	sshll.u32 s0, $0xA;
	s2 =	sadd.s32 s3, s2  }
0x8d: {  	s2 =	sadd.s32 s2, s17  }
0x8e: {  	[smem:$0x3FBE] =	sst s2  }
0x8f: {  	_ = 	snop  }
0x90: {  	s2 =	sld [smem:$0x3FC9]  }
0x91: {  	s18 =	sld [smem:$0x3FD0];
	(tm) =	ssettm $0x1  }
0x92: {  	s4 =	sld [smem:$0x3FFB];
	_ =	sdelay $0x3  }
0x93: {  	_ =	strace s4  }
0x94: {  	s4 =	sld [smem:$0x3FFC];
	_ =	sdelay $0x3  }
0x95: {  	_ =	strace s4  }
0x96: {  	s4 =	sld [smem:$0x3FFD];
	_ =	sdelay $0x3  }
0x97: {  	_ =	strace s4  }
0x98: {  	_ =	strace $0x8FFFFFFF  }
0x99: {  	s19 =	sld [smem:$0x3FDB];
	_ =	sdelay $0x1  }
0x9a: {  	s5 =	simm.s32 $_scs_section_size  }
0x9b: {  	s6 =	simm.s32 $_size__tile_overlayer_lowered;
	s7 =	simm.s32 $_tile_overlayer_lowered  }
0x9c: {  	s22 =	simm.s32 $0x1BFF;
	s21 =	sshll.u32 s7, $0x1;
	s4 =	sadd.s32 s5, s19  }
0x9d: {  	s8 =	simm.s32 $0x0;
	s20 =	sshll.u32 s6, $0x1;
	s6 =	sadd.s32 s21, s4  }
0x9e: {  	[timem:s8], [sflag:s22] =	dma.local [hbm:s6], s20  }
0x9f: {  	_ =	swait.ge [sflag:s22], s20  }
0xa0: {  	s5 =	ssub.s32 $0x0, s20;
	[sflag:s22] =	ssyncset.done $0x0  }
0xa1: {  	[sflag:s22] =	ssyncadd.s32 s5;
	_ =	sdelay $0x1  }
0xa2: {  	s23 =	simm.s32 $0x1B8B  }
0xa3: {  	_ =	swait.ge [sflag:s23], $0x1  }
0xa4: {  	[sflag:s23] =	ssyncset.done $0x0  }
0xa5: {  	s25 =	simm.s32 $0x1B8E;
	s24 =	sld [smem:$0x3FFE];
	[sflag:s23] =	ssyncadd.s32 $0xFFFFFFFF  }
0xa6: {  	s26 =	simm.s32 $execute0_lowered;
	[smem:$0x3FD2] =	sst s25  }
0xa7: {  	s6 =	sshll.u32 s26, $0x1;
	_ =	strace $0x80000046;
	[dreg:$0x1] =	wrdreg $0xFFFFFFFF  }
0xa8: {  	s28 =	simm.s32 $_size_execute0_lowered;
	s4 =	sadd.s32 s4, s6;
	[dreg:$0x0] =	wrdreg $0x0  }
0xa9: {  	s6 =	sshll.u32 s28, $0x1;
	[dreg:$0x2] =	wrdreg s4  }
0xaa: {  	[dreg:$0x3] =	wrdreg s6  }
0xab: {  	[dreg:$0x4] =	wrdreg $0xC0  }
0xac: {  	_ =	task [dreg:s8], $0x5FFFF  }
0xad: {  	[dreg:$0x1] =	wrdreg $0xFFFFFFFF  }
0xae: {  	[dreg:$0x0] =	wrdreg $0x60  }
0xaf: {  	[dreg:$0x2] =	wrdreg s2  }
0xb0: {  	[dreg:$0x3] =	wrdreg s18  }
0xb1: {  	[dreg:$0x4] =	wrdreg s24  }
0xb2: {  	[dreg:$0x5] =	wrdreg $0xA  }
0xb3: {  	_ =	task.clear_ibuf [dreg:s8], $0x6FFFF;
	_ =	strace $0x90000046  }
0xb4: {  	s29 =	simm.s32 $0xA;
	_ =	strace $0x80000048  }
0xb5: {  	_ =	swait.ge [sflag:s29], $0x1  }
0xb6: {  	[sflag:s29] =	ssyncadd.s32 $0xFFFFFFFF  }
0xb7: {  	_ =	strace $0x90000048  }
0xb8: {  	_ =	sfence  }
0xb9: {  	s30 =	sld [smem:$0x0];
	_ =	sdelay $0x2  }
0xba: {  	s31 =	sshll.u32 s1, $0xD;
	s1 =	sshrl.u32 s1, $0x2  }
0xbb: {  	s3 =	sand.u32 $0x4000, s31;
	s1 =	sadd.s32 s1, s30  }
0xbc: {  	s0 =	sor.u32 s3, s0;
	s1 =	sshll.u32 s1, $0x11  }
0xbd: {  	s0 =	sor.u32 s1, s0  }
0xbe: {  	s0 =	sadd.s32 $0x8F2B, s0  }
0xbf: {  	[sflag:s0] =	ssyncadd.remote.s32 $0x1  }
0xc0: {  	_ =	sfence.sel $0xFFFF  }
0xc1: {  	[dreg:$0x0] =	wrdreg $0xFFFFFFFF;
	(pc) =	sbr.abs _section_cstart, $3  }
0xc2: {  	[dreg:$0x1] =	wrdreg $0xFFFFFFFF  }
0xc3: {  	_ =	task.clear_ibuf [dreg:s8], $0x2FFFF;
	_ =	strace $0x9FFFFFFF  }
0xc4: {  	(tm) =	ssettm $0x7FFFFFFF  }
0xc5: {  	_ =	shalt  }
tec
execute0_lowered:
.L_overlay_start_1:
0x0: {  	(tag) =	ssettag $0x1  }
0x1: {  	s0 =	srdreg.scid  }
0x2: {  	s15 =	sand.u32 $0x1, s0  }
0x3: {  	s2 =	rddreg [dreg:$0x0];
	s0 =	stileid.u32;
	s1 =	sshll.u32 s15, $0x4  }
0x4: {  	s14 =	rddreg [dreg:$0x1];
	s9 =	sor.u32 s0, s1  }
0x5: {  	s10 =	rddreg [dreg:$0x2];
	s3 =	simm.s32 $0x0;
	s16 =	smul.u32 $0x140, s9  }
0x6: {  	[smem:$0x7FF] =	sst s3  }
0x7: {  	s1 =	rddreg [dreg:$0x3];
	s4 =	sshrl.u32 s16, $0x3  }
0x8: {  	_ =	strace $0x80000047;
	s5 =	sadd.s32 s14, s4;
	s4 =	simm.s32 $0x2  }
0x9: {  	[tilespmem:s3], [sflag:$0x2] =	stream.linear.gather [hbm4b:s5+s3], $0x50, $0x38;
	[tilespmem:$0x2880] =	vst v63  }
0xa: {  	_ =	swait.ge [sflag:s4], $0x50  }
0xb: {  	s6 =	simm.s32 $0x50;
	[sflag:s4] =	ssyncset.done $0x0  }
0xc: {  	s7 =	simm.s32 $0x80;
	s8 =	simm.s32 $0x1;
	[sflag:s4] =	ssyncadd.s32 $0xFFFFFFB0  }
0xd: {  	[tilespmem:s7], [sflag:$0x1] =	stream.indirect.gather [hbm4b:s2+s6], $0x80, s3, s6, $0xb8;
	[tilespmem:$0x2880] =	vst v63  }
0xe: {  	s9 =	smul.u32 $0x1400, s9;
	_ =	swait.ge [sflag:s8], $0x2800  }
0xf: {  	s17 =	sadd.s32 $0x2600, s10;
	[sflag:s8] =	ssyncset.done $0x0  }
0x10: {  	s9 =	sadd.s32 s17, s9;
	[sflag:s8] =	ssyncadd.s32 $0xFFFFD800  }
0x11: {  	[hbm4b:s9+s3] =	stream.linear.scatter [tilespmem:s7], [sflag:$0x2], $0x2800, $0x38;
	[tilespmem:$0x2880] =	vst v63  }
0x12: {  	s11 =	sadd.s32 $0x50, s16;
	_ =	swait.ge [sflag:s4], $0x2800  }
0x13: {  	s28 =	sshrl.u32 s11, $0x3;
	[sflag:s4] =	ssyncset.done $0x0  }
0x14: {  	s10 =	sadd.s32 s14, s28;
	[sflag:s4] =	ssyncadd.s32 $0xFFFFD800  }
0x15: {  	[tilespmem:s3], [sflag:$0x2] =	stream.linear.gather [hbm4b:s10+s3], $0x50, $0x38;
	[tilespmem:$0x2880] =	vst v63  }
0x16: {  	_ =	swait.ge [sflag:s4], $0x50  }
0x17: {  	[sflag:s4] =	ssyncset.done $0x0  }
0x18: {  	[sflag:s4] =	ssyncadd.s32 $0xFFFFFFB0  }
0x19: {  	[tilespmem:s7], [sflag:$0x1] =	stream.indirect.gather [hbm4b:s2+s6], $0x80, s3, s6, $0xb8;
	[tilespmem:$0x2880] =	vst v63  }
0x1a: {  	_ =	swait.ge [sflag:s8], $0x2800  }
0x1b: {  	s11 =	sshll.u32 s11, $0x4;
	[sflag:s8] =	ssyncset.done $0x0  }
0x1c: {  	s11 =	sadd.s32 s17, s11;
	[sflag:s8] =	ssyncadd.s32 $0xFFFFD800  }
0x1d: {  	[hbm4b:s11+s3] =	stream.linear.scatter [tilespmem:s7], [sflag:$0x2], $0x2800, $0x38;
	[tilespmem:$0x2880] =	vst v63  }
0x1e: {  	s13 =	sadd.s32 $0xA0, s16;
	_ =	swait.ge [sflag:s4], $0x2800  }
0x1f: {  	s12 =	sshrl.u32 s13, $0x3;
	[sflag:s4] =	ssyncset.done $0x0  }
0x20: {  	s12 =	sadd.s32 s14, s12;
	[sflag:s4] =	ssyncadd.s32 $0xFFFFD800  }
0x21: {  	[tilespmem:s3], [sflag:$0x2] =	stream.linear.gather [hbm4b:s12+s3], $0x50, $0x38;
	[tilespmem:$0x2880] =	vst v63  }
0x22: {  	_ =	swait.ge [sflag:s4], $0x50  }
0x23: {  	[sflag:s4] =	ssyncset.done $0x0  }
0x24: {  	[sflag:s4] =	ssyncadd.s32 $0xFFFFFFB0  }
0x25: {  	[tilespmem:s7], [sflag:$0x1] =	stream.indirect.gather [hbm4b:s2+s6], $0x80, s3, s6, $0xb8;
	[tilespmem:$0x2880] =	vst v63  }
0x26: {  	_ =	swait.ge [sflag:s8], $0x2800  }
0x27: {  	s13 =	sshll.u32 s13, $0x4;
	[sflag:s8] =	ssyncset.done $0x0  }
0x28: {  	s13 =	sadd.s32 s17, s13;
	[sflag:s8] =	ssyncadd.s32 $0xFFFFD800  }
0x29: {  	[hbm4b:s13+s3] =	stream.linear.scatter [tilespmem:s7], [sflag:$0x2], $0x2800, $0x38;
	[tilespmem:$0x2880] =	vst v63  }
0x2a: {  	s16 =	sadd.s32 $0xF0, s16;
	_ =	swait.ge [sflag:s4], $0x2800  }
0x2b: {  	s18 =	sshrl.u32 s16, $0x3;
	[sflag:s4] =	ssyncset.done $0x0  }
0x2c: {  	s15 =	ssub.s32 $0x2, s15;
	s14 =	sadd.s32 s14, s18;
	[sflag:s4] =	ssyncadd.s32 $0xFFFFD800  }
0x2d: {  	[tilespmem:s3], [sflag:$0x2] =	stream.linear.gather [hbm4b:s14+s3], $0x50, $0x38;
	[tilespmem:$0x2880] =	vst v63  }
0x2e: {  	s29 =	sshrl.u32 s15, $0x1;
	_ =	swait.ge [sflag:s4], $0x50  }
0x2f: {  	s18 =	ssub.s32 s15, s29;
	[sflag:s4] =	ssyncset.done $0x0  }
0x30: {  	s31 =	smax.u32 s18, $0x1;
	[sflag:s4] =	ssyncadd.s32 $0xFFFFFFB0  }
0x31: {  	[tilespmem:s7], [sflag:$0x1] =	stream.indirect.gather [hbm4b:s2+s6], $0x80, s3, s6, $0xb8;
	[tilespmem:$0x2880] =	vst v63  }
0x32: {  	p0 =	sne.s32 s31, $0x1;
	_ =	swait.ge [sflag:s8], $0x2800  }
.Ltmp0:
0x33: {  	s30 =	sshll.u32 s16, $0x4;
	[sflag:s8] =	ssyncset.done $0x0;
	(pc) =	sbr.rel @!p0 .LBB2_2-.Ltmp0, $4  }
0x34: {  	s15 =	sadd.s32 s17, s30;
	[sflag:s8] =	ssyncadd.s32 $0xFFFFD800  }
0x35: {  	[hbm4b:s15+s3] =	stream.linear.scatter [tilespmem:s7], [sflag:$0x2], $0x2800, $0x38;
	[tilespmem:$0x2880] =	vst v63  }
0x36: {  	_ =	swait.ge [sflag:s4], $0x2800  }
0x37: {  	s16 =	sadd.s32 $0xFFFFFFFF, s31;
	[sflag:s4] =	ssyncset.done $0x0  }
.LBB2_1:
0x38: {  	p0 =	sne.s32 s16, $0x1;
	s16 =	sadd.s32 $0xFFFFFFFF, s16;
	[sflag:s4] =	ssyncadd.s32 $0xFFFFD800  }
0x39: {  	[tilespmem:s3], [sflag:$0x2] =	stream.linear.gather [hbm4b:s5+s3], $0x50, $0x38;
	[tilespmem:$0x2880] =	vst v63  }
0x3a: {  	_ =	swait.ge [sflag:s4], $0x50  }
0x3b: {  	[sflag:s4] =	ssyncset.done $0x0  }
0x3c: {  	[sflag:s4] =	ssyncadd.s32 $0xFFFFFFB0  }
0x3d: {  	[tilespmem:s7], [sflag:$0x1] =	stream.indirect.gather [hbm4b:s2+s6], $0x80, s3, s6, $0xb8;
	[tilespmem:$0x2880] =	vst v63  }
0x3e: {  	_ =	swait.ge [sflag:s8], $0x2800  }
0x3f: {  	[sflag:s8] =	ssyncset.done $0x0  }
0x40: {  	[sflag:s8] =	ssyncadd.s32 $0xFFFFD800  }
0x41: {  	[hbm4b:s9+s3] =	stream.linear.scatter [tilespmem:s7], [sflag:$0x2], $0x2800, $0x38;
	[tilespmem:$0x2880] =	vst v63  }
0x42: {  	_ =	swait.ge [sflag:s4], $0x2800  }
0x43: {  	[sflag:s4] =	ssyncset.done $0x0  }
0x44: {  	[sflag:s4] =	ssyncadd.s32 $0xFFFFD800  }
0x45: {  	[tilespmem:s3], [sflag:$0x2] =	stream.linear.gather [hbm4b:s10+s3], $0x50, $0x38;
	[tilespmem:$0x2880] =	vst v63  }
0x46: {  	_ =	swait.ge [sflag:s4], $0x50  }
0x47: {  	[sflag:s4] =	ssyncset.done $0x0  }
0x48: {  	[sflag:s4] =	ssyncadd.s32 $0xFFFFFFB0  }
0x49: {  	[tilespmem:s7], [sflag:$0x1] =	stream.indirect.gather [hbm4b:s2+s6], $0x80, s3, s6, $0xb8;
	[tilespmem:$0x2880] =	vst v63  }
0x4a: {  	_ =	swait.ge [sflag:s8], $0x2800  }
0x4b: {  	[sflag:s8] =	ssyncset.done $0x0  }
0x4c: {  	[sflag:s8] =	ssyncadd.s32 $0xFFFFD800  }
0x4d: {  	[hbm4b:s11+s3] =	stream.linear.scatter [tilespmem:s7], [sflag:$0x2], $0x2800, $0x38;
	[tilespmem:$0x2880] =	vst v63  }
0x4e: {  	_ =	swait.ge [sflag:s4], $0x2800  }
0x4f: {  	[sflag:s4] =	ssyncset.done $0x0  }
0x50: {  	[sflag:s4] =	ssyncadd.s32 $0xFFFFD800  }
0x51: {  	[tilespmem:s3], [sflag:$0x2] =	stream.linear.gather [hbm4b:s12+s3], $0x50, $0x38;
	[tilespmem:$0x2880] =	vst v63  }
0x52: {  	_ =	swait.ge [sflag:s4], $0x50  }
0x53: {  	[sflag:s4] =	ssyncset.done $0x0  }
0x54: {  	[sflag:s4] =	ssyncadd.s32 $0xFFFFFFB0  }
0x55: {  	[tilespmem:s7], [sflag:$0x1] =	stream.indirect.gather [hbm4b:s2+s6], $0x80, s3, s6, $0xb8;
	[tilespmem:$0x2880] =	vst v63  }
0x56: {  	_ =	swait.ge [sflag:s8], $0x2800  }
0x57: {  	[sflag:s8] =	ssyncset.done $0x0  }
0x58: {  	[sflag:s8] =	ssyncadd.s32 $0xFFFFD800  }
0x59: {  	[hbm4b:s13+s3] =	stream.linear.scatter [tilespmem:s7], [sflag:$0x2], $0x2800, $0x38;
	[tilespmem:$0x2880] =	vst v63  }
0x5a: {  	_ =	swait.ge [sflag:s4], $0x2800  }
0x5b: {  	[sflag:s4] =	ssyncset.done $0x0  }
0x5c: {  	[sflag:s4] =	ssyncadd.s32 $0xFFFFD800  }
0x5d: {  	[tilespmem:s3], [sflag:$0x2] =	stream.linear.gather [hbm4b:s14+s3], $0x50, $0x38;
	[tilespmem:$0x2880] =	vst v63  }
0x5e: {  	_ =	swait.ge [sflag:s4], $0x50  }
0x5f: {  	[sflag:s4] =	ssyncset.done $0x0  }
0x60: {  	[sflag:s4] =	ssyncadd.s32 $0xFFFFFFB0  }
0x61: {  	[tilespmem:s7], [sflag:$0x1] =	stream.indirect.gather [hbm4b:s2+s6], $0x80, s3, s6, $0xb8;
	[tilespmem:$0x2880] =	vst v63  }
0x62: {  	_ =	swait.ge [sflag:s8], $0x2800  }
.Ltmp1:
0x63: {  	[sflag:s8] =	ssyncset.done $0x0;
	(pc) =	sbr.rel @p0 .LBB2_1-.Ltmp1, $4  }
0x64: {  	[sflag:s8] =	ssyncadd.s32 $0xFFFFD800  }
0x65: {  	[hbm4b:s15+s3] =	stream.linear.scatter [tilespmem:s7], [sflag:$0x2], $0x2800, $0x38;
	[tilespmem:$0x2880] =	vst v63  }
0x66: {  	_ =	swait.ge [sflag:s4], $0x2800  }
0x67: {  	[sflag:s4] =	ssyncset.done $0x0  }
.LBB2_2:
0x68: {  	[sflag:s4] =	ssyncadd.s32 $0xFFFFD800  }
0x69: {  	_ =	sfence.sel $0x180000  }
0x6a: {  	[bflag:$0x0] =	sbarrier.arrive $0xFFFF  }
0x6b: {  	p0 =	sne.s32 s0, $0x0;
	_ =	strace $0x90000047  }
0x6c: {  	s0 =	sadd.s32 @!p0 $0x100000, s1;
	[bflag:$0x2] =	sbarrier.arrive $0xFFFF  }
0x6d: {  	[sflag:s0] =	ssyncadd.tile.s32 @!p0 $0x1;
	_ =	shalt  }
.Lfunc_end2:
_tile_overlayer_lowered:
.L_overlay_start_2:
0x6e: {  	(tag) =	ssettag $0x2  }
0x6f: {  	s0 =	rddreg [dreg:$0x0];
	s2 =	stileid.u32  }
0x70: {  	s1 =	rddreg [dreg:$0x1];
	p0 =	sne.s32 s2, $0x0  }
0x71: {  	s3 =	rddreg [dreg:$0x2];
	[bflag:$0x3] =	sbarrier.arrive $0xFFFF;
	s2 =	simm.s32 @!p0 $0x1C02  }
0x72: {  	[timem:s3], [sflag:s2] =	dma.local @!p0 [hbm:s0], s1  }
0x73: {  	s0 =	simm.s32 @!p0 $0x2  }
0x74: {  	_ =	swait.ge @!p0 [sflag:s0], s1  }
0x75: {  	s1 =	ssub.s32 @!p0 $0x0, s1;
	[sflag:s0] =	ssyncset.done @!p0 $0x0  }
0x76: {  	[sflag:s0] =	ssyncadd.s32 @!p0 s1  }
0x77: {  	[bflag:$0x3] =	sbarrier.arrive $0xFFFF  }
0x78: {  	_ =	shalt  }

// kernel: kernel.13.cloned.1.call-start
scs
__scs_entry_jumppad:
0x0: {  	(pc) =	sbr.rel $0x88, $3  }
0x1: {  	(tag) =	ssettag $0x0;
	lr =	simm.s32 $0x1  }
0x2: {  	[smem:$0x3F97] =	sst lr;
	_ =	strace $0xD0000000  }
0x3: {  	_ = 	snop  }
0x4: {  	_ = 	snop  }
0x5: {  	_ = 	snop  }
0x6: {  	_ = 	snop  }
0x7: {  	_ = 	snop  }
__scs_overlays_trampoline_lowered:
0x8: {  	[smem:$0x3FA6] =	sst s0  }
0x9: {  	[smem:$0x3FA7] =	sst s1  }
0xa: {  	[smem:$0x3FA8] =	sst s2  }
0xb: {  	[smem:$0x3FA9] =	sst s3  }
0xc: {  	[smem:$0x3FAA] =	sst s4  }
0xd: {  	[smem:$0x3FAB] =	sst s5  }
0xe: {  	[smem:$0x3FAC] =	sst s6  }
0xf: {  	[smem:$0x3FAD] =	sst s7  }
0x10: {  	[smem:$0x3FAE] =	sst s8  }
0x11: {  	[smem:$0x3FAF] =	sst s9;
	s0 =	simm.s32 @!p0 $0x0  }
0x12: {  	s1 =	sld [smem:$0x3F95];
	s0 =	simm.s32 @p0 $0x1  }
0x13: {  	[smem:$0x3FB0] =	sst s0;
	s0 =	simm.s32 @!p1 $0x0  }
0x14: {  	s2 =	sld [smem:$0x3F94];
	s0 =	simm.s32 @p1 $0x1  }
0x15: {  	[smem:$0x3FB1] =	sst s0;
	s0 =	simm.s32 @!p2 $0x0  }
0x16: {  	s3 =	sld [smem:$0x3FDB];
	s0 =	simm.s32 @p2 $0x1  }
0x17: {  	s4 =	simm.s32 $0x1BF5;
	[smem:$0x3FB3] =	sst s0  }
0x18: {  	s0 =	sld [smem:$0x3F96];
	_ =	swait.ge [sflag:s4], $0x0  }
0x19: {  	s7 =	sld [smem:$0x3F97]  }
0x1a: {  	s8 =	sadd.s32 $0xFFFFE003, lr  }
0x1b: {  	s9 =	sadd.s32 $0xFFFFFEF7, lr;
	s5 =	simm.s32 $0xFFFFFFFF;
	p2 =	slt.u32 s8, $0xFFFFF086  }
0x1c: {  	p1 =	slt.u32 s9, $0xF7A;
	s5 =	simm.s32 @!p2 $0x0  }
0x1d: {  	s5 =	simm.s32 @p1 $0x1;
	p0 =	seq.s32 s7, s2  }
0x1e: {  	s7 =	smul.u32 @!p0 $0xF7A, s2;
	p2 =	seq.s32 @!p0 s5, $0x0  }
0x1f: {  	s9 =	smul.u32 $0xF7A, s1;
	s8 =	simm.s32 @!p0 $0x1BF5;
	p2 =	por !p2, p0  }
0x20: {  	[sflag:s8] =	ssyncset.s32 @!p0 $0xFFFFF086;
	s6 =	sadd.s32 @!p0 s3, s7;
	s7 =	simm.s32 @!p0 $0x108  }
0x21: {  	s3 =	sadd.s32 s3, s9;
	s6 =	sadd.s32 @!p0 $0x88, s6;
	s7 =	simm.s32 @p2 $0x1082  }
0x22: {  	[simem:s7], [sflag:s8] =	dma.local @!p0 [hbm:s6], $0xF7A  }
0x23: {  	s9 =	sor.u32 $0xD0000000, s2;
	s6 =	simm.s32 $0x108;
	_ =	swait.ge @!p0 [sflag:s8], $0x0  }
0x24: {  	s3 =	sadd.s32 $0x88, s3;
	s6 =	simm.s32 @!p1 $0x1082;
	[sflag:s4] =	ssyncset.s32 $0xFFFFF086  }
0x25: {  	[simem:s6], [sflag:s4] =	dma.local [hbm:s3], $0xF7A  }
0x26: {  	[smem:$0x3F97] =	sst s1;
	(tag) =	ssettag s2;
	_ =	strace s9  }
0x27: {  	s1 =	sld [smem:$0x3FA7]  }
0x28: {  	s2 =	sld [smem:$0x3FA8]  }
0x29: {  	s4 =	sld [smem:$0x3FAA]  }
0x2a: {  	p0 =	seq.s32 s5, $0x0;
	s5 =	sld [smem:$0x3FAB]  }
0x2b: {  	s6 =	sld [smem:$0x3FAC]  }
0x2c: {  	s7 =	sld [smem:$0x3FAD]  }
0x2d: {  	s3 =	simm.s32 $0x108;
	s8 =	sld [smem:$0x3FAE]  }
0x2e: {  	s3 =	simm.s32 @!p0 $0x1082;
	s9 =	sld [smem:$0x3FAF]  }
0x2f: {  	lr =	sadd.s32 s0, s3;
	s0 =	sld [smem:$0x3FA6]  }
0x30: {  	s3 =	sld [smem:$0x3FA9]  }
0x31: {  	[smem:$0x3FB2] =	sst s10  }
0x32: {  	s10 =	sld [smem:$0x3FB0];
	_ =	sdelay $0x3  }
0x33: {  	p0 =	seq.s32 s10, $0x1;
	s10 =	sld [smem:$0x3FB2];
	_ =	sdelay $0x3  }
0x34: {  	[smem:$0x3FB2] =	sst s10  }
0x35: {  	s10 =	sld [smem:$0x3FB1];
	_ =	sdelay $0x3  }
0x36: {  	p1 =	seq.s32 s10, $0x1;
	s10 =	sld [smem:$0x3FB2];
	_ =	sdelay $0x3  }
0x37: {  	[smem:$0x3FB2] =	sst s10  }
0x38: {  	s10 =	sld [smem:$0x3FB3]  }
0x39: {  	_ = 	snop;
	(pc) =	sbr.ind lr, $3  }
0x3a: {  	_ = 	snop  }
0x3b: {  	_ = 	snop  }
0x3c: {  	p2 =	seq.s32 s10, $0x1;
	s10 =	sld [smem:$0x3FB2]  }
0x3d: {  	_ =	shalt  }
0x3e: {  	_ =	shalt  }
0x3f: {  	_ =	shalt  }
0x40: {  	_ =	shalt  }
0x41: {  	_ =	shalt  }
0x42: {  	_ =	shalt  }
0x43: {  	_ =	shalt  }
0x44: {  	_ =	shalt  }
0x45: {  	_ =	shalt  }
0x46: {  	_ =	shalt  }
0x47: {  	_ =	shalt  }
0x48: {  	_ =	shalt  }
0x49: {  	_ =	shalt  }
0x4a: {  	_ =	shalt  }
0x4b: {  	_ =	shalt  }
0x4c: {  	_ =	shalt  }
0x4d: {  	_ =	shalt  }
0x4e: {  	_ =	shalt  }
0x4f: {  	_ =	shalt  }
0x50: {  	_ =	shalt  }
0x51: {  	_ =	shalt  }
0x52: {  	_ =	shalt  }
0x53: {  	_ =	shalt  }
0x54: {  	_ =	shalt  }
0x55: {  	_ =	shalt  }
0x56: {  	_ =	shalt  }
0x57: {  	_ =	shalt  }
0x58: {  	_ =	shalt  }
0x59: {  	_ =	shalt  }
0x5a: {  	_ =	shalt  }
0x5b: {  	_ =	shalt  }
0x5c: {  	_ =	shalt  }
0x5d: {  	_ =	shalt  }
0x5e: {  	_ =	shalt  }
0x5f: {  	_ =	shalt  }
0x60: {  	_ =	shalt  }
0x61: {  	_ =	shalt  }
0x62: {  	_ =	shalt  }
0x63: {  	_ =	shalt  }
0x64: {  	_ =	shalt  }
0x65: {  	_ =	shalt  }
0x66: {  	_ =	shalt  }
0x67: {  	_ =	shalt  }
0x68: {  	_ =	shalt  }
0x69: {  	_ =	shalt  }
0x6a: {  	_ =	shalt  }
0x6b: {  	_ =	shalt  }
0x6c: {  	_ =	shalt  }
0x6d: {  	_ =	shalt  }
0x6e: {  	_ =	shalt  }
0x6f: {  	_ =	shalt  }
0x70: {  	_ =	shalt  }
0x71: {  	_ =	shalt  }
0x72: {  	_ =	shalt  }
0x73: {  	_ =	shalt  }
0x74: {  	_ =	shalt  }
0x75: {  	_ =	shalt  }
0x76: {  	_ =	shalt  }
0x77: {  	_ =	shalt  }
0x78: {  	_ =	shalt  }
0x79: {  	_ =	shalt  }
0x7a: {  	_ =	shalt  }
0x7b: {  	_ =	shalt  }
0x7c: {  	_ =	shalt  }
0x7d: {  	_ =	shalt  }
0x7e: {  	_ =	shalt  }
0x7f: {  	_ =	shalt  }
0x80: {  	_ =	shalt  }
0x81: {  	_ =	shalt  }
0x82: {  	_ =	shalt  }
0x83: {  	_ =	shalt  }
0x84: {  	_ =	shalt  }
0x85: {  	_ =	shalt  }
0x86: {  	_ =	shalt  }
0x87: {  	_ =	shalt  }
.Lfunc_end0:
.L_simem_size_0:
called_computation.1_lowered:
.L_overlay_start_0:
0x88: {  	s2 =	sld [smem:$0x3FD9]  }
0x89: {  	s3 =	sld [smem:$0x3FFE];
	_ =	sdelay $0x1  }
0x8a: {  	s1 =	srdreg.scid  }
0x8b: {  	s0 =	sand.u32 $0x1, s1  }
0x8c: {  	s17 =	sshll.u32 s0, $0xA;
	s2 =	sadd.s32 s3, s2  }
0x8d: {  	s2 =	sadd.s32 s2, s17  }
0x8e: {  	[smem:$0x3FBE] =	sst s2  }
0x8f: {  	_ = 	snop  }
0x90: {  	(tm) =	ssettm $0x1  }
0x91: {  	s18 =	sld [smem:$0x3FFB];
	_ =	sdelay $0x3  }
0x92: {  	_ =	strace s18  }
0x93: {  	s2 =	sld [smem:$0x3FFC];
	_ =	sdelay $0x3  }
0x94: {  	_ =	strace s2  }
0x95: {  	s2 =	sld [smem:$0x3FFD];
	_ =	sdelay $0x3  }
0x96: {  	_ =	strace s2  }
0x97: {  	_ =	strace $0x8FFFFFFF  }
0x98: {  	s19 =	sld [smem:$0x3FDB];
	_ =	sdelay $0x1  }
0x99: {  	s20 =	simm.s32 $_scs_section_size  }
0x9a: {  	s4 =	simm.s32 $_size__tile_overlayer_lowered;
	s5 =	simm.s32 $_tile_overlayer_lowered  }
0x9b: {  	s6 =	simm.s32 $0x1BFF;
	s21 =	sshll.u32 s5, $0x1;
	s3 =	sadd.s32 s20, s19  }
0x9c: {  	s22 =	simm.s32 $0x0;
	s4 =	sshll.u32 s4, $0x1;
	s5 =	sadd.s32 s21, s3  }
0x9d: {  	[timem:s22], [sflag:s6] =	dma.local [hbm:s5], s4  }
0x9e: {  	_ =	swait.ge [sflag:s6], s4  }
0x9f: {  	s4 =	ssub.s32 $0x0, s4;
	[sflag:s6] =	ssyncset.done $0x0  }
0xa0: {  	[sflag:s6] =	ssyncadd.s32 s4;
	_ =	sdelay $0x1  }
0xa1: {  	s23 =	simm.s32 $0x1B8B  }
0xa2: {  	_ =	swait.ge [sflag:s23], $0x1  }
0xa3: {  	[sflag:s23] =	ssyncset.done $0x0  }
0xa4: {  	[sflag:s23] =	ssyncadd.s32 $0xFFFFFFFF  }
0xa5: {  	s4 =	sld [smem:$0x0]  }
0xa6: {  	s5 =	sand.u32 $0xFFFFFFFE, s1  }
0xa7: {  	p0 =	sne.s32 s1, s5  }
0xa8: {  	s5 =	sshll.u32 @p0 s5, $0xE  }
0xa9: {  	s5 =	sadd.s32 @p0 $0x11B8D, s5;
	s6 =	sshll.u32 @p0 s4, $0x11  }
0xaa: {  	s5 =	sor.u32 @p0 s6, s5  }
0xab: {  	[sflag:s5] =	ssyncadd.remote.s32 @p0 $0x1;
	_ =	sdelay $0x1  }
0xac: {  	s5 =	simm.s32 @p0 $0x1B8D  }
0xad: {  	_ =	swait.eq @p0 [sflag:s5], $0x1  }
0xae: {  	[sflag:s5] =	ssyncadd.s32 @p0 $0xFFFFFFFF  }
0xaf: {  	s6 =	sshll.u32 @!p0 s1, $0xE  }
0xb0: {  	s6 =	sor.u32 @!p0 $0x4000, s6;
	s5 =	simm.s32 @!p0 $0x1B8D  }
0xb1: {  	s4 =	sshll.u32 @!p0 s4, $0x11;
	s6 =	sadd.s32 @!p0 $0x11B8D, s6;
	_ =	swait.eq @!p0 [sflag:s5], $0x1  }
0xb2: {  	s4 =	sor.u32 @!p0 s4, s6;
	[sflag:s5] =	ssyncadd.s32 @!p0 $0xFFFFFFFF  }
0xb3: {  	s25 =	simm.s32 $0x1B8E;
	s24 =	sld [smem:$0x3FFE];
	[sflag:s4] =	ssyncadd.remote.s32 @!p0 $0x1  }
0xb4: {  	s26 =	simm.s32 $execute0_lowered;
	[smem:$0x3FD2] =	sst s25  }
0xb5: {  	s5 =	sshll.u32 s26, $0x1;
	_ =	strace $0x80000049;
	[dreg:$0x1] =	wrdreg $0xFFFFFFFF  }
0xb6: {  	s28 =	simm.s32 $_size_execute0_lowered;
	s3 =	sadd.s32 s3, s5;
	[dreg:$0x0] =	wrdreg $0x0  }
0xb7: {  	s5 =	sshll.u32 s28, $0x1;
	[dreg:$0x2] =	wrdreg s3  }
0xb8: {  	[dreg:$0x3] =	wrdreg s5  }
0xb9: {  	[dreg:$0x4] =	wrdreg $0xC0  }
0xba: {  	_ =	task [dreg:s22], $0x5FFFF  }
0xbb: {  	[dreg:$0x1] =	wrdreg $0xFFFFFFFF  }
0xbc: {  	[dreg:$0x0] =	wrdreg $0x60  }
0xbd: {  	[dreg:$0x2] =	wrdreg s24  }
0xbe: {  	[dreg:$0x3] =	wrdreg $0x40800  }
0xbf: {  	[dreg:$0x4] =	wrdreg $0x9  }
0xc0: {  	_ =	task.clear_ibuf [dreg:s22], $0x5FFFF;
	_ =	strace $0x90000049  }
0xc1: {  	s29 =	simm.s32 $0x9;
	_ =	strace $0x8000004B  }
0xc2: {  	_ =	swait.ge [sflag:s29], $0x1  }
0xc3: {  	[sflag:s29] =	ssyncadd.s32 $0xFFFFFFFF  }
0xc4: {  	_ =	strace $0x9000004B  }
0xc5: {  	_ =	sfence  }
0xc6: {  	s30 =	sld [smem:$0x0];
	_ =	sdelay $0x2  }
0xc7: {  	s31 =	sshll.u32 s1, $0xD;
	s1 =	sshrl.u32 s1, $0x2  }
0xc8: {  	s4 =	sand.u32 $0x4000, s31;
	s1 =	sadd.s32 s1, s30  }
0xc9: {  	s0 =	sor.u32 s4, s0;
	s1 =	sshll.u32 s1, $0x11  }
0xca: {  	s0 =	sor.u32 s1, s0  }
0xcb: {  	s0 =	sadd.s32 $0x8F2B, s0  }
0xcc: {  	[sflag:s0] =	ssyncadd.remote.s32 $0x1  }
0xcd: {  	_ =	sfence.sel $0xFFFF  }
0xce: {  	[dreg:$0x0] =	wrdreg $0xFFFFFFFF;
	(pc) =	sbr.abs _section_cstart, $3  }
0xcf: {  	[dreg:$0x1] =	wrdreg $0xFFFFFFFF  }
0xd0: {  	_ =	task.clear_ibuf [dreg:s22], $0x2FFFF;
	_ =	strace $0x9FFFFFFF  }
0xd1: {  	(tm) =	ssettm $0x7FFFFFFF  }
tec
execute0_lowered:
.L_overlay_start_1:
0x0: {  	(tag) =	ssettag $0x1  }
0x1: {  	s5 =	rddreg [dreg:$0x0]  }
0x2: {  	s1 =	rddreg [dreg:$0x1];
	s2 =	srdreg.scid  }
0x3: {  	s0 =	rddreg [dreg:$0x2];
	s3 =	simm.s32 $0x0;
	s13 =	simm.s32 $0x80  }
0x4: {  	s14 =	simm.s32 $0x1;
	s8 =	sand.u32 $0x1, s2;
	s2 =	stileid.u32  }
0x5: {  	s17 =	simm.s32 $0x0;
	[smem:$0x7FF] =	sst s3;
	s6 =	smul.u32 $0x140000, s8  }
0x6: {  	s4 =	sadd.s32 $0x2A600, s5;
	s7 =	smul.u32 $0x13C00, s2;
	_ =	strace $0x8000004A  }
0x7: {  	s9 =	smul.u32 $0x4F000, s2;
	s30 =	ssub.s32 $0x2, s8;
	s15 =	sshll.u32 s2, $0x6  }
0x8: {  	s31 =	sshll.u32 s8, $0x4;
	s10 =	sshrl.u32 s30, $0x1;
	s15 =	sor.u32 $0x1C01, s15  }
0x9: {  	s6 =	sadd.s32 s7, s6;
	s12 =	ssub.s32 s30, s10;
	s10 =	sor.u32 s2, s31  }
0xa: {  	s9 =	sshrl.u32 s9, $0x2;
	s6 =	sshrl.u32 s6, $0x3;
	s10 =	smul.u32 $0x2C00, s10  }
0xb: {  	s12 =	smax.u32 s12, $0x1;
	s11 =	sadd.s32 s6, s5;
	s5 =	sadd.s32 s9, s1  }
0xc: {  	s6 =	sadd.s32 $0x4000, s5;
	s7 =	sadd.s32 $0x8000, s5;
	s8 =	sadd.s32 $0xC000, s5  }
0xd: {  	v0 =	vimm.f32 $0.0e+00;
	v1 =	vimm.f32 $1.000000000e+00;
	s9 =	sadd.s32 $0x10000, s5;
	s11 =	sadd.s32 $0x35600, s11;
	s16 =	sshrl.u32 s5, $0x3  }
.LBB2_1:
0xe: {  	s18 =	simm.s32 $0x0;
	s19 =	simm.s32 $0x200  }
.LBB2_2:
0xf: {  	p0 =	sne.s32 s19, $0xFE00;
	[tilespmem:s18+$0xF0] =	vst v0  }
0x10: {  	[tilespmem:s18+$0x80] =	vst v0  }
0x11: {  	[tilespmem:s18+$0x90] =	vst v0  }
.Ltmp0:
0x12: {  	[tilespmem:s18+$0xA0] =	vst v0;
	(pc) =	sbr.rel @p0 .LBB2_2-.Ltmp0, $4  }
0x13: {  	[tilespmem:s18+$0xB0] =	vst v0  }
0x14: {  	[tilespmem:s18+$0xC0] =	vst v0  }
0x15: {  	[tilespmem:s18+$0xD0] =	vst v0  }
0x16: {  	[tilespmem:s18+$0xE0] =	vst v0;
	s18 =	sshra.s32 s19, $0x2;
	s19 =	sadd.s32 $0x200, s19  }
0x17: {  	[tilespmem:s18+$0xF0] =	vst v0  }
0x18: {  	[tilespmem:s18+$0x80] =	vst v0  }
0x19: {  	[tilespmem:s18+$0x90] =	vst v0  }
0x1a: {  	[tilespmem:s18+$0xA0] =	vst v0  }
0x1b: {  	[tilespmem:s18+$0xB0] =	vst v0  }
0x1c: {  	[tilespmem:s18+$0xC0] =	vst v0  }
0x1d: {  	[tilespmem:s18+$0xD0] =	vst v0  }
0x1e: {  	[tilespmem:s18+$0xE0] =	vst v0  }
0x1f: {  	[spmem:s5] =	stream.linear.scatter [tilespmem:s13], [sflag:$0x1], $0x4000, $0x38;
	[tilespmem:$0x17C80] =	vst v63  }
0x20: {  	_ =	swait.ge [sflag:s14], $0x4000  }
0x21: {  	[sflag:s14] =	ssyncset.done $0x0  }
0x22: {  	[sflag:s14] =	ssyncadd.s32 $0xFFFFC000  }
0x23: {  	[spmem:s6] =	stream.linear.scatter [tilespmem:s13], [sflag:$0x1], $0x4000, $0x38;
	[tilespmem:$0x17C80] =	vst v63  }
0x24: {  	_ =	swait.ge [sflag:s14], $0x4000  }
0x25: {  	[sflag:s14] =	ssyncset.done $0x0  }
0x26: {  	[sflag:s14] =	ssyncadd.s32 $0xFFFFC000  }
0x27: {  	[spmem:s7] =	stream.linear.scatter [tilespmem:s13], [sflag:$0x1], $0x4000, $0x38;
	[tilespmem:$0x17C80] =	vst v63  }
0x28: {  	_ =	swait.ge [sflag:s14], $0x4000  }
0x29: {  	[sflag:s14] =	ssyncset.done $0x0  }
0x2a: {  	[sflag:s14] =	ssyncadd.s32 $0xFFFFC000  }
0x2b: {  	[spmem:s8] =	stream.linear.scatter [tilespmem:s13], [sflag:$0x1], $0x4000, $0x38;
	[tilespmem:$0x17C80] =	vst v63  }
0x2c: {  	_ =	swait.ge [sflag:s14], $0x4000  }
0x2d: {  	[sflag:s14] =	ssyncset.done $0x0  }
0x2e: {  	[sflag:s14] =	ssyncadd.s32 $0xFFFFC000  }
0x2f: {  	[spmem:s9] =	stream.linear.scatter [tilespmem:s13], [sflag:$0x1], $0x3C00, $0x38;
	[tilespmem:$0x17C80] =	vst v63  }
0x30: {  	_ =	swait.ge [sflag:s14], $0x3C00  }
0x31: {  	[sflag:s14] =	ssyncset.done $0x0  }
0x32: {  	s18 =	simm.s32 $0x0;
	s19 =	simm.s32 $0x200;
	[sflag:s14] =	ssyncadd.s32 $0xFFFFC400  }
.LBB2_4:
0x33: {  	p0 =	sne.s32 s19, $0xFE00;
	[tilespmem:s18+$0xF0] =	vst v1  }
0x34: {  	[tilespmem:s18+$0x80] =	vst v1  }
0x35: {  	[tilespmem:s18+$0x90] =	vst v1  }
.Ltmp1:
0x36: {  	[tilespmem:s18+$0xA0] =	vst v1;
	(pc) =	sbr.rel @p0 .LBB2_4-.Ltmp1, $4  }
0x37: {  	[tilespmem:s18+$0xB0] =	vst v1  }
0x38: {  	[tilespmem:s18+$0xC0] =	vst v1  }
0x39: {  	[tilespmem:s18+$0xD0] =	vst v1  }
0x3a: {  	[tilespmem:s18+$0xE0] =	vst v1;
	s18 =	sshra.s32 s19, $0x2;
	s19 =	sadd.s32 $0x200, s19  }
0x3b: {  	[tilespmem:s18+$0xF0] =	vst v1  }
0x3c: {  	[tilespmem:s18+$0x80] =	vst v1  }
0x3d: {  	[tilespmem:s18+$0x90] =	vst v1  }
0x3e: {  	[tilespmem:s18+$0xA0] =	vst v1;
	s19 =	simm.s32 $0x0  }
0x3f: {  	[tilespmem:s18+$0xB0] =	vst v1;
	s20 =	sand.u32 $0x3C00, s19  }
0x40: {  	[tilespmem:s18+$0xC0] =	vst v1;
	s19 =	sand.u32 $0x380, s19;
	s20 =	sadd.s32 s10, s20  }
0x41: {  	[tilespmem:s18+$0xD0] =	vst v1;
	s19 =	sor.u32 s19, s20  }
0x42: {  	[tilespmem:s18+$0xE0] =	vst v1;
	s28 =	sshrl.u32 s19, $0x3  }
0x43: {  	[bflag:$0x0] =	sbarrier.arrive $0xFFFF;
	s18 =	sadd.s32 s4, s28  }
0x44: {  	[tilespmem:s3], [sflag:$0x1] =	stream.linear.gather [hbm4b:s18+s3], $0x80, $0x38;
	[tilespmem:$0x17C80] =	vst v63  }
0x45: {  	_ =	swait.ge [sflag:s14], $0x80  }
0x46: {  	s29 =	simm.s32 $0x80;
	[sflag:s14] =	ssyncset.done $0x0  }
0x47: {  	s30 =	sand.u32 $0x3C00, s29;
	[sflag:s14] =	ssyncadd.s32 $0xFFFFFF80  }
0x48: {  	[spmem:s1] =	stream.indirect.scatter.add.f32 [tilespmem:s13], [sflag:$0x1], $0x80, s3, s13, $0xb8;
	[tilespmem:$0x17C80] =	vst v63  }
0x49: {  	s31 =	sand.u32 $0x380, s29;
	s19 =	sadd.s32 s10, s30;
	_ =	swait.ge [sflag:s14], $0x4000  }
0x4a: {  	s19 =	sor.u32 s31, s19;
	s18 =	simm.s32 $0x100;
	[sflag:s14] =	ssyncset.done $0x0  }
.LBB2_6:
0x4b: {  	s19 =	sshrl.u32 s19, $0x3  }
0x4c: {  	[sflag:s14] =	ssyncadd.s32 $0xFFFFC000;
	s20 =	smov.u32 s18;
	s21 =	sadd.s32 $0x80, s18  }
0x4d: {  	p0 =	sne.s32 s18, $0x2780;
	s18 =	sadd.s32 s4, s19  }
0x4e: {  	[tilespmem:s3], [sflag:$0x1] =	stream.linear.gather [hbm4b:s18+s3], $0x80, $0x38;
	[tilespmem:$0x17C80] =	vst v63  }
0x4f: {  	_ =	swait.ge [sflag:s14], $0x80  }
.Ltmp2:
0x50: {  	[sflag:s14] =	ssyncset.done $0x0;
	(pc) =	sbr.rel @p0 .LBB2_6-.Ltmp2, $4  }
0x51: {  	s18 =	sand.u32 $0x3C00, s20;
	[sflag:s14] =	ssyncadd.s32 $0xFFFFFF80  }
0x52: {  	[spmem:s1] =	stream.indirect.scatter.add.f32 [tilespmem:s13], [sflag:$0x1], $0x80, s3, s13, $0xb8;
	[tilespmem:$0x17C80] =	vst v63  }
0x53: {  	s19 =	sand.u32 $0x380, s20;
	s18 =	sadd.s32 s10, s18;
	_ =	swait.ge [sflag:s14], $0x4000  }
0x54: {  	s19 =	sor.u32 s19, s18;
	s18 =	smov.u32 s21;
	[sflag:s14] =	ssyncset.done $0x0  }
0x55: {  	s18 =	sshrl.u32 s19, $0x3  }
0x56: {  	[sflag:s14] =	ssyncadd.s32 $0xFFFFC000;
	s18 =	sadd.s32 s4, s18  }
0x57: {  	[tilespmem:s3], [sflag:$0x1] =	stream.linear.gather [hbm4b:s18+s3], $0x80, $0x38;
	[tilespmem:$0x17C80] =	vst v63  }
0x58: {  	_ =	swait.ge [sflag:s14], $0x80  }
0x59: {  	[sflag:s14] =	ssyncset.done $0x0  }
0x5a: {  	[sflag:s14] =	ssyncadd.s32 $0xFFFFFF80  }
0x5b: {  	[spmem:s1] =	stream.indirect.scatter.add.f32 [tilespmem:s13], [sflag:$0x1], $0x80, s3, s13, $0xb8;
	[tilespmem:$0x17C80] =	vst v63  }
0x5c: {  	_ =	swait.ge [sflag:s14], $0x4000  }
0x5d: {  	s17 =	sadd.s32 $0x1, s17;
	[sflag:s14] =	ssyncset.done $0x0  }
0x5e: {  	p0 =	sne.s32 s17, s12;
	[sflag:s14] =	ssyncadd.s32 $0xFFFFC000  }
.Ltmp3:
0x5f: {  	[bflag:$0x0] =	sbarrier.arrive $0xFFFF;
	(pc) =	sbr.rel @p0 .LBB2_1-.Ltmp3, $4  }
0x60: {  	[hbm:s11], [sflag:s15] =	dma.local [spmem:s16], $0x2780  }
0x61: {  	_ =	swait.ge [sflag:s14], $0x2780  }
0x62: {  	[sflag:s14] =	ssyncset.done $0x0  }
0x63: {  	[sflag:s14] =	ssyncadd.s32 $0xFFFFD880  }
0x64: {  	_ =	sfence.sel $0x180000  }
0x65: {  	[bflag:$0x0] =	sbarrier.arrive $0xFFFF  }
0x66: {  	p0 =	sne.s32 s2, $0x0;
	_ =	strace $0x9000004A  }
0x67: {  	s0 =	sadd.s32 @!p0 $0x100000, s0;
	[bflag:$0x2] =	sbarrier.arrive $0xFFFF  }
0x68: {  	[sflag:s0] =	ssyncadd.tile.s32 @!p0 $0x1;
	_ =	shalt  }
.Lfunc_end2:
_tile_overlayer_lowered:
.L_overlay_start_2:
0x69: {  	(tag) =	ssettag $0x2  }
0x6a: {  	s0 =	rddreg [dreg:$0x0];
	s2 =	stileid.u32  }
0x6b: {  	s1 =	rddreg [dreg:$0x1];
	p0 =	sne.s32 s2, $0x0  }
0x6c: {  	s3 =	rddreg [dreg:$0x2];
	[bflag:$0x3] =	sbarrier.arrive $0xFFFF;
	s2 =	simm.s32 @!p0 $0x1C01  }
0x6d: {  	[timem:s3], [sflag:s2] =	dma.local @!p0 [hbm:s0], s1  }
0x6e: {  	s0 =	simm.s32 @!p0 $0x1  }
0x6f: {  	_ =	swait.ge @!p0 [sflag:s0], s1  }
0x70: {  	s1 =	ssub.s32 @!p0 $0x0, s1;
	[sflag:s0] =	ssyncset.done @!p0 $0x0  }
0x71: {  	[sflag:s0] =	ssyncadd.s32 @!p0 s1  }
0x72: {  	[bflag:$0x3] =	sbarrier.arrive $0xFFFF  }
0x73: {  	_ =	shalt  }

// kernel: kernel.16.cloned.1.call-start
scs
__scs_entry_jumppad:
0x0: {  	(pc) =	sbr.rel $0x88, $3  }
0x1: {  	(tag) =	ssettag $0x0;
	lr =	simm.s32 $0x1  }
0x2: {  	[smem:$0x3F97] =	sst lr;
	_ =	strace $0xD0000000  }
0x3: {  	_ = 	snop  }
0x4: {  	_ = 	snop  }
0x5: {  	_ = 	snop  }
0x6: {  	_ = 	snop  }
0x7: {  	_ = 	snop  }
__scs_overlays_trampoline_lowered:
0x8: {  	[smem:$0x3FA6] =	sst s0  }
0x9: {  	[smem:$0x3FA7] =	sst s1  }
0xa: {  	[smem:$0x3FA8] =	sst s2  }
0xb: {  	[smem:$0x3FA9] =	sst s3  }
0xc: {  	[smem:$0x3FAA] =	sst s4  }
0xd: {  	[smem:$0x3FAB] =	sst s5  }
0xe: {  	[smem:$0x3FAC] =	sst s6  }
0xf: {  	[smem:$0x3FAD] =	sst s7  }
0x10: {  	[smem:$0x3FAE] =	sst s8  }
0x11: {  	[smem:$0x3FAF] =	sst s9;
	s0 =	simm.s32 @!p0 $0x0  }
0x12: {  	s1 =	sld [smem:$0x3F95];
	s0 =	simm.s32 @p0 $0x1  }
0x13: {  	[smem:$0x3FB0] =	sst s0;
	s0 =	simm.s32 @!p1 $0x0  }
0x14: {  	s2 =	sld [smem:$0x3F94];
	s0 =	simm.s32 @p1 $0x1  }
0x15: {  	[smem:$0x3FB1] =	sst s0;
	s0 =	simm.s32 @!p2 $0x0  }
0x16: {  	s3 =	sld [smem:$0x3FDB];
	s0 =	simm.s32 @p2 $0x1  }
0x17: {  	s4 =	simm.s32 $0x1BF5;
	[smem:$0x3FB3] =	sst s0  }
0x18: {  	s0 =	sld [smem:$0x3F96];
	_ =	swait.ge [sflag:s4], $0x0  }
0x19: {  	s7 =	sld [smem:$0x3F97]  }
0x1a: {  	s8 =	sadd.s32 $0xFFFFE003, lr  }
0x1b: {  	s9 =	sadd.s32 $0xFFFFFEF7, lr;
	s5 =	simm.s32 $0xFFFFFFFF;
	p2 =	slt.u32 s8, $0xFFFFF086  }
0x1c: {  	p1 =	slt.u32 s9, $0xF7A;
	s5 =	simm.s32 @!p2 $0x0  }
0x1d: {  	s5 =	simm.s32 @p1 $0x1;
	p0 =	seq.s32 s7, s2  }
0x1e: {  	s7 =	smul.u32 @!p0 $0xF7A, s2;
	p2 =	seq.s32 @!p0 s5, $0x0  }
0x1f: {  	s9 =	smul.u32 $0xF7A, s1;
	s8 =	simm.s32 @!p0 $0x1BF5;
	p2 =	por !p2, p0  }
0x20: {  	[sflag:s8] =	ssyncset.s32 @!p0 $0xFFFFF086;
	s6 =	sadd.s32 @!p0 s3, s7;
	s7 =	simm.s32 @!p0 $0x108  }
0x21: {  	s3 =	sadd.s32 s3, s9;
	s6 =	sadd.s32 @!p0 $0x88, s6;
	s7 =	simm.s32 @p2 $0x1082  }
0x22: {  	[simem:s7], [sflag:s8] =	dma.local @!p0 [hbm:s6], $0xF7A  }
0x23: {  	s9 =	sor.u32 $0xD0000000, s2;
	s6 =	simm.s32 $0x108;
	_ =	swait.ge @!p0 [sflag:s8], $0x0  }
0x24: {  	s3 =	sadd.s32 $0x88, s3;
	s6 =	simm.s32 @!p1 $0x1082;
	[sflag:s4] =	ssyncset.s32 $0xFFFFF086  }
0x25: {  	[simem:s6], [sflag:s4] =	dma.local [hbm:s3], $0xF7A  }
0x26: {  	[smem:$0x3F97] =	sst s1;
	(tag) =	ssettag s2;
	_ =	strace s9  }
0x27: {  	s1 =	sld [smem:$0x3FA7]  }
0x28: {  	s2 =	sld [smem:$0x3FA8]  }
0x29: {  	s4 =	sld [smem:$0x3FAA]  }
0x2a: {  	p0 =	seq.s32 s5, $0x0;
	s5 =	sld [smem:$0x3FAB]  }
0x2b: {  	s6 =	sld [smem:$0x3FAC]  }
0x2c: {  	s7 =	sld [smem:$0x3FAD]  }
0x2d: {  	s3 =	simm.s32 $0x108;
	s8 =	sld [smem:$0x3FAE]  }
0x2e: {  	s3 =	simm.s32 @!p0 $0x1082;
	s9 =	sld [smem:$0x3FAF]  }
0x2f: {  	lr =	sadd.s32 s0, s3;
	s0 =	sld [smem:$0x3FA6]  }
0x30: {  	s3 =	sld [smem:$0x3FA9]  }
0x31: {  	[smem:$0x3FB2] =	sst s10  }
0x32: {  	s10 =	sld [smem:$0x3FB0];
	_ =	sdelay $0x3  }
0x33: {  	p0 =	seq.s32 s10, $0x1;
	s10 =	sld [smem:$0x3FB2];
	_ =	sdelay $0x3  }
0x34: {  	[smem:$0x3FB2] =	sst s10  }
0x35: {  	s10 =	sld [smem:$0x3FB1];
	_ =	sdelay $0x3  }
0x36: {  	p1 =	seq.s32 s10, $0x1;
	s10 =	sld [smem:$0x3FB2];
	_ =	sdelay $0x3  }
0x37: {  	[smem:$0x3FB2] =	sst s10  }
0x38: {  	s10 =	sld [smem:$0x3FB3]  }
0x39: {  	_ = 	snop;
	(pc) =	sbr.ind lr, $3  }
0x3a: {  	_ = 	snop  }
0x3b: {  	_ = 	snop  }
0x3c: {  	p2 =	seq.s32 s10, $0x1;
	s10 =	sld [smem:$0x3FB2]  }
0x3d: {  	_ =	shalt  }
0x3e: {  	_ =	shalt  }
0x3f: {  	_ =	shalt  }
0x40: {  	_ =	shalt  }
0x41: {  	_ =	shalt  }
0x42: {  	_ =	shalt  }
0x43: {  	_ =	shalt  }
0x44: {  	_ =	shalt  }
0x45: {  	_ =	shalt  }
0x46: {  	_ =	shalt  }
0x47: {  	_ =	shalt  }
0x48: {  	_ =	shalt  }
0x49: {  	_ =	shalt  }
0x4a: {  	_ =	shalt  }
0x4b: {  	_ =	shalt  }
0x4c: {  	_ =	shalt  }
0x4d: {  	_ =	shalt  }
0x4e: {  	_ =	shalt  }
0x4f: {  	_ =	shalt  }
0x50: {  	_ =	shalt  }
0x51: {  	_ =	shalt  }
0x52: {  	_ =	shalt  }
0x53: {  	_ =	shalt  }
0x54: {  	_ =	shalt  }
0x55: {  	_ =	shalt  }
0x56: {  	_ =	shalt  }
0x57: {  	_ =	shalt  }
0x58: {  	_ =	shalt  }
0x59: {  	_ =	shalt  }
0x5a: {  	_ =	shalt  }
0x5b: {  	_ =	shalt  }
0x5c: {  	_ =	shalt  }
0x5d: {  	_ =	shalt  }
0x5e: {  	_ =	shalt  }
0x5f: {  	_ =	shalt  }
0x60: {  	_ =	shalt  }
0x61: {  	_ =	shalt  }
0x62: {  	_ =	shalt  }
0x63: {  	_ =	shalt  }
0x64: {  	_ =	shalt  }
0x65: {  	_ =	shalt  }
0x66: {  	_ =	shalt  }
0x67: {  	_ =	shalt  }
0x68: {  	_ =	shalt  }
0x69: {  	_ =	shalt  }
0x6a: {  	_ =	shalt  }
0x6b: {  	_ =	shalt  }
0x6c: {  	_ =	shalt  }
0x6d: {  	_ =	shalt  }
0x6e: {  	_ =	shalt  }
0x6f: {  	_ =	shalt  }
0x70: {  	_ =	shalt  }
0x71: {  	_ =	shalt  }
0x72: {  	_ =	shalt  }
0x73: {  	_ =	shalt  }
0x74: {  	_ =	shalt  }
0x75: {  	_ =	shalt  }
0x76: {  	_ =	shalt  }
0x77: {  	_ =	shalt  }
0x78: {  	_ =	shalt  }
0x79: {  	_ =	shalt  }
0x7a: {  	_ =	shalt  }
0x7b: {  	_ =	shalt  }
0x7c: {  	_ =	shalt  }
0x7d: {  	_ =	shalt  }
0x7e: {  	_ =	shalt  }
0x7f: {  	_ =	shalt  }
0x80: {  	_ =	shalt  }
0x81: {  	_ =	shalt  }
0x82: {  	_ =	shalt  }
0x83: {  	_ =	shalt  }
0x84: {  	_ =	shalt  }
0x85: {  	_ =	shalt  }
0x86: {  	_ =	shalt  }
0x87: {  	_ =	shalt  }
.Lfunc_end0:
.L_simem_size_0:
called_computation.2_lowered:
.L_overlay_start_0:
0x88: {  	s2 =	sld [smem:$0x3FD9]  }
0x89: {  	s3 =	sld [smem:$0x3FFE];
	_ =	sdelay $0x1  }
0x8a: {  	s1 =	srdreg.scid  }
0x8b: {  	s0 =	sand.u32 $0x1, s1  }
0x8c: {  	s17 =	sshll.u32 s0, $0xA;
	s2 =	sadd.s32 s3, s2  }
0x8d: {  	s2 =	sadd.s32 s2, s17  }
0x8e: {  	[smem:$0x3FBE] =	sst s2  }
0x8f: {  	_ = 	snop  }
0x90: {  	(tm) =	ssettm $0x1  }
0x91: {  	s18 =	sld [smem:$0x3FFB];
	_ =	sdelay $0x3  }
0x92: {  	_ =	strace s18  }
0x93: {  	s2 =	sld [smem:$0x3FFC];
	_ =	sdelay $0x3  }
0x94: {  	_ =	strace s2  }
0x95: {  	s2 =	sld [smem:$0x3FFD];
	_ =	sdelay $0x3  }
0x96: {  	_ =	strace s2  }
0x97: {  	_ =	strace $0x8FFFFFFF  }
0x98: {  	s19 =	sld [smem:$0x3FDB];
	_ =	sdelay $0x1  }
0x99: {  	s20 =	simm.s32 $_scs_section_size  }
0x9a: {  	s4 =	simm.s32 $_size__tile_overlayer_lowered;
	s5 =	simm.s32 $_tile_overlayer_lowered  }
0x9b: {  	s6 =	simm.s32 $0x1BFF;
	s21 =	sshll.u32 s5, $0x1;
	s3 =	sadd.s32 s20, s19  }
0x9c: {  	s22 =	simm.s32 $0x0;
	s4 =	sshll.u32 s4, $0x1;
	s5 =	sadd.s32 s21, s3  }
0x9d: {  	[timem:s22], [sflag:s6] =	dma.local [hbm:s5], s4  }
0x9e: {  	_ =	swait.ge [sflag:s6], s4  }
0x9f: {  	s4 =	ssub.s32 $0x0, s4;
	[sflag:s6] =	ssyncset.done $0x0  }
0xa0: {  	[sflag:s6] =	ssyncadd.s32 s4;
	_ =	sdelay $0x1  }
0xa1: {  	s23 =	simm.s32 $0x1B8B  }
0xa2: {  	_ =	swait.ge [sflag:s23], $0x1  }
0xa3: {  	[sflag:s23] =	ssyncset.done $0x0  }
0xa4: {  	[sflag:s23] =	ssyncadd.s32 $0xFFFFFFFF  }
0xa5: {  	s4 =	sld [smem:$0x0]  }
0xa6: {  	s5 =	sand.u32 $0xFFFFFFFE, s1  }
0xa7: {  	p0 =	sne.s32 s1, s5  }
0xa8: {  	s5 =	sshll.u32 @p0 s5, $0xE  }
0xa9: {  	s5 =	sadd.s32 @p0 $0x11B8D, s5;
	s6 =	sshll.u32 @p0 s4, $0x11  }
0xaa: {  	s5 =	sor.u32 @p0 s6, s5  }
0xab: {  	[sflag:s5] =	ssyncadd.remote.s32 @p0 $0x1;
	_ =	sdelay $0x1  }
0xac: {  	s5 =	simm.s32 @p0 $0x1B8D  }
0xad: {  	_ =	swait.eq @p0 [sflag:s5], $0x1  }
0xae: {  	[sflag:s5] =	ssyncadd.s32 @p0 $0xFFFFFFFF  }
0xaf: {  	s6 =	sshll.u32 @!p0 s1, $0xE  }
0xb0: {  	s6 =	sor.u32 @!p0 $0x4000, s6;
	s5 =	simm.s32 @!p0 $0x1B8D  }
0xb1: {  	s4 =	sshll.u32 @!p0 s4, $0x11;
	s6 =	sadd.s32 @!p0 $0x11B8D, s6;
	_ =	swait.eq @!p0 [sflag:s5], $0x1  }
0xb2: {  	s4 =	sor.u32 @!p0 s4, s6;
	[sflag:s5] =	ssyncadd.s32 @!p0 $0xFFFFFFFF  }
0xb3: {  	s25 =	simm.s32 $0x1B8E;
	s24 =	sld [smem:$0x3FFE];
	[sflag:s4] =	ssyncadd.remote.s32 @!p0 $0x1  }
0xb4: {  	s26 =	simm.s32 $execute0_lowered;
	[smem:$0x3FD2] =	sst s25  }
0xb5: {  	s5 =	sshll.u32 s26, $0x1;
	_ =	strace $0x8000004C;
	[dreg:$0x1] =	wrdreg $0xFFFFFFFF  }
0xb6: {  	s28 =	simm.s32 $_size_execute0_lowered;
	s3 =	sadd.s32 s3, s5;
	[dreg:$0x0] =	wrdreg $0x0  }
0xb7: {  	s5 =	sshll.u32 s28, $0x1;
	[dreg:$0x2] =	wrdreg s3  }
0xb8: {  	[dreg:$0x3] =	wrdreg s5  }
0xb9: {  	[dreg:$0x4] =	wrdreg $0xC0  }
0xba: {  	_ =	task [dreg:s22], $0x5FFFF  }
0xbb: {  	[dreg:$0x1] =	wrdreg $0xFFFFFFFF  }
0xbc: {  	[dreg:$0x0] =	wrdreg $0x60  }
0xbd: {  	[dreg:$0x2] =	wrdreg s24  }
0xbe: {  	[dreg:$0x3] =	wrdreg $0x84000  }
0xbf: {  	[dreg:$0x4] =	wrdreg $0xA  }
0xc0: {  	_ =	task.clear_ibuf [dreg:s22], $0x5FFFF;
	_ =	strace $0x9000004C  }
0xc1: {  	s29 =	simm.s32 $0xA;
	_ =	strace $0x8000004E  }
0xc2: {  	_ =	swait.ge [sflag:s29], $0x1  }
0xc3: {  	[sflag:s29] =	ssyncadd.s32 $0xFFFFFFFF  }
0xc4: {  	_ =	strace $0x9000004E  }
0xc5: {  	_ =	sfence  }
0xc6: {  	s30 =	sld [smem:$0x0];
	_ =	sdelay $0x2  }
0xc7: {  	s31 =	sshll.u32 s1, $0xD;
	s1 =	sshrl.u32 s1, $0x2  }
0xc8: {  	s4 =	sand.u32 $0x4000, s31;
	s1 =	sadd.s32 s1, s30  }
0xc9: {  	s0 =	sor.u32 s4, s0;
	s1 =	sshll.u32 s1, $0x11  }
0xca: {  	s0 =	sor.u32 s1, s0  }
0xcb: {  	s0 =	sadd.s32 $0x8F2B, s0  }
0xcc: {  	[sflag:s0] =	ssyncadd.remote.s32 $0x1  }
0xcd: {  	_ =	sfence.sel $0xFFFF  }
0xce: {  	[dreg:$0x0] =	wrdreg $0xFFFFFFFF;
	(pc) =	sbr.abs _section_cstart, $3  }
0xcf: {  	[dreg:$0x1] =	wrdreg $0xFFFFFFFF  }
0xd0: {  	_ =	task.clear_ibuf [dreg:s22], $0x2FFFF;
	_ =	strace $0x9FFFFFFF  }
0xd1: {  	(tm) =	ssettm $0x7FFFFFFF  }
tec
execute0_lowered:
.L_overlay_start_1:
0x0: {  	(tag) =	ssettag $0x1  }
0x1: {  	s6 =	rddreg [dreg:$0x0]  }
0x2: {  	s1 =	rddreg [dreg:$0x1]  }
0x3: {  	s2 =	srdreg.scid;
	s0 =	rddreg [dreg:$0x2];
	s3 =	simm.s32 $0x0  }
0x4: {  	s17 =	simm.s32 $0x80;
	s18 =	simm.s32 $0x4400;
	s19 =	simm.s32 $0x200  }
0x5: {  	s20 =	simm.s32 $0x1;
	s21 =	simm.s32 $0x100;
	s22 =	simm.s32 $0x2  }
0x6: {  	s23 =	simm.s32 $0x3;
	s24 =	simm.s32 $0x4;
	s25 =	simm.s32 $0x280  }
0x7: {  	s26 =	simm.s32 $0x300;
	s9 =	sand.u32 $0x1, s2;
	s2 =	stileid.u32  }
0x8: {  	s28 =	simm.s32 $0x0;
	[smem:$0x7FF] =	sst s3;
	s7 =	smul.u32 $0x140000, s9  }
0x9: {  	s4 =	sadd.s32 $0x2600, s6;
	s5 =	sadd.s32 $0xAD800, s6;
	s8 =	smul.u32 $0x13C00, s2  }
0xa: {  	s13 =	sadd.s32 $0x85600, s6;
	_ =	strace $0x8000004D;
	s29 =	smul.u32 $0x4F000, s2  }
0xb: {  	s30 =	ssub.s32 $0x2, s9;
	s31 =	sshll.u32 s9, $0x4;
	s15 =	smul.u32 $0x14000, s9  }
0xc: {  	s16 =	smul.u32 $0x1400, s2;
	s10 =	sshrl.u32 s30, $0x1;
	s7 =	sadd.s32 s8, s7  }
0xd: {  	s8 =	sshrl.u32 s29, $0x2;
	s14 =	ssub.s32 s30, s10;
	s7 =	sshrl.u32 s7, $0x3  }
0xe: {  	s12 =	sadd.s32 s7, s6;
	s7 =	sor.u32 s2, s31;
	s6 =	sadd.s32 s8, s1  }
0xf: {  	s15 =	sadd.s32 s15, s13;
	s11 =	smul.u32 $0x1400, s7;
	s7 =	sadd.s32 $0x4000, s6  }
0x10: {  	s8 =	sadd.s32 $0x8000, s6;
	s9 =	sadd.s32 $0xC000, s6;
	s10 =	sadd.s32 $0x10000, s6  }
0x11: {  	s12 =	sadd.s32 $0xAF600, s12;
	s11 =	sadd.s32 s13, s11;
	s13 =	smax.u32 s14, $0x1  }
0x12: {  	v0 =	vimm.f32 $0.0e+00;
	s14 =	sadd.s32 s16, s15;
	s15 =	simm.s32 $0x400;
	s16 =	simm.s32 $0x5  }
.LBB2_1:
0x13: {  	s29 =	simm.s32 $0x0;
	s30 =	simm.s32 $0x200  }
.LBB2_2:
0x14: {  	p0 =	sne.s32 s30, $0xFE00;
	[tilespmem:s29+$0x470] =	vst v0  }
0x15: {  	[tilespmem:s29+$0x400] =	vst v0  }
0x16: {  	[tilespmem:s29+$0x410] =	vst v0  }
.Ltmp0:
0x17: {  	[tilespmem:s29+$0x420] =	vst v0;
	(pc) =	sbr.rel @p0 .LBB2_2-.Ltmp0, $4  }
0x18: {  	[tilespmem:s29+$0x430] =	vst v0  }
0x19: {  	[tilespmem:s29+$0x440] =	vst v0  }
0x1a: {  	[tilespmem:s29+$0x450] =	vst v0  }
0x1b: {  	[tilespmem:s29+$0x460] =	vst v0;
	s29 =	sshra.s32 s30, $0x2;
	s30 =	sadd.s32 $0x200, s30  }
0x1c: {  	[tilespmem:s29+$0x470] =	vst v0  }
0x1d: {  	[tilespmem:s29+$0x400] =	vst v0  }
0x1e: {  	[tilespmem:s29+$0x410] =	vst v0  }
0x1f: {  	[tilespmem:s29+$0x420] =	vst v0  }
0x20: {  	[tilespmem:s29+$0x430] =	vst v0  }
0x21: {  	[tilespmem:s29+$0x440] =	vst v0  }
0x22: {  	[tilespmem:s29+$0x450] =	vst v0  }
0x23: {  	[tilespmem:s29+$0x460] =	vst v0  }
0x24: {  	[spmem:s6] =	stream.linear.scatter [tilespmem:s15], [sflag:$0x5], $0x4000, $0x38;
	[tilespmem:$0x1C000] =	vst v63  }
0x25: {  	_ =	swait.ge [sflag:s16], $0x4000  }
0x26: {  	[sflag:s16] =	ssyncset.done $0x0  }
0x27: {  	[sflag:s16] =	ssyncadd.s32 $0xFFFFC000  }
0x28: {  	[spmem:s7] =	stream.linear.scatter [tilespmem:s15], [sflag:$0x5], $0x4000, $0x38;
	[tilespmem:$0x1C000] =	vst v63  }
0x29: {  	_ =	swait.ge [sflag:s16], $0x4000  }
0x2a: {  	[sflag:s16] =	ssyncset.done $0x0  }
0x2b: {  	[sflag:s16] =	ssyncadd.s32 $0xFFFFC000  }
0x2c: {  	[spmem:s8] =	stream.linear.scatter [tilespmem:s15], [sflag:$0x5], $0x4000, $0x38;
	[tilespmem:$0x1C000] =	vst v63  }
0x2d: {  	_ =	swait.ge [sflag:s16], $0x4000  }
0x2e: {  	[sflag:s16] =	ssyncset.done $0x0  }
0x2f: {  	[sflag:s16] =	ssyncadd.s32 $0xFFFFC000  }
0x30: {  	[spmem:s9] =	stream.linear.scatter [tilespmem:s15], [sflag:$0x5], $0x4000, $0x38;
	[tilespmem:$0x1C000] =	vst v63  }
0x31: {  	_ =	swait.ge [sflag:s16], $0x4000  }
0x32: {  	[sflag:s16] =	ssyncset.done $0x0  }
0x33: {  	[sflag:s16] =	ssyncadd.s32 $0xFFFFC000  }
0x34: {  	[spmem:s10] =	stream.linear.scatter [tilespmem:s15], [sflag:$0x5], $0x3C00, $0x38;
	[tilespmem:$0x1C000] =	vst v63  }
0x35: {  	_ =	swait.ge [sflag:s16], $0x3C00  }
0x36: {  	[sflag:s16] =	ssyncset.done $0x0  }
0x37: {  	[sflag:s16] =	ssyncadd.s32 $0xFFFFC400  }
0x38: {  	[bflag:$0x0] =	sbarrier.arrive $0xFFFF  }
0x39: {  	[tilespmem:s3], [sflag:$0x5] =	stream.linear.gather [hbm4b:s11+s3], $0x180, $0x38;
	[tilespmem:$0x1C000] =	vst v63  }
0x3a: {  	_ =	swait.ge [sflag:s16], $0x180  }
0x3b: {  	[sflag:s16] =	ssyncset.done $0x0  }
0x3c: {  	[sflag:s16] =	ssyncadd.s32 $0xFFFFFE80  }
0x3d: {  	[tilespmem:s15], [sflag:$0x1] =	stream.indirect.gather [hbm4b:s4+s17], $0x80, s3, s17, $0xb8;
	[tilespmem:$0x1C000] =	vst v63  }
0x3e: {  	s29 =	sadd.s32 $0xFFFFEC00, s14  }
0x3f: {  	[tilespmem:s18], [sflag:$0x2] =	stream.indirect.gather [hbm4b:s5+s17], $0x80, s17, s17, $0xb8;
	[tilespmem:$0x1C000] =	vst v63  }
0x40: {  	s30 =	sadd.s32 $0x1440, s29  }
0x41: {  	[tilespmem:s19], [sflag:$0x5] =	stream.linear.gather [hbm4b:s30+s3], $0x180, $0x38;
	[tilespmem:$0x1C000] =	vst v63  }
0x42: {  	_ =	swait.ge [sflag:s16], $0x180  }
0x43: {  	[sflag:s16] =	ssyncset.done $0x0  }
0x44: {  	[sflag:s16] =	ssyncadd.s32 $0xFFFFFE80  }
0x45: {  	_ =	swait.ge [sflag:s20], $0x4000  }
0x46: {  	[sflag:s20] =	ssyncset.done $0x0  }
0x47: {  	[sflag:s20] =	ssyncadd.s32 $0xFFFFC000  }
0x48: {  	[spmem:s1] =	stream.indirect.scatter.add.f32 [tilespmem:s15], [sflag:$0x3], $0x80, s21, s17, $0xb8;
	[tilespmem:$0x1C000] =	vst v63  }
0x49: {  	_ =	swait.ge [sflag:s22], $0x4000  }
0x4a: {  	[sflag:s22] =	ssyncset.done $0x0  }
0x4b: {  	[sflag:s22] =	ssyncadd.s32 $0xFFFFC000  }
0x4c: {  	[spmem:s1] =	stream.indirect.scatter.add.f32 [tilespmem:s18], [sflag:$0x4], $0x80, s21, s17, $0xb8;
	[tilespmem:$0x1C000] =	vst v63  }
0x4d: {  	_ =	swait.ge [sflag:s23], $0x4000  }
0x4e: {  	[sflag:s23] =	ssyncset.done $0x0  }
0x4f: {  	[sflag:s23] =	ssyncadd.s32 $0xFFFFC000  }
0x50: {  	_ =	swait.ge [sflag:s24], $0x4000  }
0x51: {  	[sflag:s24] =	ssyncset.done $0x0  }
0x52: {  	[sflag:s24] =	ssyncadd.s32 $0xFFFFC000  }
0x53: {  	[tilespmem:s15], [sflag:$0x1] =	stream.indirect.gather [hbm4b:s4+s17], $0x80, s19, s17, $0xb8;
	[tilespmem:$0x1C000] =	vst v63  }
0x54: {  	_ = 	snop  }
0x55: {  	[tilespmem:s18], [sflag:$0x2] =	stream.indirect.gather [hbm4b:s5+s17], $0x80, s25, s17, $0xb8;
	[tilespmem:$0x1C000] =	vst v63  }
0x56: {  	s29 =	sadd.s32 $0x1480, s29  }
0x57: {  	[tilespmem:s3], [sflag:$0x5] =	stream.linear.gather [hbm4b:s29+s3], $0x180, $0x38;
	[tilespmem:$0x1C000] =	vst v63  }
0x58: {  	_ =	swait.ge [sflag:s16], $0x180  }
0x59: {  	[sflag:s16] =	ssyncset.done $0x0  }
0x5a: {  	[sflag:s16] =	ssyncadd.s32 $0xFFFFFE80  }
0x5b: {  	_ =	swait.ge [sflag:s20], $0x4000  }
0x5c: {  	[sflag:s20] =	ssyncset.done $0x0  }
0x5d: {  	[sflag:s20] =	ssyncadd.s32 $0xFFFFC000  }
0x5e: {  	[spmem:s1] =	stream.indirect.scatter.add.f32 [tilespmem:s15], [sflag:$0x3], $0x80, s26, s17, $0xb8;
	[tilespmem:$0x1C000] =	vst v63  }
0x5f: {  	_ =	swait.ge [sflag:s22], $0x4000  }
0x60: {  	[sflag:s22] =	ssyncset.done $0x0  }
0x61: {  	[sflag:s22] =	ssyncadd.s32 $0xFFFFC000  }
0x62: {  	[spmem:s1] =	stream.indirect.scatter.add.f32 [tilespmem:s18], [sflag:$0x4], $0x80, s26, s17, $0xb8;
	[tilespmem:$0x1C000] =	vst v63  }
0x63: {  	_ =	swait.ge [sflag:s23], $0x4000  }
0x64: {  	[sflag:s23] =	ssyncset.done $0x0  }
0x65: {  	[sflag:s23] =	ssyncadd.s32 $0xFFFFC000  }
0x66: {  	_ =	swait.ge [sflag:s24], $0x4000  }
0x67: {  	s29 =	simm.s32 $0xFFFFEC80;
	[sflag:s24] =	ssyncset.done $0x0  }
.LBB2_4:
0x68: {  	p0 =	sne.s32 s29, $0xFFFFFF80  }
0x69: {  	[sflag:s24] =	ssyncadd.s32 $0xFFFFC000;
	s30 =	smov.u32 s29;
	s29 =	sadd.s32 $0x80, s29  }
0x6a: {  	[tilespmem:s15], [sflag:$0x1] =	stream.indirect.gather [hbm4b:s4+s17], $0x80, s3, s17, $0xb8;
	[tilespmem:$0x1C000] =	vst v63  }
0x6b: {  	s30 =	sadd.s32 s30, s14  }
0x6c: {  	[tilespmem:s18], [sflag:$0x2] =	stream.indirect.gather [hbm4b:s5+s17], $0x80, s17, s17, $0xb8;
	[tilespmem:$0x1C000] =	vst v63  }
0x6d: {  	s31 =	sadd.s32 $0x1440, s30  }
0x6e: {  	[tilespmem:s19], [sflag:$0x5] =	stream.linear.gather [hbm4b:s31+s3], $0x180, $0x38;
	[tilespmem:$0x1C000] =	vst v63  }
0x6f: {  	_ =	swait.ge [sflag:s16], $0x180  }
0x70: {  	[sflag:s16] =	ssyncset.done $0x0  }
0x71: {  	[sflag:s16] =	ssyncadd.s32 $0xFFFFFE80  }
0x72: {  	_ =	swait.ge [sflag:s20], $0x4000  }
0x73: {  	[sflag:s20] =	ssyncset.done $0x0  }
0x74: {  	[sflag:s20] =	ssyncadd.s32 $0xFFFFC000  }
0x75: {  	[spmem:s1] =	stream.indirect.scatter.add.f32 [tilespmem:s15], [sflag:$0x3], $0x80, s21, s17, $0xb8;
	[tilespmem:$0x1C000] =	vst v63  }
0x76: {  	_ =	swait.ge [sflag:s22], $0x4000  }
0x77: {  	[sflag:s22] =	ssyncset.done $0x0  }
0x78: {  	[sflag:s22] =	ssyncadd.s32 $0xFFFFC000  }
0x79: {  	[spmem:s1] =	stream.indirect.scatter.add.f32 [tilespmem:s18], [sflag:$0x4], $0x80, s21, s17, $0xb8;
	[tilespmem:$0x1C000] =	vst v63  }
0x7a: {  	_ =	swait.ge [sflag:s23], $0x4000  }
0x7b: {  	[sflag:s23] =	ssyncset.done $0x0  }
0x7c: {  	[sflag:s23] =	ssyncadd.s32 $0xFFFFC000  }
0x7d: {  	_ =	swait.ge [sflag:s24], $0x4000  }
0x7e: {  	[sflag:s24] =	ssyncset.done $0x0  }
0x7f: {  	[sflag:s24] =	ssyncadd.s32 $0xFFFFC000  }
0x80: {  	[tilespmem:s15], [sflag:$0x1] =	stream.indirect.gather [hbm4b:s4+s17], $0x80, s19, s17, $0xb8;
	[tilespmem:$0x1C000] =	vst v63  }
0x81: {  	_ = 	snop  }
0x82: {  	[tilespmem:s18], [sflag:$0x2] =	stream.indirect.gather [hbm4b:s5+s17], $0x80, s25, s17, $0xb8;
	[tilespmem:$0x1C000] =	vst v63  }
0x83: {  	s30 =	sadd.s32 $0x1480, s30  }
0x84: {  	[tilespmem:s3], [sflag:$0x5] =	stream.linear.gather [hbm4b:s30+s3], $0x180, $0x38;
	[tilespmem:$0x1C000] =	vst v63  }
0x85: {  	_ =	swait.ge [sflag:s16], $0x180  }
0x86: {  	[sflag:s16] =	ssyncset.done $0x0  }
0x87: {  	[sflag:s16] =	ssyncadd.s32 $0xFFFFFE80  }
0x88: {  	_ =	swait.ge [sflag:s20], $0x4000  }
0x89: {  	[sflag:s20] =	ssyncset.done $0x0  }
0x8a: {  	[sflag:s20] =	ssyncadd.s32 $0xFFFFC000  }
0x8b: {  	[spmem:s1] =	stream.indirect.scatter.add.f32 [tilespmem:s15], [sflag:$0x3], $0x80, s26, s17, $0xb8;
	[tilespmem:$0x1C000] =	vst v63  }
0x8c: {  	_ =	swait.ge [sflag:s22], $0x4000  }
0x8d: {  	[sflag:s22] =	ssyncset.done $0x0  }
0x8e: {  	[sflag:s22] =	ssyncadd.s32 $0xFFFFC000  }
0x8f: {  	[spmem:s1] =	stream.indirect.scatter.add.f32 [tilespmem:s18], [sflag:$0x4], $0x80, s26, s17, $0xb8;
	[tilespmem:$0x1C000] =	vst v63  }
.Ltmp1:
0x90: {  	_ =	swait.ge [sflag:s23], $0x4000;
	(pc) =	sbr.rel @p0 .LBB2_4-.Ltmp1, $4  }
0x91: {  	[sflag:s23] =	ssyncset.done $0x0  }
0x92: {  	[sflag:s23] =	ssyncadd.s32 $0xFFFFC000  }
0x93: {  	_ =	swait.ge [sflag:s24], $0x4000  }
0x94: {  	[sflag:s24] =	ssyncset.done $0x0  }
0x95: {  	[sflag:s24] =	ssyncadd.s32 $0xFFFFC000;
	s28 =	sadd.s32 $0x1, s28  }
0x96: {  	s29 =	sshll.u32 s2, $0x6;
	s30 =	sshrl.u32 s6, $0x3;
	p0 =	sne.s32 s28, s13  }
.Ltmp2:
0x97: {  	[bflag:$0x0] =	sbarrier.arrive $0xFFFF;
	s29 =	sor.u32 $0x1C05, s29;
	(pc) =	sbr.rel @p0 .LBB2_1-.Ltmp2, $4  }
0x98: {  	[hbm:s12], [sflag:s29] =	dma.local [spmem:s30], $0x2780  }
0x99: {  	_ =	swait.ge [sflag:s16], $0x2780  }
0x9a: {  	[sflag:s16] =	ssyncset.done $0x0  }
0x9b: {  	[sflag:s16] =	ssyncadd.s32 $0xFFFFD880  }
0x9c: {  	_ =	sfence.sel $0x180000  }
0x9d: {  	[bflag:$0x0] =	sbarrier.arrive $0xFFFF  }
0x9e: {  	p0 =	sne.s32 s2, $0x0;
	_ =	strace $0x9000004D  }
0x9f: {  	s0 =	sadd.s32 @!p0 $0x100000, s0;
	[bflag:$0x2] =	sbarrier.arrive $0xFFFF  }
0xa0: {  	[sflag:s0] =	ssyncadd.tile.s32 @!p0 $0x1;
	_ =	shalt  }
.Lfunc_end2:
_tile_overlayer_lowered:
.L_overlay_start_2:
0xa1: {  	(tag) =	ssettag $0x2  }
0xa2: {  	s0 =	rddreg [dreg:$0x0];
	s2 =	stileid.u32  }
0xa3: {  	s1 =	rddreg [dreg:$0x1];
	p0 =	sne.s32 s2, $0x0  }
0xa4: {  	s3 =	rddreg [dreg:$0x2];
	[bflag:$0x3] =	sbarrier.arrive $0xFFFF;
	s2 =	simm.s32 @!p0 $0x1C05  }
0xa5: {  	[timem:s3], [sflag:s2] =	dma.local @!p0 [hbm:s0], s1  }
0xa6: {  	s0 =	simm.s32 @!p0 $0x5  }
0xa7: {  	_ =	swait.ge @!p0 [sflag:s0], s1  }
0xa8: {  	s1 =	ssub.s32 @!p0 $0x0, s1;
	[sflag:s0] =	ssyncset.done @!p0 $0x0  }
0xa9: {  	[sflag:s0] =	ssyncadd.s32 @!p0 s1  }
0xaa: {  	[bflag:$0x3] =	sbarrier.arrive $0xFFFF  }
0xab: {  	_ =	shalt  }

// kernel: kernel.19.cloned.1.call-start
scs
__scs_entry_jumppad:
0x0: {  	(pc) =	sbr.rel $0x88, $3  }
0x1: {  	(tag) =	ssettag $0x0;
	lr =	simm.s32 $0x1  }
0x2: {  	[smem:$0x3F97] =	sst lr;
	_ =	strace $0xD0000000  }
0x3: {  	_ = 	snop  }
0x4: {  	_ = 	snop  }
0x5: {  	_ = 	snop  }
0x6: {  	_ = 	snop  }
0x7: {  	_ = 	snop  }
__scs_overlays_trampoline_lowered:
0x8: {  	[smem:$0x3FA6] =	sst s0  }
0x9: {  	[smem:$0x3FA7] =	sst s1  }
0xa: {  	[smem:$0x3FA8] =	sst s2  }
0xb: {  	[smem:$0x3FA9] =	sst s3  }
0xc: {  	[smem:$0x3FAA] =	sst s4  }
0xd: {  	[smem:$0x3FAB] =	sst s5  }
0xe: {  	[smem:$0x3FAC] =	sst s6  }
0xf: {  	[smem:$0x3FAD] =	sst s7  }
0x10: {  	[smem:$0x3FAE] =	sst s8  }
0x11: {  	[smem:$0x3FAF] =	sst s9;
	s0 =	simm.s32 @!p0 $0x0  }
0x12: {  	s1 =	sld [smem:$0x3F95];
	s0 =	simm.s32 @p0 $0x1  }
0x13: {  	[smem:$0x3FB0] =	sst s0;
	s0 =	simm.s32 @!p1 $0x0  }
0x14: {  	s2 =	sld [smem:$0x3F94];
	s0 =	simm.s32 @p1 $0x1  }
0x15: {  	[smem:$0x3FB1] =	sst s0;
	s0 =	simm.s32 @!p2 $0x0  }
0x16: {  	s3 =	sld [smem:$0x3FDB];
	s0 =	simm.s32 @p2 $0x1  }
0x17: {  	s4 =	simm.s32 $0x1BF5;
	[smem:$0x3FB3] =	sst s0  }
0x18: {  	s0 =	sld [smem:$0x3F96];
	_ =	swait.ge [sflag:s4], $0x0  }
0x19: {  	s7 =	sld [smem:$0x3F97]  }
0x1a: {  	s8 =	sadd.s32 $0xFFFFE003, lr  }
0x1b: {  	s9 =	sadd.s32 $0xFFFFFEF7, lr;
	s5 =	simm.s32 $0xFFFFFFFF;
	p2 =	slt.u32 s8, $0xFFFFF086  }
0x1c: {  	p1 =	slt.u32 s9, $0xF7A;
	s5 =	simm.s32 @!p2 $0x0  }
0x1d: {  	s5 =	simm.s32 @p1 $0x1;
	p0 =	seq.s32 s7, s2  }
0x1e: {  	s7 =	smul.u32 @!p0 $0xF7A, s2;
	p2 =	seq.s32 @!p0 s5, $0x0  }
0x1f: {  	s9 =	smul.u32 $0xF7A, s1;
	s8 =	simm.s32 @!p0 $0x1BF5;
	p2 =	por !p2, p0  }
0x20: {  	[sflag:s8] =	ssyncset.s32 @!p0 $0xFFFFF086;
	s6 =	sadd.s32 @!p0 s3, s7;
	s7 =	simm.s32 @!p0 $0x108  }
0x21: {  	s3 =	sadd.s32 s3, s9;
	s6 =	sadd.s32 @!p0 $0x88, s6;
	s7 =	simm.s32 @p2 $0x1082  }
0x22: {  	[simem:s7], [sflag:s8] =	dma.local @!p0 [hbm:s6], $0xF7A  }
0x23: {  	s9 =	sor.u32 $0xD0000000, s2;
	s6 =	simm.s32 $0x108;
	_ =	swait.ge @!p0 [sflag:s8], $0x0  }
0x24: {  	s3 =	sadd.s32 $0x88, s3;
	s6 =	simm.s32 @!p1 $0x1082;
	[sflag:s4] =	ssyncset.s32 $0xFFFFF086  }
0x25: {  	[simem:s6], [sflag:s4] =	dma.local [hbm:s3], $0xF7A  }
0x26: {  	[smem:$0x3F97] =	sst s1;
	(tag) =	ssettag s2;
	_ =	strace s9  }
0x27: {  	s1 =	sld [smem:$0x3FA7]  }
0x28: {  	s2 =	sld [smem:$0x3FA8]  }
0x29: {  	s4 =	sld [smem:$0x3FAA]  }
0x2a: {  	p0 =	seq.s32 s5, $0x0;
	s5 =	sld [smem:$0x3FAB]  }
0x2b: {  	s6 =	sld [smem:$0x3FAC]  }
0x2c: {  	s7 =	sld [smem:$0x3FAD]  }
0x2d: {  	s3 =	simm.s32 $0x108;
	s8 =	sld [smem:$0x3FAE]  }
0x2e: {  	s3 =	simm.s32 @!p0 $0x1082;
	s9 =	sld [smem:$0x3FAF]  }
0x2f: {  	lr =	sadd.s32 s0, s3;
	s0 =	sld [smem:$0x3FA6]  }
0x30: {  	s3 =	sld [smem:$0x3FA9]  }
0x31: {  	[smem:$0x3FB2] =	sst s10  }
0x32: {  	s10 =	sld [smem:$0x3FB0];
	_ =	sdelay $0x3  }
0x33: {  	p0 =	seq.s32 s10, $0x1;
	s10 =	sld [smem:$0x3FB2];
	_ =	sdelay $0x3  }
0x34: {  	[smem:$0x3FB2] =	sst s10  }
0x35: {  	s10 =	sld [smem:$0x3FB1];
	_ =	sdelay $0x3  }
0x36: {  	p1 =	seq.s32 s10, $0x1;
	s10 =	sld [smem:$0x3FB2];
	_ =	sdelay $0x3  }
0x37: {  	[smem:$0x3FB2] =	sst s10  }
0x38: {  	s10 =	sld [smem:$0x3FB3]  }
0x39: {  	_ = 	snop;
	(pc) =	sbr.ind lr, $3  }
0x3a: {  	_ = 	snop  }
0x3b: {  	_ = 	snop  }
0x3c: {  	p2 =	seq.s32 s10, $0x1;
	s10 =	sld [smem:$0x3FB2]  }
0x3d: {  	_ =	shalt  }
0x3e: {  	_ =	shalt  }
0x3f: {  	_ =	shalt  }
0x40: {  	_ =	shalt  }
0x41: {  	_ =	shalt  }
0x42: {  	_ =	shalt  }
0x43: {  	_ =	shalt  }
0x44: {  	_ =	shalt  }
0x45: {  	_ =	shalt  }
0x46: {  	_ =	shalt  }
0x47: {  	_ =	shalt  }
0x48: {  	_ =	shalt  }
0x49: {  	_ =	shalt  }
0x4a: {  	_ =	shalt  }
0x4b: {  	_ =	shalt  }
0x4c: {  	_ =	shalt  }
0x4d: {  	_ =	shalt  }
0x4e: {  	_ =	shalt  }
0x4f: {  	_ =	shalt  }
0x50: {  	_ =	shalt  }
0x51: {  	_ =	shalt  }
0x52: {  	_ =	shalt  }
0x53: {  	_ =	shalt  }
0x54: {  	_ =	shalt  }
0x55: {  	_ =	shalt  }
0x56: {  	_ =	shalt  }
0x57: {  	_ =	shalt  }
0x58: {  	_ =	shalt  }
0x59: {  	_ =	shalt  }
0x5a: {  	_ =	shalt  }
0x5b: {  	_ =	shalt  }
0x5c: {  	_ =	shalt  }
0x5d: {  	_ =	shalt  }
0x5e: {  	_ =	shalt  }
0x5f: {  	_ =	shalt  }
0x60: {  	_ =	shalt  }
0x61: {  	_ =	shalt  }
0x62: {  	_ =	shalt  }
0x63: {  	_ =	shalt  }
0x64: {  	_ =	shalt  }
0x65: {  	_ =	shalt  }
0x66: {  	_ =	shalt  }
0x67: {  	_ =	shalt  }
0x68: {  	_ =	shalt  }
0x69: {  	_ =	shalt  }
0x6a: {  	_ =	shalt  }
0x6b: {  	_ =	shalt  }
0x6c: {  	_ =	shalt  }
0x6d: {  	_ =	shalt  }
0x6e: {  	_ =	shalt  }
0x6f: {  	_ =	shalt  }
0x70: {  	_ =	shalt  }
0x71: {  	_ =	shalt  }
0x72: {  	_ =	shalt  }
0x73: {  	_ =	shalt  }
0x74: {  	_ =	shalt  }
0x75: {  	_ =	shalt  }
0x76: {  	_ =	shalt  }
0x77: {  	_ =	shalt  }
0x78: {  	_ =	shalt  }
0x79: {  	_ =	shalt  }
0x7a: {  	_ =	shalt  }
0x7b: {  	_ =	shalt  }
0x7c: {  	_ =	shalt  }
0x7d: {  	_ =	shalt  }
0x7e: {  	_ =	shalt  }
0x7f: {  	_ =	shalt  }
0x80: {  	_ =	shalt  }
0x81: {  	_ =	shalt  }
0x82: {  	_ =	shalt  }
0x83: {  	_ =	shalt  }
0x84: {  	_ =	shalt  }
0x85: {  	_ =	shalt  }
0x86: {  	_ =	shalt  }
0x87: {  	_ =	shalt  }
.Lfunc_end0:
.L_simem_size_0:
called_computation.3_lowered:
.L_overlay_start_0:
0x88: {  	s2 =	sld [smem:$0x3FD9]  }
0x89: {  	s3 =	sld [smem:$0x3FFE];
	_ =	sdelay $0x1  }
0x8a: {  	s1 =	srdreg.scid  }
0x8b: {  	s0 =	sand.u32 $0x1, s1  }
0x8c: {  	s16 =	sshll.u32 s0, $0xA;
	s2 =	sadd.s32 s3, s2  }
0x8d: {  	s2 =	sadd.s32 s2, s16  }
0x8e: {  	[smem:$0x3FBE] =	sst s2  }
0x8f: {  	_ = 	snop  }
0x90: {  	(tm) =	ssettm $0x1  }
0x91: {  	s17 =	sld [smem:$0x3FFB];
	_ =	sdelay $0x3  }
0x92: {  	_ =	strace s17  }
0x93: {  	s2 =	sld [smem:$0x3FFC];
	_ =	sdelay $0x3  }
0x94: {  	_ =	strace s2  }
0x95: {  	s2 =	sld [smem:$0x3FFD];
	_ =	sdelay $0x3  }
0x96: {  	_ =	strace s2  }
0x97: {  	_ =	strace $0x8FFFFFFF  }
0x98: {  	s18 =	sld [smem:$0x3FDB];
	_ =	sdelay $0x1  }
0x99: {  	s19 =	simm.s32 $_scs_section_size  }
0x9a: {  	s4 =	simm.s32 $_size__tile_overlayer_lowered;
	s5 =	simm.s32 $_tile_overlayer_lowered  }
0x9b: {  	s22 =	simm.s32 $0x1BFF;
	s21 =	sshll.u32 s5, $0x1;
	s2 =	sadd.s32 s19, s18  }
0x9c: {  	s6 =	simm.s32 $0x0;
	s20 =	sshll.u32 s4, $0x1;
	s4 =	sadd.s32 s21, s2  }
0x9d: {  	[timem:s6], [sflag:s22] =	dma.local [hbm:s4], s20  }
0x9e: {  	_ =	swait.ge [sflag:s22], s20  }
0x9f: {  	s3 =	ssub.s32 $0x0, s20;
	[sflag:s22] =	ssyncset.done $0x0  }
0xa0: {  	[sflag:s22] =	ssyncadd.s32 s3;
	_ =	sdelay $0x1  }
0xa1: {  	s23 =	simm.s32 $0x1B8B  }
0xa2: {  	_ =	swait.ge [sflag:s23], $0x1  }
0xa3: {  	[sflag:s23] =	ssyncset.done $0x0  }
0xa4: {  	s25 =	simm.s32 $0x1B8E;
	s24 =	sld [smem:$0x3FFE];
	[sflag:s23] =	ssyncadd.s32 $0xFFFFFFFF  }
0xa5: {  	s26 =	simm.s32 $execute0_lowered;
	[smem:$0x3FD2] =	sst s25  }
0xa6: {  	s4 =	sshll.u32 s26, $0x1;
	_ =	strace $0x8000004F;
	[dreg:$0x1] =	wrdreg $0xFFFFFFFF  }
0xa7: {  	s28 =	simm.s32 $_size_execute0_lowered;
	s2 =	sadd.s32 s2, s4;
	[dreg:$0x0] =	wrdreg $0x0  }
0xa8: {  	s4 =	sshll.u32 s28, $0x1;
	[dreg:$0x2] =	wrdreg s2  }
0xa9: {  	[dreg:$0x3] =	wrdreg s4  }
0xaa: {  	[dreg:$0x4] =	wrdreg $0xC0  }
0xab: {  	_ =	task [dreg:s6], $0x5FFFF  }
0xac: {  	[dreg:$0x1] =	wrdreg $0xFFFFFFFF  }
0xad: {  	[dreg:$0x0] =	wrdreg $0x60  }
0xae: {  	[dreg:$0x2] =	wrdreg s24  }
0xaf: {  	[dreg:$0x3] =	wrdreg $0x84000  }
0xb0: {  	[dreg:$0x4] =	wrdreg $0x9  }
0xb1: {  	_ =	task.clear_ibuf [dreg:s6], $0x5FFFF;
	_ =	strace $0x9000004F  }
0xb2: {  	s29 =	simm.s32 $0x9;
	_ =	strace $0x80000051  }
0xb3: {  	_ =	swait.ge [sflag:s29], $0x1  }
0xb4: {  	[sflag:s29] =	ssyncadd.s32 $0xFFFFFFFF  }
0xb5: {  	_ =	strace $0x90000051  }
0xb6: {  	_ =	sfence  }
0xb7: {  	s30 =	sld [smem:$0x0];
	_ =	sdelay $0x2  }
0xb8: {  	s31 =	sshll.u32 s1, $0xD;
	s1 =	sshrl.u32 s1, $0x2  }
0xb9: {  	s3 =	sand.u32 $0x4000, s31;
	s1 =	sadd.s32 s1, s30  }
0xba: {  	s0 =	sor.u32 s3, s0;
	s1 =	sshll.u32 s1, $0x11  }
0xbb: {  	s0 =	sor.u32 s1, s0  }
0xbc: {  	s0 =	sadd.s32 $0x8F2B, s0  }
0xbd: {  	[sflag:s0] =	ssyncadd.remote.s32 $0x1  }
0xbe: {  	_ =	sfence.sel $0xFFFF  }
0xbf: {  	[dreg:$0x0] =	wrdreg $0xFFFFFFFF;
	(pc) =	sbr.abs _section_cstart, $3  }
0xc0: {  	[dreg:$0x1] =	wrdreg $0xFFFFFFFF  }
0xc1: {  	_ =	task.clear_ibuf [dreg:s6], $0x2FFFF;
	_ =	strace $0x9FFFFFFF  }
0xc2: {  	(tm) =	ssettm $0x7FFFFFFF  }
0xc3: {  	_ =	shalt  }
tec
execute0_lowered:
.L_overlay_start_1:
0x0: {  	(tag) =	ssettag $0x1  }
0x1: {  	s6 =	rddreg [dreg:$0x0]  }
0x2: {  	s1 =	rddreg [dreg:$0x1]  }
0x3: {  	s2 =	srdreg.scid;
	s0 =	rddreg [dreg:$0x2];
	s3 =	simm.s32 $0x0  }
0x4: {  	s17 =	simm.s32 $0x80;
	s18 =	simm.s32 $0x4400;
	s19 =	simm.s32 $0x200  }
0x5: {  	s20 =	simm.s32 $0x1;
	s21 =	simm.s32 $0x100;
	s22 =	simm.s32 $0x2  }
0x6: {  	s23 =	simm.s32 $0x3;
	s24 =	simm.s32 $0x4;
	s25 =	simm.s32 $0x280  }
0x7: {  	s26 =	simm.s32 $0x300;
	s9 =	sand.u32 $0x1, s2;
	s2 =	stileid.u32  }
0x8: {  	s28 =	simm.s32 $0x0;
	[smem:$0x7FF] =	sst s3;
	s7 =	smul.u32 $0x140000, s9  }
0x9: {  	s4 =	sadd.s32 $0x2600, s6;
	s5 =	sadd.s32 $0xAD800, s6;
	s8 =	smul.u32 $0x13C00, s2  }
0xa: {  	s13 =	sadd.s32 $0x85600, s6;
	_ =	strace $0x80000050;
	s29 =	smul.u32 $0x4F000, s2  }
0xb: {  	s30 =	ssub.s32 $0x2, s9;
	s31 =	sshll.u32 s9, $0x4;
	s15 =	smul.u32 $0x14000, s9  }
0xc: {  	s16 =	smul.u32 $0x1400, s2;
	s10 =	sshrl.u32 s30, $0x1;
	s7 =	sadd.s32 s8, s7  }
0xd: {  	s8 =	sshrl.u32 s29, $0x2;
	s14 =	ssub.s32 s30, s10;
	s7 =	sshrl.u32 s7, $0x3  }
0xe: {  	s12 =	sadd.s32 s7, s6;
	s7 =	sor.u32 s2, s31;
	s6 =	sadd.s32 s8, s1  }
0xf: {  	s15 =	sadd.s32 s15, s13;
	s11 =	smul.u32 $0x1400, s7;
	s7 =	sadd.s32 $0x4000, s6  }
0x10: {  	s8 =	sadd.s32 $0x8000, s6;
	s9 =	sadd.s32 $0xC000, s6;
	s10 =	sadd.s32 $0x10000, s6  }
0x11: {  	s12 =	sadd.s32 $0xAF600, s12;
	s11 =	sadd.s32 s13, s11;
	s13 =	smax.u32 s14, $0x1  }
0x12: {  	v0 =	vimm.f32 $0.0e+00;
	s14 =	sadd.s32 s16, s15;
	s15 =	simm.s32 $0x400;
	s16 =	simm.s32 $0x5  }
.LBB2_1:
0x13: {  	s29 =	simm.s32 $0x0;
	s30 =	simm.s32 $0x200  }
.LBB2_2:
0x14: {  	p0 =	sne.s32 s30, $0xFE00;
	[tilespmem:s29+$0x470] =	vst v0  }
0x15: {  	[tilespmem:s29+$0x400] =	vst v0  }
0x16: {  	[tilespmem:s29+$0x410] =	vst v0  }
.Ltmp0:
0x17: {  	[tilespmem:s29+$0x420] =	vst v0;
	(pc) =	sbr.rel @p0 .LBB2_2-.Ltmp0, $4  }
0x18: {  	[tilespmem:s29+$0x430] =	vst v0  }
0x19: {  	[tilespmem:s29+$0x440] =	vst v0  }
0x1a: {  	[tilespmem:s29+$0x450] =	vst v0  }
0x1b: {  	[tilespmem:s29+$0x460] =	vst v0;
	s29 =	sshra.s32 s30, $0x2;
	s30 =	sadd.s32 $0x200, s30  }
0x1c: {  	[tilespmem:s29+$0x470] =	vst v0  }
0x1d: {  	[tilespmem:s29+$0x400] =	vst v0  }
0x1e: {  	[tilespmem:s29+$0x410] =	vst v0  }
0x1f: {  	[tilespmem:s29+$0x420] =	vst v0  }
0x20: {  	[tilespmem:s29+$0x430] =	vst v0  }
0x21: {  	[tilespmem:s29+$0x440] =	vst v0  }
0x22: {  	[tilespmem:s29+$0x450] =	vst v0  }
0x23: {  	[tilespmem:s29+$0x460] =	vst v0  }
0x24: {  	[spmem:s6] =	stream.linear.scatter [tilespmem:s15], [sflag:$0x5], $0x4000, $0x38;
	[tilespmem:$0x1C000] =	vst v63  }
0x25: {  	_ =	swait.ge [sflag:s16], $0x4000  }
0x26: {  	[sflag:s16] =	ssyncset.done $0x0  }
0x27: {  	[sflag:s16] =	ssyncadd.s32 $0xFFFFC000  }
0x28: {  	[spmem:s7] =	stream.linear.scatter [tilespmem:s15], [sflag:$0x5], $0x4000, $0x38;
	[tilespmem:$0x1C000] =	vst v63  }
0x29: {  	_ =	swait.ge [sflag:s16], $0x4000  }
0x2a: {  	[sflag:s16] =	ssyncset.done $0x0  }
0x2b: {  	[sflag:s16] =	ssyncadd.s32 $0xFFFFC000  }
0x2c: {  	[spmem:s8] =	stream.linear.scatter [tilespmem:s15], [sflag:$0x5], $0x4000, $0x38;
	[tilespmem:$0x1C000] =	vst v63  }
0x2d: {  	_ =	swait.ge [sflag:s16], $0x4000  }
0x2e: {  	[sflag:s16] =	ssyncset.done $0x0  }
0x2f: {  	[sflag:s16] =	ssyncadd.s32 $0xFFFFC000  }
0x30: {  	[spmem:s9] =	stream.linear.scatter [tilespmem:s15], [sflag:$0x5], $0x4000, $0x38;
	[tilespmem:$0x1C000] =	vst v63  }
0x31: {  	_ =	swait.ge [sflag:s16], $0x4000  }
0x32: {  	[sflag:s16] =	ssyncset.done $0x0  }
0x33: {  	[sflag:s16] =	ssyncadd.s32 $0xFFFFC000  }
0x34: {  	[spmem:s10] =	stream.linear.scatter [tilespmem:s15], [sflag:$0x5], $0x3C00, $0x38;
	[tilespmem:$0x1C000] =	vst v63  }
0x35: {  	_ =	swait.ge [sflag:s16], $0x3C00  }
0x36: {  	[sflag:s16] =	ssyncset.done $0x0  }
0x37: {  	[sflag:s16] =	ssyncadd.s32 $0xFFFFC400  }
0x38: {  	[bflag:$0x0] =	sbarrier.arrive $0xFFFF  }
0x39: {  	[tilespmem:s3], [sflag:$0x5] =	stream.linear.gather [hbm4b:s11+s3], $0x180, $0x38;
	[tilespmem:$0x1C000] =	vst v63  }
0x3a: {  	_ =	swait.ge [sflag:s16], $0x180  }
0x3b: {  	[sflag:s16] =	ssyncset.done $0x0  }
0x3c: {  	[sflag:s16] =	ssyncadd.s32 $0xFFFFFE80  }
0x3d: {  	[tilespmem:s15], [sflag:$0x1] =	stream.indirect.gather [hbm4b:s4+s17], $0x80, s3, s17, $0xb8;
	[tilespmem:$0x1C000] =	vst v63  }
0x3e: {  	s29 =	sadd.s32 $0xFFFFEC00, s14  }
0x3f: {  	[tilespmem:s18], [sflag:$0x2] =	stream.indirect.gather [hbm4b:s5+s17], $0x80, s17, s17, $0xb8;
	[tilespmem:$0x1C000] =	vst v63  }
0x40: {  	s30 =	sadd.s32 $0x1440, s29  }
0x41: {  	[tilespmem:s19], [sflag:$0x5] =	stream.linear.gather [hbm4b:s30+s3], $0x180, $0x38;
	[tilespmem:$0x1C000] =	vst v63  }
0x42: {  	_ =	swait.ge [sflag:s16], $0x180  }
0x43: {  	[sflag:s16] =	ssyncset.done $0x0  }
0x44: {  	[sflag:s16] =	ssyncadd.s32 $0xFFFFFE80  }
0x45: {  	_ =	swait.ge [sflag:s20], $0x4000  }
0x46: {  	[sflag:s20] =	ssyncset.done $0x0  }
0x47: {  	[sflag:s20] =	ssyncadd.s32 $0xFFFFC000  }
0x48: {  	[spmem:s1] =	stream.indirect.scatter.add.f32 [tilespmem:s15], [sflag:$0x3], $0x80, s21, s17, $0xb8;
	[tilespmem:$0x1C000] =	vst v63  }
0x49: {  	_ =	swait.ge [sflag:s22], $0x4000  }
0x4a: {  	[sflag:s22] =	ssyncset.done $0x0  }
0x4b: {  	[sflag:s22] =	ssyncadd.s32 $0xFFFFC000  }
0x4c: {  	[spmem:s1] =	stream.indirect.scatter.add.f32 [tilespmem:s18], [sflag:$0x4], $0x80, s21, s17, $0xb8;
	[tilespmem:$0x1C000] =	vst v63  }
0x4d: {  	_ =	swait.ge [sflag:s23], $0x4000  }
0x4e: {  	[sflag:s23] =	ssyncset.done $0x0  }
0x4f: {  	[sflag:s23] =	ssyncadd.s32 $0xFFFFC000  }
0x50: {  	_ =	swait.ge [sflag:s24], $0x4000  }
0x51: {  	[sflag:s24] =	ssyncset.done $0x0  }
0x52: {  	[sflag:s24] =	ssyncadd.s32 $0xFFFFC000  }
0x53: {  	[tilespmem:s15], [sflag:$0x1] =	stream.indirect.gather [hbm4b:s4+s17], $0x80, s19, s17, $0xb8;
	[tilespmem:$0x1C000] =	vst v63  }
0x54: {  	_ = 	snop  }
0x55: {  	[tilespmem:s18], [sflag:$0x2] =	stream.indirect.gather [hbm4b:s5+s17], $0x80, s25, s17, $0xb8;
	[tilespmem:$0x1C000] =	vst v63  }
0x56: {  	s29 =	sadd.s32 $0x1480, s29  }
0x57: {  	[tilespmem:s3], [sflag:$0x5] =	stream.linear.gather [hbm4b:s29+s3], $0x180, $0x38;
	[tilespmem:$0x1C000] =	vst v63  }
0x58: {  	_ =	swait.ge [sflag:s16], $0x180  }
0x59: {  	[sflag:s16] =	ssyncset.done $0x0  }
0x5a: {  	[sflag:s16] =	ssyncadd.s32 $0xFFFFFE80  }
0x5b: {  	_ =	swait.ge [sflag:s20], $0x4000  }
0x5c: {  	[sflag:s20] =	ssyncset.done $0x0  }
0x5d: {  	[sflag:s20] =	ssyncadd.s32 $0xFFFFC000  }
0x5e: {  	[spmem:s1] =	stream.indirect.scatter.add.f32 [tilespmem:s15], [sflag:$0x3], $0x80, s26, s17, $0xb8;
	[tilespmem:$0x1C000] =	vst v63  }
0x5f: {  	_ =	swait.ge [sflag:s22], $0x4000  }
0x60: {  	[sflag:s22] =	ssyncset.done $0x0  }
0x61: {  	[sflag:s22] =	ssyncadd.s32 $0xFFFFC000  }
0x62: {  	[spmem:s1] =	stream.indirect.scatter.add.f32 [tilespmem:s18], [sflag:$0x4], $0x80, s26, s17, $0xb8;
	[tilespmem:$0x1C000] =	vst v63  }
0x63: {  	_ =	swait.ge [sflag:s23], $0x4000  }
0x64: {  	[sflag:s23] =	ssyncset.done $0x0  }
0x65: {  	[sflag:s23] =	ssyncadd.s32 $0xFFFFC000  }
0x66: {  	_ =	swait.ge [sflag:s24], $0x4000  }
0x67: {  	s29 =	simm.s32 $0xFFFFEC80;
	[sflag:s24] =	ssyncset.done $0x0  }
.LBB2_4:
0x68: {  	p0 =	sne.s32 s29, $0xFFFFFF80  }
0x69: {  	[sflag:s24] =	ssyncadd.s32 $0xFFFFC000;
	s30 =	smov.u32 s29;
	s29 =	sadd.s32 $0x80, s29  }
0x6a: {  	[tilespmem:s15], [sflag:$0x1] =	stream.indirect.gather [hbm4b:s4+s17], $0x80, s3, s17, $0xb8;
	[tilespmem:$0x1C000] =	vst v63  }
0x6b: {  	s30 =	sadd.s32 s30, s14  }
0x6c: {  	[tilespmem:s18], [sflag:$0x2] =	stream.indirect.gather [hbm4b:s5+s17], $0x80, s17, s17, $0xb8;
	[tilespmem:$0x1C000] =	vst v63  }
0x6d: {  	s31 =	sadd.s32 $0x1440, s30  }
0x6e: {  	[tilespmem:s19], [sflag:$0x5] =	stream.linear.gather [hbm4b:s31+s3], $0x180, $0x38;
	[tilespmem:$0x1C000] =	vst v63  }
0x6f: {  	_ =	swait.ge [sflag:s16], $0x180  }
0x70: {  	[sflag:s16] =	ssyncset.done $0x0  }
0x71: {  	[sflag:s16] =	ssyncadd.s32 $0xFFFFFE80  }
0x72: {  	_ =	swait.ge [sflag:s20], $0x4000  }
0x73: {  	[sflag:s20] =	ssyncset.done $0x0  }
0x74: {  	[sflag:s20] =	ssyncadd.s32 $0xFFFFC000  }
0x75: {  	[spmem:s1] =	stream.indirect.scatter.add.f32 [tilespmem:s15], [sflag:$0x3], $0x80, s21, s17, $0xb8;
	[tilespmem:$0x1C000] =	vst v63  }
0x76: {  	_ =	swait.ge [sflag:s22], $0x4000  }
0x77: {  	[sflag:s22] =	ssyncset.done $0x0  }
0x78: {  	[sflag:s22] =	ssyncadd.s32 $0xFFFFC000  }
0x79: {  	[spmem:s1] =	stream.indirect.scatter.add.f32 [tilespmem:s18], [sflag:$0x4], $0x80, s21, s17, $0xb8;
	[tilespmem:$0x1C000] =	vst v63  }
0x7a: {  	_ =	swait.ge [sflag:s23], $0x4000  }
0x7b: {  	[sflag:s23] =	ssyncset.done $0x0  }
0x7c: {  	[sflag:s23] =	ssyncadd.s32 $0xFFFFC000  }
0x7d: {  	_ =	swait.ge [sflag:s24], $0x4000  }
0x7e: {  	[sflag:s24] =	ssyncset.done $0x0  }
0x7f: {  	[sflag:s24] =	ssyncadd.s32 $0xFFFFC000  }
0x80: {  	[tilespmem:s15], [sflag:$0x1] =	stream.indirect.gather [hbm4b:s4+s17], $0x80, s19, s17, $0xb8;
	[tilespmem:$0x1C000] =	vst v63  }
0x81: {  	_ = 	snop  }
0x82: {  	[tilespmem:s18], [sflag:$0x2] =	stream.indirect.gather [hbm4b:s5+s17], $0x80, s25, s17, $0xb8;
	[tilespmem:$0x1C000] =	vst v63  }
0x83: {  	s30 =	sadd.s32 $0x1480, s30  }
0x84: {  	[tilespmem:s3], [sflag:$0x5] =	stream.linear.gather [hbm4b:s30+s3], $0x180, $0x38;
	[tilespmem:$0x1C000] =	vst v63  }
0x85: {  	_ =	swait.ge [sflag:s16], $0x180  }
0x86: {  	[sflag:s16] =	ssyncset.done $0x0  }
0x87: {  	[sflag:s16] =	ssyncadd.s32 $0xFFFFFE80  }
0x88: {  	_ =	swait.ge [sflag:s20], $0x4000  }
0x89: {  	[sflag:s20] =	ssyncset.done $0x0  }
0x8a: {  	[sflag:s20] =	ssyncadd.s32 $0xFFFFC000  }
0x8b: {  	[spmem:s1] =	stream.indirect.scatter.add.f32 [tilespmem:s15], [sflag:$0x3], $0x80, s26, s17, $0xb8;
	[tilespmem:$0x1C000] =	vst v63  }
0x8c: {  	_ =	swait.ge [sflag:s22], $0x4000  }
0x8d: {  	[sflag:s22] =	ssyncset.done $0x0  }
0x8e: {  	[sflag:s22] =	ssyncadd.s32 $0xFFFFC000  }
0x8f: {  	[spmem:s1] =	stream.indirect.scatter.add.f32 [tilespmem:s18], [sflag:$0x4], $0x80, s26, s17, $0xb8;
	[tilespmem:$0x1C000] =	vst v63  }
.Ltmp1:
0x90: {  	_ =	swait.ge [sflag:s23], $0x4000;
	(pc) =	sbr.rel @p0 .LBB2_4-.Ltmp1, $4  }
0x91: {  	[sflag:s23] =	ssyncset.done $0x0  }
0x92: {  	[sflag:s23] =	ssyncadd.s32 $0xFFFFC000  }
0x93: {  	_ =	swait.ge [sflag:s24], $0x4000  }
0x94: {  	[sflag:s24] =	ssyncset.done $0x0  }
0x95: {  	[sflag:s24] =	ssyncadd.s32 $0xFFFFC000;
	s28 =	sadd.s32 $0x1, s28  }
0x96: {  	s29 =	sshll.u32 s2, $0x6;
	s30 =	sshrl.u32 s6, $0x3;
	p0 =	sne.s32 s28, s13  }
.Ltmp2:
0x97: {  	[bflag:$0x0] =	sbarrier.arrive $0xFFFF;
	s29 =	sor.u32 $0x1C05, s29;
	(pc) =	sbr.rel @p0 .LBB2_1-.Ltmp2, $4  }
0x98: {  	[hbm:s12], [sflag:s29] =	dma.local [spmem:s30], $0x2780  }
0x99: {  	_ =	swait.ge [sflag:s16], $0x2780  }
0x9a: {  	[sflag:s16] =	ssyncset.done $0x0  }
0x9b: {  	[sflag:s16] =	ssyncadd.s32 $0xFFFFD880  }
0x9c: {  	_ =	sfence.sel $0x180000  }
0x9d: {  	[bflag:$0x0] =	sbarrier.arrive $0xFFFF  }
0x9e: {  	p0 =	sne.s32 s2, $0x0;
	_ =	strace $0x90000050  }
0x9f: {  	s0 =	sadd.s32 @!p0 $0x100000, s0;
	[bflag:$0x2] =	sbarrier.arrive $0xFFFF  }
0xa0: {  	[sflag:s0] =	ssyncadd.tile.s32 @!p0 $0x1;
	_ =	shalt  }
.Lfunc_end2:
_tile_overlayer_lowered:
.L_overlay_start_2:
0xa1: {  	(tag) =	ssettag $0x2  }
0xa2: {  	s0 =	rddreg [dreg:$0x0];
	s2 =	stileid.u32  }
0xa3: {  	s1 =	rddreg [dreg:$0x1];
	p0 =	sne.s32 s2, $0x0  }
0xa4: {  	s3 =	rddreg [dreg:$0x2];
	[bflag:$0x3] =	sbarrier.arrive $0xFFFF;
	s2 =	simm.s32 @!p0 $0x1C05  }
0xa5: {  	[timem:s3], [sflag:s2] =	dma.local @!p0 [hbm:s0], s1  }
0xa6: {  	s0 =	simm.s32 @!p0 $0x5  }
0xa7: {  	_ =	swait.ge @!p0 [sflag:s0], s1  }
0xa8: {  	s1 =	ssub.s32 @!p0 $0x0, s1;
	[sflag:s0] =	ssyncset.done @!p0 $0x0  }
0xa9: {  	[sflag:s0] =	ssyncadd.s32 @!p0 s1  }
0xaa: {  	[bflag:$0x3] =	sbarrier.arrive $0xFFFF  }
0xab: {  	_ =	shalt  }

</sc_bundles>
